<compile_context>
chip_gen: v7x
topology: tpu7x:2x2x1
jax: 0.10.2.dev20260603
libtpu: 0.0.44.dev20260713+nightly
codegen_flags: <defaults>
</compile_context>

<pallas_src>
import functools

import jax
import jax.numpy as jnp
from jax import lax
from jax.experimental import pallas as pl
from jax.experimental.pallas import tpu as pltpu
from jax.experimental.pallas import tpu_sc as plsc

N = 10000
E = 320000
D1 = 128
D2 = 16

NC, NS = 2, 16
NW = NC * NS
CH = 80
EPW = E // NW
NCHUNK = EPW // CH
RPT = N // NS
ZR = 25
NZ = RPT // ZR

_MESH = plsc.VectorSubcoreMesh(core_axis_name="c", subcore_axis_name="s")
_SC_PARAMS = pltpu.CompilerParams(use_tc_tiling_on_sc=False,
                                  skip_device_barrier=True)


def _zero_buf(buf, rows, d):
    z16 = jnp.zeros((16,), jnp.float32)

    def zrow(r, carry):
        for c8 in range(d // 16):
            buf[r, pl.ds(c8 * 16, 16)] = z16
        return carry

    lax.fori_loop(0, rows, zrow, 0)


@functools.partial(
    pl.kernel,
    out_type=jax.ShapeDtypeStruct((NC, 2, NS, RPT, 16), jnp.float32),
    mesh=_MESH,
    compiler_params=_SC_PARAMS,
    scratch_types=[
        pltpu.VMEM_SHARED((N, 16), jnp.float32),
        pltpu.VMEM_SHARED((N, 16), jnp.float32),
        pltpu.VMEM((CH, 16), jnp.float32),
        pltpu.VMEM((ZR, 16), jnp.float32),
        pltpu.VMEM((NCHUNK, CH), jnp.int32),
        pltpu.VMEM((NCHUNK, CH), jnp.int32),
        pltpu.SemaphoreType.DMA,
    ],
)
def _sc_degrees(src_hbm, dst_hbm, out_hbm, do_sh, di_sh, ones_v, zb_v, isrc_v, idst_v, sem):
    cid = lax.axis_index("c")
    sid = lax.axis_index("s")
    wid = sid * NC + cid

    one16 = jnp.ones((16,), jnp.float32)

    def orow(r, carry):
        ones_v[r, pl.ds(0, 16)] = one16
        return carry

    lax.fori_loop(0, CH, orow, 0)
    _zero_buf(zb_v, ZR, 16)

    pltpu.sync_copy(src_hbm.at[wid], isrc_v)
    pltpu.sync_copy(dst_hbm.at[wid], idst_v)

    def zcp(k, carry):
        r0 = sid * RPT + k * ZR
        pltpu.sync_copy(zb_v, do_sh.at[pl.ds(r0, ZR)])
        pltpu.sync_copy(zb_v, di_sh.at[pl.ds(r0, ZR)])
        return carry

    lax.fori_loop(0, NZ, zcp, 0)
    plsc.subcore_barrier()

    def fire(ci, carry):
        pltpu.async_copy(ones_v, do_sh.at[isrc_v.at[ci]], sem, add=True)
        pltpu.async_copy(ones_v, di_sh.at[idst_v.at[ci]], sem, add=True)
        return carry

    lax.fori_loop(0, NCHUNK, fire, 0)

    def drain(ci, carry):
        pltpu.make_async_copy(ones_v, do_sh.at[isrc_v.at[0]], sem).wait()
        return carry

    lax.fori_loop(0, 2 * NCHUNK, drain, 0)
    plsc.subcore_barrier()

    pltpu.sync_copy(do_sh.at[pl.ds(sid * RPT, RPT)], out_hbm.at[cid, 0, sid])
    pltpu.sync_copy(di_sh.at[pl.ds(sid * RPT, RPT)], out_hbm.at[cid, 1, sid])


def _make_sc_pass(d, ch, K):
    nchunk = EPW // ch

    @functools.partial(
        pl.kernel,
        out_type=jax.ShapeDtypeStruct((NC, NS, RPT, d), jnp.float32),
        mesh=_MESH,
        compiler_params=_SC_PARAMS,
        scratch_types=[
            pltpu.VMEM_SHARED((N, d), jnp.float32),
            pltpu.VMEM((K, ch, d), jnp.float32),
            pltpu.VMEM((ZR, d), jnp.float32),
            pltpu.VMEM((EPW,), jnp.int32),
            pltpu.VMEM((K, ch), jnp.int32),
            [pltpu.SemaphoreType.DMA] * K,
            [pltpu.SemaphoreType.DMA] * K,
            [pltpu.SemaphoreType.DMA] * K,
        ],
    )
    def k(y_hbm, src_hbm, dst_hbm, out_hbm, acc_sh, rows_v, zb_v, isrc_v, idst_v,
          gsems, ssems, isems):
        cid = lax.axis_index("c")
        sid = lax.axis_index("s")
        wid = sid * NC + cid

        pltpu.sync_copy(src_hbm.at[wid], isrc_v)
        _zero_buf(zb_v, ZR, d)

        def zcp(kk, carry):
            pltpu.sync_copy(zb_v, acc_sh.at[pl.ds(sid * RPT + kk * ZR, ZR)])
            return carry

        lax.fori_loop(0, NZ, zcp, 0)
        plsc.subcore_barrier()

        def _gather_args(ci, b):
            return (y_hbm.at[isrc_v.at[pl.ds(ci * ch, ch)]], rows_v.at[b],
                    gsems[b])

        def _didx_args(ci, b):
            return (dst_hbm.at[wid, ci], idst_v.at[b], isems[b])

        def _scatter_args(b):
            return (rows_v.at[b], acc_sh.at[idst_v.at[b]], ssems[b])

        for b in range(K):
            pltpu.async_copy(*_gather_args(b, b))
            pltpu.async_copy(*_didx_args(b, b))

        def body(g, carry):
            c0 = g * K
            for b in range(K):
                c = c0 + b

                @pl.when(c < nchunk)
                def _():
                    pltpu.make_async_copy(*_gather_args(c, b)).wait()
                    pltpu.make_async_copy(*_didx_args(c, b)).wait()
                    pltpu.async_copy(*_scatter_args(b), add=True)

            for b in range(K):
                c = c0 + b
                cn = c + K

                @pl.when(c < nchunk)
                def _():
                    pltpu.make_async_copy(*_scatter_args(b)).wait()

                @pl.when(cn < nchunk)
                def _():
                    pltpu.async_copy(*_gather_args(cn, b))
                    pltpu.async_copy(*_didx_args(cn, b))

            return carry

        lax.fori_loop(0, -(-nchunk // K), body, 0)
        plsc.subcore_barrier()

        pltpu.sync_copy(acc_sh.at[pl.ds(sid * RPT, RPT)], out_hbm.at[cid, sid])

    return k


_sc_pass128 = _make_sc_pass(D1, 40, 7)
_sc_pass16 = _make_sc_pass(D2, 80, 5)

_BM = 1000


def _ns_from(d_ref, which):
    cnt = d_ref[0, which][:, :1] + d_ref[1, which][:, :1]
    return lax.rsqrt(jnp.maximum(cnt, 1.0))


def _tc_mm1(x, W1):
    def body(x_ref, w_ref, o_ref):
        o_ref[...] = jnp.dot(x_ref[...], w_ref[...],
                             preferred_element_type=jnp.float32)

    return pl.pallas_call(
        body,
        grid=(N // _BM,),
        in_specs=[
            pl.BlockSpec((_BM, D1), lambda m: (m, 0)),
            pl.BlockSpec((D1, D1), lambda m: (0, 0)),
        ],
        out_specs=pl.BlockSpec((_BM, D1), lambda m: (m, 0)),
        out_shape=jax.ShapeDtypeStruct((N, D1), jnp.float32),
    )(x, W1)


def _tc_scale(y1, degp):
    def body(y_ref, d_ref, o_ref):
        o_ref[...] = y_ref[...] * _ns_from(d_ref, 0)

    return pl.pallas_call(
        body,
        grid=(N // _BM,),
        in_specs=[
            pl.BlockSpec((_BM, D1), lambda m: (m, 0)),
            pl.BlockSpec((2, 2, _BM, 16), lambda m: (0, 0, m, 0)),
        ],
        out_specs=pl.BlockSpec((_BM, D1), lambda m: (m, 0)),
        out_shape=jax.ShapeDtypeStruct((N, D1), jnp.float32),
    )(y1, degp)


def _tc2(aggp, degp, b1r, W2):
    def body(a_ref, d_ref, b_ref, w_ref, o_ref):
        agg = a_ref[0] + a_ref[1]
        nd = _ns_from(d_ref, 1)
        ns = _ns_from(d_ref, 0)
        h = jnp.maximum(agg * nd + b_ref[...], 0.0)
        o_ref[...] = jnp.dot(h * ns, w_ref[...],
                             preferred_element_type=jnp.float32)

    return pl.pallas_call(
        body,
        grid=(N // _BM,),
        in_specs=[
            pl.BlockSpec((2, _BM, D1), lambda m: (0, m, 0)),
            pl.BlockSpec((2, 2, _BM, 16), lambda m: (0, 0, m, 0)),
            pl.BlockSpec((1, D1), lambda m: (0, 0)),
            pl.BlockSpec((D1, D2), lambda m: (0, 0)),
        ],
        out_specs=pl.BlockSpec((_BM, D2), lambda m: (m, 0)),
        out_shape=jax.ShapeDtypeStruct((N, D2), jnp.float32),
    )(aggp, degp, b1r, W2)


def _tc3(aggp, degp, b2r):
    def body(a_ref, d_ref, b_ref, o_ref):
        agg = a_ref[0] + a_ref[1]
        nd = _ns_from(d_ref, 1)
        o_ref[...] = agg * nd + b_ref[...]

    return pl.pallas_call(
        body,
        grid=(N // _BM,),
        in_specs=[
            pl.BlockSpec((2, _BM, D2), lambda m: (0, m, 0)),
            pl.BlockSpec((2, 2, _BM, 16), lambda m: (0, 0, m, 0)),
            pl.BlockSpec((1, D2), lambda m: (0, 0)),
        ],
        out_specs=pl.BlockSpec((_BM, D2), lambda m: (m, 0)),
        out_shape=jax.ShapeDtypeStruct((N, D2), jnp.float32),
    )(aggp, degp, b2r)


def kernel(features, edge_index, W1, b1, W2, b2):
    src2 = edge_index[0].reshape(NW, EPW)
    src3 = edge_index[0].reshape(NW, NCHUNK, CH)
    dst3 = edge_index[1].reshape(NW, NCHUNK, CH)
    dst40 = edge_index[1].reshape(NW, EPW // 40, 40)
    y1 = _tc_mm1(features, W1)
    deg_parts = _sc_degrees(src3, dst3).reshape(NC, 2, N, 16)
    y1s = _tc_scale(y1, deg_parts)
    agg1 = _sc_pass128(y1s, src2, dst40).reshape(NC, N, D1)
    y2s = _tc2(agg1, deg_parts, b1.reshape(1, D1), W2)
    agg2 = _sc_pass16(y2s, src2, dst3).reshape(NC, N, D2)
    return _tc3(agg2, deg_parts, b2.reshape(1, D2))

# --- scband reference (transcript-rebuilt; emitter-appended) ---
"""Pipeline reference for scband-community-detection-7421703488232 (READ-ONLY COPY).

The authoritative reference and input builder live on the scoring server;
editing this copy changes nothing except your own understanding.
"""

import jax, jax.numpy as jnp
import numpy as np

N_NODES = 10000
N_EDGES = 320000
IN_FEATS = 128
HIDDEN_FEATS = 128
OUT_FEATS = 16


def setup_inputs(seed: int = 0) -> dict:
    key = jax.random.key(seed)
    k1, k2, k3, k4, k5, k6 = jax.random.split(key, 6)
    features = jax.random.normal(k1, (N_NODES, IN_FEATS), dtype=jnp.float32)
    edge_index = jax.random.randint(k2, (2, N_EDGES), 0, N_NODES, dtype=jnp.int32)
    W1 = jax.random.normal(k3, (IN_FEATS, HIDDEN_FEATS), dtype=jnp.float32) * (1.0 / np.sqrt(IN_FEATS))
    b1 = jnp.zeros((HIDDEN_FEATS,), dtype=jnp.float32)
    W2 = jax.random.normal(k4, (HIDDEN_FEATS, OUT_FEATS), dtype=jnp.float32) * (1.0 / np.sqrt(HIDDEN_FEATS))
    b2 = jnp.zeros((OUT_FEATS,), dtype=jnp.float32)
    return {"features": features, "edge_index": edge_index, "W1": W1, "b1": b1, "W2": W2, "b2": b2}


def reference(features, edge_index, W1, b1, W2, b2):
    # Two-layer GCN equivalent to dgl.nn.GraphConv(norm='both', bias=True) stacked with ReLU.
    N = features.shape[0]
    src = edge_index[0]
    dst = edge_index[1]
    deg_out = jnp.clip(jnp.bincount(src, length=N), 1, None)
    deg_in = jnp.clip(jnp.bincount(dst, length=N), 1, None)
    norm_src = deg_out.astype(features.dtype) ** -0.5
    norm_dst = deg_in.astype(features.dtype) ** -0.5

    def graph_conv(x, W, b):
        h = x * norm_src[:, None]          # scale by src-degree^-1/2
        m = jnp.take(h, src, axis=0)       # gather messages along edges
        agg = jax.ops.segment_sum(m, dst, num_segments=N)  # scatter-add to dst
        h = agg * norm_dst[:, None]        # scale by dst-degree^-1/2
        return h @ W + b

    h = jax.nn.relu(graph_conv(features, W1, b1))
    out = graph_conv(h, W2, b2)
    return out

if __name__ == "__main__":
    import jax
    _d = setup_inputs()
    print(jax.jit(kernel)(*tuple(_d.values())))

</pallas_src>

<mosaic_0001>
#map = affine_map<(d0, d1) -> (0, 0)>
#map1 = affine_map<(d0, d1) -> (0, 0, 0)>
#map2 = affine_map<(d0, d1) -> (0, 0, 0, 0)>
module attributes {stable_mosaic.version = 14 : i64} {
  func.func @k(%arg0: i32, %arg1: i32, %arg2: memref<10000x128xf32, #tpu.memory_space<hbm>>, %arg3: memref<32x10000xi32, #tpu.memory_space<hbm>>, %arg4: memref<32x250x40xi32, #tpu.memory_space<hbm>>, %arg5: memref<2x16x625x128xf32, #tpu.memory_space<hbm>>, %arg6: memref<10000x128xf32, #tpu.memory_space<vmem_shared>>, %arg7: memref<7x40x128xf32, #tpu.memory_space<vmem>>, %arg8: memref<25x128xf32, #tpu.memory_space<vmem>>, %arg9: memref<10000xi32, #tpu.memory_space<vmem>>, %arg10: memref<7x40xi32, #tpu.memory_space<vmem>>, %arg11: memref<!tpu.dma_semaphore, #tpu.memory_space<semaphore_mem>>, %arg12: memref<!tpu.dma_semaphore, #tpu.memory_space<semaphore_mem>>, %arg13: memref<!tpu.dma_semaphore, #tpu.memory_space<semaphore_mem>>, %arg14: memref<!tpu.dma_semaphore, #tpu.memory_space<semaphore_mem>>, %arg15: memref<!tpu.dma_semaphore, #tpu.memory_space<semaphore_mem>>, %arg16: memref<!tpu.dma_semaphore, #tpu.memory_space<semaphore_mem>>, %arg17: memref<!tpu.dma_semaphore, #tpu.memory_space<semaphore_mem>>, %arg18: memref<!tpu.dma_semaphore, #tpu.memory_space<semaphore_mem>>, %arg19: memref<!tpu.dma_semaphore, #tpu.memory_space<semaphore_mem>>, %arg20: memref<!tpu.dma_semaphore, #tpu.memory_space<semaphore_mem>>, %arg21: memref<!tpu.dma_semaphore, #tpu.memory_space<semaphore_mem>>, %arg22: memref<!tpu.dma_semaphore, #tpu.memory_space<semaphore_mem>>, %arg23: memref<!tpu.dma_semaphore, #tpu.memory_space<semaphore_mem>>, %arg24: memref<!tpu.dma_semaphore, #tpu.memory_space<semaphore_mem>>, %arg25: memref<!tpu.dma_semaphore, #tpu.memory_space<semaphore_mem>>, %arg26: memref<!tpu.dma_semaphore, #tpu.memory_space<semaphore_mem>>, %arg27: memref<!tpu.dma_semaphore, #tpu.memory_space<semaphore_mem>>, %arg28: memref<!tpu.dma_semaphore, #tpu.memory_space<semaphore_mem>>, %arg29: memref<!tpu.dma_semaphore, #tpu.memory_space<semaphore_mem>>, %arg30: memref<!tpu.dma_semaphore, #tpu.memory_space<semaphore_mem>>, %arg31: memref<!tpu.dma_semaphore, #tpu.memory_space<semaphore_mem>>) attributes {dimension_semantics = [#tpu.dimension_semantics<core_parallel>, #tpu.dimension_semantics<subcore_parallel>], iteration_bounds = array<i64: 2, 16>, scalar_prefetch = 0 : i64, scratch_operands = 26 : i64, tpu.core_type = #tpu.core_type<sc_vector_subcore>, window_params = [{transform_indices = #map}, {transform_indices = #map}, {transform_indices = #map1}, {transform_indices = #map2}]} {
    %mul3A = arith.constant 2 : i32
    %mul3A_0 = arith.muli %arg1, %mul3A : i32
    %add3A = arith.addi %mul3A_0, %arg0 : i32
    "tpu.region"() ({
      %run_scoped3A = tpu.sem_alloc : memref<!tpu.dma_semaphore, #tpu.memory_space<semaphore_mem>>
      %dma_start3A_189 = arith.constant 0 : i32
      %dma_start3A_190 = tpu.memref_slice %arg3[%add3A, %dma_start3A_189] : memref<32x10000xi32, #tpu.memory_space<hbm>> -> memref<1x10000xi32, #tpu.memory_space<hbm>>
      %dma_start3A_191 = tpu.memref_squeeze %dma_start3A_190 : memref<1x10000xi32, #tpu.memory_space<hbm>> -> memref<10000xi32, #tpu.memory_space<hbm>>
      %dma_start3A_192 = arith.constant 0 : i32
      %dma_start3A_193 = tpu.memref_slice %arg3[%add3A, %dma_start3A_192] : memref<32x10000xi32, #tpu.memory_space<hbm>> -> memref<1x10000xi32, #tpu.memory_space<hbm>>
      %dma_start3A_194 = tpu.memref_squeeze %dma_start3A_193 : memref<1x10000xi32, #tpu.memory_space<hbm>> -> memref<10000xi32, #tpu.memory_space<hbm>>
      tpu.enqueue_dma source(%dma_start3A_194 : memref<10000xi32, #tpu.memory_space<hbm>>) target(%arg9 : memref<10000xi32, #tpu.memory_space<vmem>>) target_semaphore(%run_scoped3A : memref<!tpu.dma_semaphore, #tpu.memory_space<semaphore_mem>>)
      %dma_wait3A = arith.constant 0 : i32
      %dma_wait3A_195 = tpu.memref_slice %arg3[%add3A, %dma_wait3A] : memref<32x10000xi32, #tpu.memory_space<hbm>> -> memref<1x10000xi32, #tpu.memory_space<hbm>>
      %dma_wait3A_196 = tpu.memref_squeeze %dma_wait3A_195 : memref<1x10000xi32, #tpu.memory_space<hbm>> -> memref<10000xi32, #tpu.memory_space<hbm>>
      %dma_wait3A_197 = arith.constant 0 : i32
      %dma_wait3A_198 = tpu.memref_slice %arg3[%add3A, %dma_wait3A_197] : memref<32x10000xi32, #tpu.memory_space<hbm>> -> memref<1x10000xi32, #tpu.memory_space<hbm>>
      %dma_wait3A_199 = tpu.memref_squeeze %dma_wait3A_198 : memref<1x10000xi32, #tpu.memory_space<hbm>> -> memref<10000xi32, #tpu.memory_space<hbm>>
      tpu.wait_dma2 semaphore(%run_scoped3A : memref<!tpu.dma_semaphore, #tpu.memory_space<semaphore_mem>>) src(%dma_wait3A_199 : memref<10000xi32, #tpu.memory_space<hbm>>) dst(%arg9 : memref<10000xi32, #tpu.memory_space<vmem>>)
      tpu.yield
    }) : () -> ()
    %broadcast_in_dim3A = arith.constant 0.000000e+00 : f32
    %broadcast_in_dim3A_1 = vector.broadcast %broadcast_in_dim3A : f32 to vector<16xf32>
    %scan3A = arith.constant 0 : i32
    %scan3A_2 = arith.constant 0 : i32
    %scan3A_3 = arith.constant 25 : i32
    %scan3A_4 = arith.addi %scan3A_2, %scan3A_3 : i32
    %scan3A_5 = arith.constant 1 : i32
    scf.for %scan3A_189 = %scan3A_2 to %scan3A_4 step %scan3A_5  : i32 {
      %swap3A = arith.index_cast %scan3A_189 : i32 to index
      %swap3A_190 = arith.constant 0 : index
      %swap3A_191 = tpu.vector_load %arg8[%swap3A, %swap3A_190] {strides = array<i32>} : memref<25x128xf32, #tpu.memory_space<vmem>>, vector<1x16xf32>,
      %swap3A_192 = vector.shape_cast %swap3A_191 : vector<1x16xf32> to vector<16xf32>
      %swap3A_193 = vector.shape_cast %broadcast_in_dim3A_1 : vector<16xf32> to vector<1x16xf32>
      tpu.vector_store %arg8[%swap3A, %swap3A_190], %swap3A_193 {strides = array<i32>} : memref<25x128xf32, #tpu.memory_space<vmem>>, vector<1x16xf32>,
      %swap3A_194 = arith.index_cast %scan3A_189 : i32 to index
      %swap3A_195 = arith.constant 16 : index
      %swap3A_196 = tpu.vector_load %arg8[%swap3A_194, %swap3A_195] {strides = array<i32>} : memref<25x128xf32, #tpu.memory_space<vmem>>, vector<1x16xf32>,
      %swap3A_197 = vector.shape_cast %swap3A_196 : vector<1x16xf32> to vector<16xf32>
      %swap3A_198 = vector.shape_cast %broadcast_in_dim3A_1 : vector<16xf32> to vector<1x16xf32>
      tpu.vector_store %arg8[%swap3A_194, %swap3A_195], %swap3A_198 {strides = array<i32>} : memref<25x128xf32, #tpu.memory_space<vmem>>, vector<1x16xf32>,
      %swap3A_199 = arith.index_cast %scan3A_189 : i32 to index
      %swap3A_200 = arith.constant 32 : index
      %swap3A_201 = tpu.vector_load %arg8[%swap3A_199, %swap3A_200] {strides = array<i32>} : memref<25x128xf32, #tpu.memory_space<vmem>>, vector<1x16xf32>,
      %swap3A_202 = vector.shape_cast %swap3A_201 : vector<1x16xf32> to vector<16xf32>
      %swap3A_203 = vector.shape_cast %broadcast_in_dim3A_1 : vector<16xf32> to vector<1x16xf32>
      tpu.vector_store %arg8[%swap3A_199, %swap3A_200], %swap3A_203 {strides = array<i32>} : memref<25x128xf32, #tpu.memory_space<vmem>>, vector<1x16xf32>,
      %swap3A_204 = arith.index_cast %scan3A_189 : i32 to index
      %swap3A_205 = arith.constant 48 : index
      %swap3A_206 = tpu.vector_load %arg8[%swap3A_204, %swap3A_205] {strides = array<i32>} : memref<25x128xf32, #tpu.memory_space<vmem>>, vector<1x16xf32>,
      %swap3A_207 = vector.shape_cast %swap3A_206 : vector<1x16xf32> to vector<16xf32>
      %swap3A_208 = vector.shape_cast %broadcast_in_dim3A_1 : vector<16xf32> to vector<1x16xf32>
      tpu.vector_store %arg8[%swap3A_204, %swap3A_205], %swap3A_208 {strides = array<i32>} : memref<25x128xf32, #tpu.memory_space<vmem>>, vector<1x16xf32>,
      %swap3A_209 = arith.index_cast %scan3A_189 : i32 to index
      %swap3A_210 = arith.constant 64 : index
      %swap3A_211 = tpu.vector_load %arg8[%swap3A_209, %swap3A_210] {strides = array<i32>} : memref<25x128xf32, #tpu.memory_space<vmem>>, vector<1x16xf32>,
      %swap3A_212 = vector.shape_cast %swap3A_211 : vector<1x16xf32> to vector<16xf32>
      %swap3A_213 = vector.shape_cast %broadcast_in_dim3A_1 : vector<16xf32> to vector<1x16xf32>
      tpu.vector_store %arg8[%swap3A_209, %swap3A_210], %swap3A_213 {strides = array<i32>} : memref<25x128xf32, #tpu.memory_space<vmem>>, vector<1x16xf32>,
      %swap3A_214 = arith.index_cast %scan3A_189 : i32 to index
      %swap3A_215 = arith.constant 80 : index
      %swap3A_216 = tpu.vector_load %arg8[%swap3A_214, %swap3A_215] {strides = array<i32>} : memref<25x128xf32, #tpu.memory_space<vmem>>, vector<1x16xf32>,
      %swap3A_217 = vector.shape_cast %swap3A_216 : vector<1x16xf32> to vector<16xf32>
      %swap3A_218 = vector.shape_cast %broadcast_in_dim3A_1 : vector<16xf32> to vector<1x16xf32>
      tpu.vector_store %arg8[%swap3A_214, %swap3A_215], %swap3A_218 {strides = array<i32>} : memref<25x128xf32, #tpu.memory_space<vmem>>, vector<1x16xf32>,
      %swap3A_219 = arith.index_cast %scan3A_189 : i32 to index
      %swap3A_220 = arith.constant 96 : index
      %swap3A_221 = tpu.vector_load %arg8[%swap3A_219, %swap3A_220] {strides = array<i32>} : memref<25x128xf32, #tpu.memory_space<vmem>>, vector<1x16xf32>,
      %swap3A_222 = vector.shape_cast %swap3A_221 : vector<1x16xf32> to vector<16xf32>
      %swap3A_223 = vector.shape_cast %broadcast_in_dim3A_1 : vector<16xf32> to vector<1x16xf32>
      tpu.vector_store %arg8[%swap3A_219, %swap3A_220], %swap3A_223 {strides = array<i32>} : memref<25x128xf32, #tpu.memory_space<vmem>>, vector<1x16xf32>,
      %swap3A_224 = arith.index_cast %scan3A_189 : i32 to index
      %swap3A_225 = arith.constant 112 : index
      %swap3A_226 = tpu.vector_load %arg8[%swap3A_224, %swap3A_225] {strides = array<i32>} : memref<25x128xf32, #tpu.memory_space<vmem>>, vector<1x16xf32>,
      %swap3A_227 = vector.shape_cast %swap3A_226 : vector<1x16xf32> to vector<16xf32>
      %swap3A_228 = vector.shape_cast %broadcast_in_dim3A_1 : vector<16xf32> to vector<1x16xf32>
      tpu.vector_store %arg8[%swap3A_224, %swap3A_225], %swap3A_228 {strides = array<i32>} : memref<25x128xf32, #tpu.memory_space<vmem>>, vector<1x16xf32>,
    }
    %scan3A_6 = arith.constant 25 : i32
    %scan3A_7 = arith.constant 0 : i32
    %scan3A_8 = arith.constant 0 : i32
    %scan3A_9 = arith.constant 25 : i32
    %scan3A_10 = arith.addi %scan3A_8, %scan3A_9 : i32
    %scan3A_11 = arith.constant 1 : i32
    scf.for %scan3A_189 = %scan3A_8 to %scan3A_10 step %scan3A_11  : i32 {
      %mul3A_190 = arith.constant 625 : i32
      %mul3A_191 = arith.muli %arg1, %mul3A_190 : i32
      %mul3A_192 = arith.constant 25 : i32
      %mul3A_193 = arith.muli %scan3A_189, %mul3A_192 : i32
      %add3A_194 = arith.addi %mul3A_191, %mul3A_193 : i32
      "tpu.region"() ({
        %run_scoped3A = tpu.sem_alloc : memref<!tpu.dma_semaphore, #tpu.memory_space<semaphore_mem>>
        %dma_start3A_195 = arith.constant 0 : i32
        %dma_start3A_196 = tpu.memref_slice %arg6[%add3A_194, %dma_start3A_195] : memref<10000x128xf32, #tpu.memory_space<vmem_shared>> -> memref<25x128xf32, #tpu.memory_space<vmem_shared>>
        %dma_start3A_197 = arith.constant 0 : i32
        %dma_start3A_198 = tpu.memref_slice %arg6[%add3A_194, %dma_start3A_197] : memref<10000x128xf32, #tpu.memory_space<vmem_shared>> -> memref<25x128xf32, #tpu.memory_space<vmem_shared>>
        tpu.enqueue_dma source(%arg8 : memref<25x128xf32, #tpu.memory_space<vmem>>) target(%dma_start3A_198 : memref<25x128xf32, #tpu.memory_space<vmem_shared>>) target_semaphore(%run_scoped3A : memref<!tpu.dma_semaphore, #tpu.memory_space<semaphore_mem>>)
        %dma_wait3A = arith.constant 0 : i32
        %dma_wait3A_199 = tpu.memref_slice %arg6[%add3A_194, %dma_wait3A] : memref<10000x128xf32, #tpu.memory_space<vmem_shared>> -> memref<25x128xf32, #tpu.memory_space<vmem_shared>>
        %dma_wait3A_200 = arith.constant 0 : i32
        %dma_wait3A_201 = tpu.memref_slice %arg6[%add3A_194, %dma_wait3A_200] : memref<10000x128xf32, #tpu.memory_space<vmem_shared>> -> memref<25x128xf32, #tpu.memory_space<vmem_shared>>
        tpu.wait_dma2 semaphore(%run_scoped3A : memref<!tpu.dma_semaphore, #tpu.memory_space<semaphore_mem>>) src(%arg8 : memref<25x128xf32, #tpu.memory_space<vmem>>) dst(%dma_wait3A_201 : memref<25x128xf32, #tpu.memory_space<vmem_shared>>)
        tpu.yield
      }) : () -> ()
    }
    %scan3A_12 = arith.constant 25 : i32
    %barrier3A = arith.constant 0 : index
    tpu.barrier barrier_id(%barrier3A)
    %dma_start3A = arith.constant 0 : i32
    %dma_start3A_13 = arith.constant 0 : i32
    %dma_start3A_14 = arith.constant 0 : i32
    %dma_start3A_15 = tpu.memref_slice %arg7[%dma_start3A, %dma_start3A_13, %dma_start3A_14] : memref<7x40x128xf32, #tpu.memory_space<vmem>> -> memref<1x40x128xf32, #tpu.memory_space<vmem>>
    %dma_start3A_16 = tpu.memref_squeeze %dma_start3A_15 : memref<1x40x128xf32, #tpu.memory_space<vmem>> -> memref<40x128xf32, #tpu.memory_space<vmem>>
    %dma_start3A_17 = arith.constant 0 : i32
    %dma_start3A_18 = tpu.memref_slice %arg9[%dma_start3A_17] : memref<10000xi32, #tpu.memory_space<vmem>> -> memref<40xi32, #tpu.memory_space<vmem>>
    %dma_start3A_19 = arith.constant 0 : i32
    %dma_start3A_20 = arith.constant 0 : i32
    %dma_start3A_21 = tpu.memref_slice %arg2[%dma_start3A_19, %dma_start3A_20] : memref<10000x128xf32, #tpu.memory_space<hbm>> -> memref<10000x128xf32, #tpu.memory_space<hbm>>
    tpu.enqueue_indirect_dma source(%dma_start3A_21 : memref<10000x128xf32, #tpu.memory_space<hbm>>) target(%dma_start3A_16 : memref<40x128xf32, #tpu.memory_space<vmem>>) offsets(%dma_start3A_18 : memref<40xi32, #tpu.memory_space<vmem>>) semaphore(%arg11 : memref<!tpu.dma_semaphore, #tpu.memory_space<semaphore_mem>>)
    %dma_start3A_22 = arith.constant 0 : i32
    %dma_start3A_23 = arith.constant 0 : i32
    %dma_start3A_24 = arith.constant 0 : i32
    %dma_start3A_25 = tpu.memref_slice %arg10[%dma_start3A_23, %dma_start3A_24] : memref<7x40xi32, #tpu.memory_space<vmem>> -> memref<1x40xi32, #tpu.memory_space<vmem>>
    %dma_start3A_26 = tpu.memref_squeeze %dma_start3A_25 : memref<1x40xi32, #tpu.memory_space<vmem>> -> memref<40xi32, #tpu.memory_space<vmem>>
    %dma_start3A_27 = arith.constant 0 : i32
    %dma_start3A_28 = tpu.memref_slice %arg4[%add3A, %dma_start3A_22, %dma_start3A_27] : memref<32x250x40xi32, #tpu.memory_space<hbm>> -> memref<1x1x40xi32, #tpu.memory_space<hbm>>
    %dma_start3A_29 = tpu.memref_squeeze %dma_start3A_28 : memref<1x1x40xi32, #tpu.memory_space<hbm>> -> memref<40xi32, #tpu.memory_space<hbm>>
    %dma_start3A_30 = arith.constant 0 : i32
    %dma_start3A_31 = tpu.memref_slice %arg10[%dma_start3A_23, %dma_start3A_30] : memref<7x40xi32, #tpu.memory_space<vmem>> -> memref<1x40xi32, #tpu.memory_space<vmem>>
    %dma_start3A_32 = tpu.memref_squeeze %dma_start3A_31 : memref<1x40xi32, #tpu.memory_space<vmem>> -> memref<40xi32, #tpu.memory_space<vmem>>
    %dma_start3A_33 = arith.constant 0 : i32
    %dma_start3A_34 = tpu.memref_slice %arg4[%add3A, %dma_start3A_22, %dma_start3A_33] : memref<32x250x40xi32, #tpu.memory_space<hbm>> -> memref<1x1x40xi32, #tpu.memory_space<hbm>>
    %dma_start3A_35 = tpu.memref_squeeze %dma_start3A_34 : memref<1x1x40xi32, #tpu.memory_space<hbm>> -> memref<40xi32, #tpu.memory_space<hbm>>
    tpu.enqueue_dma source(%dma_start3A_35 : memref<40xi32, #tpu.memory_space<hbm>>) target(%dma_start3A_32 : memref<40xi32, #tpu.memory_space<vmem>>) target_semaphore(%arg25 : memref<!tpu.dma_semaphore, #tpu.memory_space<semaphore_mem>>)
    %dma_start3A_36 = arith.constant 1 : i32
    %dma_start3A_37 = arith.constant 0 : i32
    %dma_start3A_38 = arith.constant 0 : i32
    %dma_start3A_39 = tpu.memref_slice %arg7[%dma_start3A_36, %dma_start3A_37, %dma_start3A_38] : memref<7x40x128xf32, #tpu.memory_space<vmem>> -> memref<1x40x128xf32, #tpu.memory_space<vmem>>
    %dma_start3A_40 = tpu.memref_squeeze %dma_start3A_39 : memref<1x40x128xf32, #tpu.memory_space<vmem>> -> memref<40x128xf32, #tpu.memory_space<vmem>>
    %dma_start3A_41 = arith.constant 40 : i32
    %dma_start3A_42 = tpu.memref_slice %arg9[%dma_start3A_41] : memref<10000xi32, #tpu.memory_space<vmem>> -> memref<40xi32, #tpu.memory_space<vmem>>
    %dma_start3A_43 = arith.constant 0 : i32
    %dma_start3A_44 = arith.constant 0 : i32
    %dma_start3A_45 = tpu.memref_slice %arg2[%dma_start3A_43, %dma_start3A_44] : memref<10000x128xf32, #tpu.memory_space<hbm>> -> memref<10000x128xf32, #tpu.memory_space<hbm>>
    tpu.enqueue_indirect_dma source(%dma_start3A_45 : memref<10000x128xf32, #tpu.memory_space<hbm>>) target(%dma_start3A_40 : memref<40x128xf32, #tpu.memory_space<vmem>>) offsets(%dma_start3A_42 : memref<40xi32, #tpu.memory_space<vmem>>) semaphore(%arg12 : memref<!tpu.dma_semaphore, #tpu.memory_space<semaphore_mem>>)
    %dma_start3A_46 = arith.constant 1 : i32
    %dma_start3A_47 = arith.constant 1 : i32
    %dma_start3A_48 = arith.constant 0 : i32
    %dma_start3A_49 = tpu.memref_slice %arg10[%dma_start3A_47, %dma_start3A_48] : memref<7x40xi32, #tpu.memory_space<vmem>> -> memref<1x40xi32, #tpu.memory_space<vmem>>
    %dma_start3A_50 = tpu.memref_squeeze %dma_start3A_49 : memref<1x40xi32, #tpu.memory_space<vmem>> -> memref<40xi32, #tpu.memory_space<vmem>>
    %dma_start3A_51 = arith.constant 0 : i32
    %dma_start3A_52 = tpu.memref_slice %arg4[%add3A, %dma_start3A_46, %dma_start3A_51] : memref<32x250x40xi32, #tpu.memory_space<hbm>> -> memref<1x1x40xi32, #tpu.memory_space<hbm>>
    %dma_start3A_53 = tpu.memref_squeeze %dma_start3A_52 : memref<1x1x40xi32, #tpu.memory_space<hbm>> -> memref<40xi32, #tpu.memory_space<hbm>>
    %dma_start3A_54 = arith.constant 0 : i32
    %dma_start3A_55 = tpu.memref_slice %arg10[%dma_start3A_47, %dma_start3A_54] : memref<7x40xi32, #tpu.memory_space<vmem>> -> memref<1x40xi32, #tpu.memory_space<vmem>>
    %dma_start3A_56 = tpu.memref_squeeze %dma_start3A_55 : memref<1x40xi32, #tpu.memory_space<vmem>> -> memref<40xi32, #tpu.memory_space<vmem>>
    %dma_start3A_57 = arith.constant 0 : i32
    %dma_start3A_58 = tpu.memref_slice %arg4[%add3A, %dma_start3A_46, %dma_start3A_57] : memref<32x250x40xi32, #tpu.memory_space<hbm>> -> memref<1x1x40xi32, #tpu.memory_space<hbm>>
    %dma_start3A_59 = tpu.memref_squeeze %dma_start3A_58 : memref<1x1x40xi32, #tpu.memory_space<hbm>> -> memref<40xi32, #tpu.memory_space<hbm>>
    tpu.enqueue_dma source(%dma_start3A_59 : memref<40xi32, #tpu.memory_space<hbm>>) target(%dma_start3A_56 : memref<40xi32, #tpu.memory_space<vmem>>) target_semaphore(%arg26 : memref<!tpu.dma_semaphore, #tpu.memory_space<semaphore_mem>>)
    %dma_start3A_60 = arith.constant 2 : i32
    %dma_start3A_61 = arith.constant 0 : i32
    %dma_start3A_62 = arith.constant 0 : i32
    %dma_start3A_63 = tpu.memref_slice %arg7[%dma_start3A_60, %dma_start3A_61, %dma_start3A_62] : memref<7x40x128xf32, #tpu.memory_space<vmem>> -> memref<1x40x128xf32, #tpu.memory_space<vmem>>
    %dma_start3A_64 = tpu.memref_squeeze %dma_start3A_63 : memref<1x40x128xf32, #tpu.memory_space<vmem>> -> memref<40x128xf32, #tpu.memory_space<vmem>>
    %dma_start3A_65 = arith.constant 80 : i32
    %dma_start3A_66 = tpu.memref_slice %arg9[%dma_start3A_65] : memref<10000xi32, #tpu.memory_space<vmem>> -> memref<40xi32, #tpu.memory_space<vmem>>
    %dma_start3A_67 = arith.constant 0 : i32
    %dma_start3A_68 = arith.constant 0 : i32
    %dma_start3A_69 = tpu.memref_slice %arg2[%dma_start3A_67, %dma_start3A_68] : memref<10000x128xf32, #tpu.memory_space<hbm>> -> memref<10000x128xf32, #tpu.memory_space<hbm>>
    tpu.enqueue_indirect_dma source(%dma_start3A_69 : memref<10000x128xf32, #tpu.memory_space<hbm>>) target(%dma_start3A_64 : memref<40x128xf32, #tpu.memory_space<vmem>>) offsets(%dma_start3A_66 : memref<40xi32, #tpu.memory_space<vmem>>) semaphore(%arg13 : memref<!tpu.dma_semaphore, #tpu.memory_space<semaphore_mem>>)
    %dma_start3A_70 = arith.constant 2 : i32
    %dma_start3A_71 = arith.constant 2 : i32
    %dma_start3A_72 = arith.constant 0 : i32
    %dma_start3A_73 = tpu.memref_slice %arg10[%dma_start3A_71, %dma_start3A_72] : memref<7x40xi32, #tpu.memory_space<vmem>> -> memref<1x40xi32, #tpu.memory_space<vmem>>
    %dma_start3A_74 = tpu.memref_squeeze %dma_start3A_73 : memref<1x40xi32, #tpu.memory_space<vmem>> -> memref<40xi32, #tpu.memory_space<vmem>>
    %dma_start3A_75 = arith.constant 0 : i32
    %dma_start3A_76 = tpu.memref_slice %arg4[%add3A, %dma_start3A_70, %dma_start3A_75] : memref<32x250x40xi32, #tpu.memory_space<hbm>> -> memref<1x1x40xi32, #tpu.memory_space<hbm>>
    %dma_start3A_77 = tpu.memref_squeeze %dma_start3A_76 : memref<1x1x40xi32, #tpu.memory_space<hbm>> -> memref<40xi32, #tpu.memory_space<hbm>>
    %dma_start3A_78 = arith.constant 0 : i32
    %dma_start3A_79 = tpu.memref_slice %arg10[%dma_start3A_71, %dma_start3A_78] : memref<7x40xi32, #tpu.memory_space<vmem>> -> memref<1x40xi32, #tpu.memory_space<vmem>>
    %dma_start3A_80 = tpu.memref_squeeze %dma_start3A_79 : memref<1x40xi32, #tpu.memory_space<vmem>> -> memref<40xi32, #tpu.memory_space<vmem>>
    %dma_start3A_81 = arith.constant 0 : i32
    %dma_start3A_82 = tpu.memref_slice %arg4[%add3A, %dma_start3A_70, %dma_start3A_81] : memref<32x250x40xi32, #tpu.memory_space<hbm>> -> memref<1x1x40xi32, #tpu.memory_space<hbm>>
    %dma_start3A_83 = tpu.memref_squeeze %dma_start3A_82 : memref<1x1x40xi32, #tpu.memory_space<hbm>> -> memref<40xi32, #tpu.memory_space<hbm>>
    tpu.enqueue_dma source(%dma_start3A_83 : memref<40xi32, #tpu.memory_space<hbm>>) target(%dma_start3A_80 : memref<40xi32, #tpu.memory_space<vmem>>) target_semaphore(%arg27 : memref<!tpu.dma_semaphore, #tpu.memory_space<semaphore_mem>>)
    %dma_start3A_84 = arith.constant 3 : i32
    %dma_start3A_85 = arith.constant 0 : i32
    %dma_start3A_86 = arith.constant 0 : i32
    %dma_start3A_87 = tpu.memref_slice %arg7[%dma_start3A_84, %dma_start3A_85, %dma_start3A_86] : memref<7x40x128xf32, #tpu.memory_space<vmem>> -> memref<1x40x128xf32, #tpu.memory_space<vmem>>
    %dma_start3A_88 = tpu.memref_squeeze %dma_start3A_87 : memref<1x40x128xf32, #tpu.memory_space<vmem>> -> memref<40x128xf32, #tpu.memory_space<vmem>>
    %dma_start3A_89 = arith.constant 120 : i32
    %dma_start3A_90 = tpu.memref_slice %arg9[%dma_start3A_89] : memref<10000xi32, #tpu.memory_space<vmem>> -> memref<40xi32, #tpu.memory_space<vmem>>
    %dma_start3A_91 = arith.constant 0 : i32
    %dma_start3A_92 = arith.constant 0 : i32
    %dma_start3A_93 = tpu.memref_slice %arg2[%dma_start3A_91, %dma_start3A_92] : memref<10000x128xf32, #tpu.memory_space<hbm>> -> memref<10000x128xf32, #tpu.memory_space<hbm>>
    tpu.enqueue_indirect_dma source(%dma_start3A_93 : memref<10000x128xf32, #tpu.memory_space<hbm>>) target(%dma_start3A_88 : memref<40x128xf32, #tpu.memory_space<vmem>>) offsets(%dma_start3A_90 : memref<40xi32, #tpu.memory_space<vmem>>) semaphore(%arg14 : memref<!tpu.dma_semaphore, #tpu.memory_space<semaphore_mem>>)
    %dma_start3A_94 = arith.constant 3 : i32
    %dma_start3A_95 = arith.constant 3 : i32
    %dma_start3A_96 = arith.constant 0 : i32
    %dma_start3A_97 = tpu.memref_slice %arg10[%dma_start3A_95, %dma_start3A_96] : memref<7x40xi32, #tpu.memory_space<vmem>> -> memref<1x40xi32, #tpu.memory_space<vmem>>
    %dma_start3A_98 = tpu.memref_squeeze %dma_start3A_97 : memref<1x40xi32, #tpu.memory_space<vmem>> -> memref<40xi32, #tpu.memory_space<vmem>>
    %dma_start3A_99 = arith.constant 0 : i32
    %dma_start3A_100 = tpu.memref_slice %arg4[%add3A, %dma_start3A_94, %dma_start3A_99] : memref<32x250x40xi32, #tpu.memory_space<hbm>> -> memref<1x1x40xi32, #tpu.memory_space<hbm>>
    %dma_start3A_101 = tpu.memref_squeeze %dma_start3A_100 : memref<1x1x40xi32, #tpu.memory_space<hbm>> -> memref<40xi32, #tpu.memory_space<hbm>>
    %dma_start3A_102 = arith.constant 0 : i32
    %dma_start3A_103 = tpu.memref_slice %arg10[%dma_start3A_95, %dma_start3A_102] : memref<7x40xi32, #tpu.memory_space<vmem>> -> memref<1x40xi32, #tpu.memory_space<vmem>>
    %dma_start3A_104 = tpu.memref_squeeze %dma_start3A_103 : memref<1x40xi32, #tpu.memory_space<vmem>> -> memref<40xi32, #tpu.memory_space<vmem>>
    %dma_start3A_105 = arith.constant 0 : i32
    %dma_start3A_106 = tpu.memref_slice %arg4[%add3A, %dma_start3A_94, %dma_start3A_105] : memref<32x250x40xi32, #tpu.memory_space<hbm>> -> memref<1x1x40xi32, #tpu.memory_space<hbm>>
    %dma_start3A_107 = tpu.memref_squeeze %dma_start3A_106 : memref<1x1x40xi32, #tpu.memory_space<hbm>> -> memref<40xi32, #tpu.memory_space<hbm>>
    tpu.enqueue_dma source(%dma_start3A_107 : memref<40xi32, #tpu.memory_space<hbm>>) target(%dma_start3A_104 : memref<40xi32, #tpu.memory_space<vmem>>) target_semaphore(%arg28 : memref<!tpu.dma_semaphore, #tpu.memory_space<semaphore_mem>>)
    %dma_start3A_108 = arith.constant 4 : i32
    %dma_start3A_109 = arith.constant 0 : i32
    %dma_start3A_110 = arith.constant 0 : i32
    %dma_start3A_111 = tpu.memref_slice %arg7[%dma_start3A_108, %dma_start3A_109, %dma_start3A_110] : memref<7x40x128xf32, #tpu.memory_space<vmem>> -> memref<1x40x128xf32, #tpu.memory_space<vmem>>
    %dma_start3A_112 = tpu.memref_squeeze %dma_start3A_111 : memref<1x40x128xf32, #tpu.memory_space<vmem>> -> memref<40x128xf32, #tpu.memory_space<vmem>>
    %dma_start3A_113 = arith.constant 160 : i32
    %dma_start3A_114 = tpu.memref_slice %arg9[%dma_start3A_113] : memref<10000xi32, #tpu.memory_space<vmem>> -> memref<40xi32, #tpu.memory_space<vmem>>
    %dma_start3A_115 = arith.constant 0 : i32
    %dma_start3A_116 = arith.constant 0 : i32
    %dma_start3A_117 = tpu.memref_slice %arg2[%dma_start3A_115, %dma_start3A_116] : memref<10000x128xf32, #tpu.memory_space<hbm>> -> memref<10000x128xf32, #tpu.memory_space<hbm>>
    tpu.enqueue_indirect_dma source(%dma_start3A_117 : memref<10000x128xf32, #tpu.memory_space<hbm>>) target(%dma_start3A_112 : memref<40x128xf32, #tpu.memory_space<vmem>>) offsets(%dma_start3A_114 : memref<40xi32, #tpu.memory_space<vmem>>) semaphore(%arg15 : memref<!tpu.dma_semaphore, #tpu.memory_space<semaphore_mem>>)
    %dma_start3A_118 = arith.constant 4 : i32
    %dma_start3A_119 = arith.constant 4 : i32
    %dma_start3A_120 = arith.constant 0 : i32
    %dma_start3A_121 = tpu.memref_slice %arg10[%dma_start3A_119, %dma_start3A_120] : memref<7x40xi32, #tpu.memory_space<vmem>> -> memref<1x40xi32, #tpu.memory_space<vmem>>
    %dma_start3A_122 = tpu.memref_squeeze %dma_start3A_121 : memref<1x40xi32, #tpu.memory_space<vmem>> -> memref<40xi32, #tpu.memory_space<vmem>>
    %dma_start3A_123 = arith.constant 0 : i32
    %dma_start3A_124 = tpu.memref_slice %arg4[%add3A, %dma_start3A_118, %dma_start3A_123] : memref<32x250x40xi32, #tpu.memory_space<hbm>> -> memref<1x1x40xi32, #tpu.memory_space<hbm>>
    %dma_start3A_125 = tpu.memref_squeeze %dma_start3A_124 : memref<1x1x40xi32, #tpu.memory_space<hbm>> -> memref<40xi32, #tpu.memory_space<hbm>>
    %dma_start3A_126 = arith.constant 0 : i32
    %dma_start3A_127 = tpu.memref_slice %arg10[%dma_start3A_119, %dma_start3A_126] : memref<7x40xi32, #tpu.memory_space<vmem>> -> memref<1x40xi32, #tpu.memory_space<vmem>>
    %dma_start3A_128 = tpu.memref_squeeze %dma_start3A_127 : memref<1x40xi32, #tpu.memory_space<vmem>> -> memref<40xi32, #tpu.memory_space<vmem>>
    %dma_start3A_129 = arith.constant 0 : i32
    %dma_start3A_130 = tpu.memref_slice %arg4[%add3A, %dma_start3A_118, %dma_start3A_129] : memref<32x250x40xi32, #tpu.memory_space<hbm>> -> memref<1x1x40xi32, #tpu.memory_space<hbm>>
    %dma_start3A_131 = tpu.memref_squeeze %dma_start3A_130 : memref<1x1x40xi32, #tpu.memory_space<hbm>> -> memref<40xi32, #tpu.memory_space<hbm>>
    tpu.enqueue_dma source(%dma_start3A_131 : memref<40xi32, #tpu.memory_space<hbm>>) target(%dma_start3A_128 : memref<40xi32, #tpu.memory_space<vmem>>) target_semaphore(%arg29 : memref<!tpu.dma_semaphore, #tpu.memory_space<semaphore_mem>>)
    %dma_start3A_132 = arith.constant 5 : i32
    %dma_start3A_133 = arith.constant 0 : i32
    %dma_start3A_134 = arith.constant 0 : i32
    %dma_start3A_135 = tpu.memref_slice %arg7[%dma_start3A_132, %dma_start3A_133, %dma_start3A_134] : memref<7x40x128xf32, #tpu.memory_space<vmem>> -> memref<1x40x128xf32, #tpu.memory_space<vmem>>
    %dma_start3A_136 = tpu.memref_squeeze %dma_start3A_135 : memref<1x40x128xf32, #tpu.memory_space<vmem>> -> memref<40x128xf32, #tpu.memory_space<vmem>>
    %dma_start3A_137 = arith.constant 200 : i32
    %dma_start3A_138 = tpu.memref_slice %arg9[%dma_start3A_137] : memref<10000xi32, #tpu.memory_space<vmem>> -> memref<40xi32, #tpu.memory_space<vmem>>
    %dma_start3A_139 = arith.constant 0 : i32
    %dma_start3A_140 = arith.constant 0 : i32
    %dma_start3A_141 = tpu.memref_slice %arg2[%dma_start3A_139, %dma_start3A_140] : memref<10000x128xf32, #tpu.memory_space<hbm>> -> memref<10000x128xf32, #tpu.memory_space<hbm>>
    tpu.enqueue_indirect_dma source(%dma_start3A_141 : memref<10000x128xf32, #tpu.memory_space<hbm>>) target(%dma_start3A_136 : memref<40x128xf32, #tpu.memory_space<vmem>>) offsets(%dma_start3A_138 : memref<40xi32, #tpu.memory_space<vmem>>) semaphore(%arg16 : memref<!tpu.dma_semaphore, #tpu.memory_space<semaphore_mem>>)
    %dma_start3A_142 = arith.constant 5 : i32
    %dma_start3A_143 = arith.constant 5 : i32
    %dma_start3A_144 = arith.constant 0 : i32
    %dma_start3A_145 = tpu.memref_slice %arg10[%dma_start3A_143, %dma_start3A_144] : memref<7x40xi32, #tpu.memory_space<vmem>> -> memref<1x40xi32, #tpu.memory_space<vmem>>
    %dma_start3A_146 = tpu.memref_squeeze %dma_start3A_145 : memref<1x40xi32, #tpu.memory_space<vmem>> -> memref<40xi32, #tpu.memory_space<vmem>>
    %dma_start3A_147 = arith.constant 0 : i32
    %dma_start3A_148 = tpu.memref_slice %arg4[%add3A, %dma_start3A_142, %dma_start3A_147] : memref<32x250x40xi32, #tpu.memory_space<hbm>> -> memref<1x1x40xi32, #tpu.memory_space<hbm>>
    %dma_start3A_149 = tpu.memref_squeeze %dma_start3A_148 : memref<1x1x40xi32, #tpu.memory_space<hbm>> -> memref<40xi32, #tpu.memory_space<hbm>>
    %dma_start3A_150 = arith.constant 0 : i32
    %dma_start3A_151 = tpu.memref_slice %arg10[%dma_start3A_143, %dma_start3A_150] : memref<7x40xi32, #tpu.memory_space<vmem>> -> memref<1x40xi32, #tpu.memory_space<vmem>>
    %dma_start3A_152 = tpu.memref_squeeze %dma_start3A_151 : memref<1x40xi32, #tpu.memory_space<vmem>> -> memref<40xi32, #tpu.memory_space<vmem>>
    %dma_start3A_153 = arith.constant 0 : i32
    %dma_start3A_154 = tpu.memref_slice %arg4[%add3A, %dma_start3A_142, %dma_start3A_153] : memref<32x250x40xi32, #tpu.memory_space<hbm>> -> memref<1x1x40xi32, #tpu.memory_space<hbm>>
    %dma_start3A_155 = tpu.memref_squeeze %dma_start3A_154 : memref<1x1x40xi32, #tpu.memory_space<hbm>> -> memref<40xi32, #tpu.memory_space<hbm>>
    tpu.enqueue_dma source(%dma_start3A_155 : memref<40xi32, #tpu.memory_space<hbm>>) target(%dma_start3A_152 : memref<40xi32, #tpu.memory_space<vmem>>) target_semaphore(%arg30 : memref<!tpu.dma_semaphore, #tpu.memory_space<semaphore_mem>>)
    %dma_start3A_156 = arith.constant 6 : i32
    %dma_start3A_157 = arith.constant 0 : i32
    %dma_start3A_158 = arith.constant 0 : i32
    %dma_start3A_159 = tpu.memref_slice %arg7[%dma_start3A_156, %dma_start3A_157, %dma_start3A_158] : memref<7x40x128xf32, #tpu.memory_space<vmem>> -> memref<1x40x128xf32, #tpu.memory_space<vmem>>
    %dma_start3A_160 = tpu.memref_squeeze %dma_start3A_159 : memref<1x40x128xf32, #tpu.memory_space<vmem>> -> memref<40x128xf32, #tpu.memory_space<vmem>>
    %dma_start3A_161 = arith.constant 240 : i32
    %dma_start3A_162 = tpu.memref_slice %arg9[%dma_start3A_161] : memref<10000xi32, #tpu.memory_space<vmem>> -> memref<40xi32, #tpu.memory_space<vmem>>
    %dma_start3A_163 = arith.constant 0 : i32
    %dma_start3A_164 = arith.constant 0 : i32
    %dma_start3A_165 = tpu.memref_slice %arg2[%dma_start3A_163, %dma_start3A_164] : memref<10000x128xf32, #tpu.memory_space<hbm>> -> memref<10000x128xf32, #tpu.memory_space<hbm>>
    tpu.enqueue_indirect_dma source(%dma_start3A_165 : memref<10000x128xf32, #tpu.memory_space<hbm>>) target(%dma_start3A_160 : memref<40x128xf32, #tpu.memory_space<vmem>>) offsets(%dma_start3A_162 : memref<40xi32, #tpu.memory_space<vmem>>) semaphore(%arg17 : memref<!tpu.dma_semaphore, #tpu.memory_space<semaphore_mem>>)
    %dma_start3A_166 = arith.constant 6 : i32
    %dma_start3A_167 = arith.constant 6 : i32
    %dma_start3A_168 = arith.constant 0 : i32
    %dma_start3A_169 = tpu.memref_slice %arg10[%dma_start3A_167, %dma_start3A_168] : memref<7x40xi32, #tpu.memory_space<vmem>> -> memref<1x40xi32, #tpu.memory_space<vmem>>
    %dma_start3A_170 = tpu.memref_squeeze %dma_start3A_169 : memref<1x40xi32, #tpu.memory_space<vmem>> -> memref<40xi32, #tpu.memory_space<vmem>>
    %dma_start3A_171 = arith.constant 0 : i32
    %dma_start3A_172 = tpu.memref_slice %arg4[%add3A, %dma_start3A_166, %dma_start3A_171] : memref<32x250x40xi32, #tpu.memory_space<hbm>> -> memref<1x1x40xi32, #tpu.memory_space<hbm>>
    %dma_start3A_173 = tpu.memref_squeeze %dma_start3A_172 : memref<1x1x40xi32, #tpu.memory_space<hbm>> -> memref<40xi32, #tpu.memory_space<hbm>>
    %dma_start3A_174 = arith.constant 0 : i32
    %dma_start3A_175 = tpu.memref_slice %arg10[%dma_start3A_167, %dma_start3A_174] : memref<7x40xi32, #tpu.memory_space<vmem>> -> memref<1x40xi32, #tpu.memory_space<vmem>>
    %dma_start3A_176 = tpu.memref_squeeze %dma_start3A_175 : memref<1x40xi32, #tpu.memory_space<vmem>> -> memref<40xi32, #tpu.memory_space<vmem>>
    %dma_start3A_177 = arith.constant 0 : i32
    %dma_start3A_178 = tpu.memref_slice %arg4[%add3A, %dma_start3A_166, %dma_start3A_177] : memref<32x250x40xi32, #tpu.memory_space<hbm>> -> memref<1x1x40xi32, #tpu.memory_space<hbm>>
    %dma_start3A_179 = tpu.memref_squeeze %dma_start3A_178 : memref<1x1x40xi32, #tpu.memory_space<hbm>> -> memref<40xi32, #tpu.memory_space<hbm>>
    tpu.enqueue_dma source(%dma_start3A_179 : memref<40xi32, #tpu.memory_space<hbm>>) target(%dma_start3A_176 : memref<40xi32, #tpu.memory_space<vmem>>) target_semaphore(%arg31 : memref<!tpu.dma_semaphore, #tpu.memory_space<semaphore_mem>>)
    %scan3A_180 = arith.constant 0 : i32
    %scan3A_181 = arith.constant 0 : i32
    %scan3A_182 = arith.constant 36 : i32
    %scan3A_183 = arith.addi %scan3A_181, %scan3A_182 : i32
    %scan3A_184 = arith.constant 1 : i32
    scf.for %scan3A_189 = %scan3A_181 to %scan3A_183 step %scan3A_184  : i32 {
      %mul3A_190 = arith.constant 7 : i32
      %mul3A_191 = arith.muli %scan3A_189, %mul3A_190 : i32
      %add3A_192 = arith.constant 0 : i32
      %add3A_193 = arith.addi %mul3A_191, %add3A_192 : i32
      %lt3A = arith.constant 250 : i32
      %lt3A_194 = arith.cmpi slt, %add3A_193, %lt3A : i32
      %convert_element_type3A = arith.extui %lt3A_194 : i1 to i32
      %cond3A = arith.constant 0 : i32
      %cond3A_195 = arith.cmpi ne, %convert_element_type3A, %cond3A : i32
      scf.if %cond3A_195 {
        %mul3A_336 = arith.constant 40 : i32
        %mul3A_337 = arith.muli %add3A_193, %mul3A_336 : i32
        %dma_wait3A = arith.constant 0 : i32
        %dma_wait3A_338 = arith.constant 0 : i32
        %dma_wait3A_339 = arith.constant 0 : i32
        %dma_wait3A_340 = tpu.memref_slice %arg7[%dma_wait3A, %dma_wait3A_338, %dma_wait3A_339] : memref<7x40x128xf32, #tpu.memory_space<vmem>> -> memref<1x40x128xf32, #tpu.memory_space<vmem>>
        %dma_wait3A_341 = tpu.memref_squeeze %dma_wait3A_340 : memref<1x40x128xf32, #tpu.memory_space<vmem>> -> memref<40x128xf32, #tpu.memory_space<vmem>>
        %dma_wait3A_342 = tpu.memref_slice %arg9[%mul3A_337] : memref<10000xi32, #tpu.memory_space<vmem>> -> memref<40xi32, #tpu.memory_space<vmem>>
        %dma_wait3A_343 = arith.constant 0 : i32
        %dma_wait3A_344 = arith.constant 0 : i32
        %dma_wait3A_345 = tpu.memref_slice %arg2[%dma_wait3A_343, %dma_wait3A_344] : memref<10000x128xf32, #tpu.memory_space<hbm>> -> memref<10000x128xf32, #tpu.memory_space<hbm>>
        tpu.wait_indirect_dma semaphore(%arg11 : memref<!tpu.dma_semaphore, #tpu.memory_space<semaphore_mem>>) src(%dma_wait3A_345 : memref<10000x128xf32, #tpu.memory_space<hbm>>) dst(%dma_wait3A_341 : memref<40x128xf32, #tpu.memory_space<vmem>>)
        %dma_wait3A_346 = arith.constant 0 : i32
        %dma_wait3A_347 = arith.constant 0 : i32
        %dma_wait3A_348 = tpu.memref_slice %arg10[%dma_wait3A_346, %dma_wait3A_347] : memref<7x40xi32, #tpu.memory_space<vmem>> -> memref<1x40xi32, #tpu.memory_space<vmem>>
        %dma_wait3A_349 = tpu.memref_squeeze %dma_wait3A_348 : memref<1x40xi32, #tpu.memory_space<vmem>> -> memref<40xi32, #tpu.memory_space<vmem>>
        %dma_wait3A_350 = arith.constant 0 : i32
        %dma_wait3A_351 = tpu.memref_slice %arg4[%add3A, %add3A_193, %dma_wait3A_350] : memref<32x250x40xi32, #tpu.memory_space<hbm>> -> memref<1x1x40xi32, #tpu.memory_space<hbm>>
        %dma_wait3A_352 = tpu.memref_squeeze %dma_wait3A_351 : memref<1x1x40xi32, #tpu.memory_space<hbm>> -> memref<40xi32, #tpu.memory_space<hbm>>
        %dma_wait3A_353 = arith.constant 0 : i32
        %dma_wait3A_354 = tpu.memref_slice %arg10[%dma_wait3A_346, %dma_wait3A_353] : memref<7x40xi32, #tpu.memory_space<vmem>> -> memref<1x40xi32, #tpu.memory_space<vmem>>
        %dma_wait3A_355 = tpu.memref_squeeze %dma_wait3A_354 : memref<1x40xi32, #tpu.memory_space<vmem>> -> memref<40xi32, #tpu.memory_space<vmem>>
        %dma_wait3A_356 = arith.constant 0 : i32
        %dma_wait3A_357 = tpu.memref_slice %arg4[%add3A, %add3A_193, %dma_wait3A_356] : memref<32x250x40xi32, #tpu.memory_space<hbm>> -> memref<1x1x40xi32, #tpu.memory_space<hbm>>
        %dma_wait3A_358 = tpu.memref_squeeze %dma_wait3A_357 : memref<1x1x40xi32, #tpu.memory_space<hbm>> -> memref<40xi32, #tpu.memory_space<hbm>>
        tpu.wait_dma2 semaphore(%arg25 : memref<!tpu.dma_semaphore, #tpu.memory_space<semaphore_mem>>) src(%dma_wait3A_358 : memref<40xi32, #tpu.memory_space<hbm>>) dst(%dma_wait3A_355 : memref<40xi32, #tpu.memory_space<vmem>>)
        %dma_start3A_359 = arith.constant 0 : i32
        %dma_start3A_360 = arith.constant 0 : i32
        %dma_start3A_361 = arith.constant 0 : i32
        %dma_start3A_362 = arith.constant 0 : i32
        %dma_start3A_363 = tpu.memref_slice %arg7[%dma_start3A_359, %dma_start3A_361, %dma_start3A_362] : memref<7x40x128xf32, #tpu.memory_space<vmem>> -> memref<1x40x128xf32, #tpu.memory_space<vmem>>
        %dma_start3A_364 = tpu.memref_squeeze %dma_start3A_363 : memref<1x40x128xf32, #tpu.memory_space<vmem>> -> memref<40x128xf32, #tpu.memory_space<vmem>>
        %dma_start3A_365 = arith.constant 0 : i32
        %dma_start3A_366 = tpu.memref_slice %arg10[%dma_start3A_360, %dma_start3A_365] : memref<7x40xi32, #tpu.memory_space<vmem>> -> memref<1x40xi32, #tpu.memory_space<vmem>>
        %dma_start3A_367 = tpu.memref_squeeze %dma_start3A_366 : memref<1x40xi32, #tpu.memory_space<vmem>> -> memref<40xi32, #tpu.memory_space<vmem>>
        %dma_start3A_368 = arith.constant 0 : i32
        %dma_start3A_369 = arith.constant 0 : i32
        %dma_start3A_370 = tpu.memref_slice %arg6[%dma_start3A_368, %dma_start3A_369] : memref<10000x128xf32, #tpu.memory_space<vmem_shared>> -> memref<10000x128xf32, #tpu.memory_space<vmem_shared>>
        tpu.enqueue_indirect_dma source(%dma_start3A_364 : memref<40x128xf32, #tpu.memory_space<vmem>>) target(%dma_start3A_370 : memref<10000x128xf32, #tpu.memory_space<vmem_shared>>) offsets(%dma_start3A_367 : memref<40xi32, #tpu.memory_space<vmem>>) semaphore(%arg18 : memref<!tpu.dma_semaphore, #tpu.memory_space<semaphore_mem>>) {add = true}
      } else {
      }
      %add3A_196 = arith.constant 1 : i32
      %add3A_197 = arith.addi %mul3A_191, %add3A_196 : i32
      %lt3A_198 = arith.constant 250 : i32
      %lt3A_199 = arith.cmpi slt, %add3A_197, %lt3A_198 : i32
      %convert_element_type3A_200 = arith.extui %lt3A_199 : i1 to i32
      %cond3A_201 = arith.constant 0 : i32
      %cond3A_202 = arith.cmpi ne, %convert_element_type3A_200, %cond3A_201 : i32
      scf.if %cond3A_202 {
        %mul3A_336 = arith.constant 40 : i32
        %mul3A_337 = arith.muli %add3A_197, %mul3A_336 : i32
        %dma_wait3A = arith.constant 1 : i32
        %dma_wait3A_338 = arith.constant 0 : i32
        %dma_wait3A_339 = arith.constant 0 : i32
        %dma_wait3A_340 = tpu.memref_slice %arg7[%dma_wait3A, %dma_wait3A_338, %dma_wait3A_339] : memref<7x40x128xf32, #tpu.memory_space<vmem>> -> memref<1x40x128xf32, #tpu.memory_space<vmem>>
        %dma_wait3A_341 = tpu.memref_squeeze %dma_wait3A_340 : memref<1x40x128xf32, #tpu.memory_space<vmem>> -> memref<40x128xf32, #tpu.memory_space<vmem>>
        %dma_wait3A_342 = tpu.memref_slice %arg9[%mul3A_337] : memref<10000xi32, #tpu.memory_space<vmem>> -> memref<40xi32, #tpu.memory_space<vmem>>
        %dma_wait3A_343 = arith.constant 0 : i32
        %dma_wait3A_344 = arith.constant 0 : i32
        %dma_wait3A_345 = tpu.memref_slice %arg2[%dma_wait3A_343, %dma_wait3A_344] : memref<10000x128xf32, #tpu.memory_space<hbm>> -> memref<10000x128xf32, #tpu.memory_space<hbm>>
        tpu.wait_indirect_dma semaphore(%arg12 : memref<!tpu.dma_semaphore, #tpu.memory_space<semaphore_mem>>) src(%dma_wait3A_345 : memref<10000x128xf32, #tpu.memory_space<hbm>>) dst(%dma_wait3A_341 : memref<40x128xf32, #tpu.memory_space<vmem>>)
        %dma_wait3A_346 = arith.constant 1 : i32
        %dma_wait3A_347 = arith.constant 0 : i32
        %dma_wait3A_348 = tpu.memref_slice %arg10[%dma_wait3A_346, %dma_wait3A_347] : memref<7x40xi32, #tpu.memory_space<vmem>> -> memref<1x40xi32, #tpu.memory_space<vmem>>
        %dma_wait3A_349 = tpu.memref_squeeze %dma_wait3A_348 : memref<1x40xi32, #tpu.memory_space<vmem>> -> memref<40xi32, #tpu.memory_space<vmem>>
        %dma_wait3A_350 = arith.constant 0 : i32
        %dma_wait3A_351 = tpu.memref_slice %arg4[%add3A, %add3A_197, %dma_wait3A_350] : memref<32x250x40xi32, #tpu.memory_space<hbm>> -> memref<1x1x40xi32, #tpu.memory_space<hbm>>
        %dma_wait3A_352 = tpu.memref_squeeze %dma_wait3A_351 : memref<1x1x40xi32, #tpu.memory_space<hbm>> -> memref<40xi32, #tpu.memory_space<hbm>>
        %dma_wait3A_353 = arith.constant 0 : i32
        %dma_wait3A_354 = tpu.memref_slice %arg10[%dma_wait3A_346, %dma_wait3A_353] : memref<7x40xi32, #tpu.memory_space<vmem>> -> memref<1x40xi32, #tpu.memory_space<vmem>>
        %dma_wait3A_355 = tpu.memref_squeeze %dma_wait3A_354 : memref<1x40xi32, #tpu.memory_space<vmem>> -> memref<40xi32, #tpu.memory_space<vmem>>
        %dma_wait3A_356 = arith.constant 0 : i32
        %dma_wait3A_357 = tpu.memref_slice %arg4[%add3A, %add3A_197, %dma_wait3A_356] : memref<32x250x40xi32, #tpu.memory_space<hbm>> -> memref<1x1x40xi32, #tpu.memory_space<hbm>>
        %dma_wait3A_358 = tpu.memref_squeeze %dma_wait3A_357 : memref<1x1x40xi32, #tpu.memory_space<hbm>> -> memref<40xi32, #tpu.memory_space<hbm>>
        tpu.wait_dma2 semaphore(%arg26 : memref<!tpu.dma_semaphore, #tpu.memory_space<semaphore_mem>>) src(%dma_wait3A_358 : memref<40xi32, #tpu.memory_space<hbm>>) dst(%dma_wait3A_355 : memref<40xi32, #tpu.memory_space<vmem>>)
        %dma_start3A_359 = arith.constant 1 : i32
        %dma_start3A_360 = arith.constant 1 : i32
        %dma_start3A_361 = arith.constant 0 : i32
        %dma_start3A_362 = arith.constant 0 : i32
        %dma_start3A_363 = tpu.memref_slice %arg7[%dma_start3A_359, %dma_start3A_361, %dma_start3A_362] : memref<7x40x128xf32, #tpu.memory_space<vmem>> -> memref<1x40x128xf32, #tpu.memory_space<vmem>>
        %dma_start3A_364 = tpu.memref_squeeze %dma_start3A_363 : memref<1x40x128xf32, #tpu.memory_space<vmem>> -> memref<40x128xf32, #tpu.memory_space<vmem>>
        %dma_start3A_365 = arith.constant 0 : i32
        %dma_start3A_366 = tpu.memref_slice %arg10[%dma_start3A_360, %dma_start3A_365] : memref<7x40xi32, #tpu.memory_space<vmem>> -> memref<1x40xi32, #tpu.memory_space<vmem>>
        %dma_start3A_367 = tpu.memref_squeeze %dma_start3A_366 : memref<1x40xi32, #tpu.memory_space<vmem>> -> memref<40xi32, #tpu.memory_space<vmem>>
        %dma_start3A_368 = arith.constant 0 : i32
        %dma_start3A_369 = arith.constant 0 : i32
        %dma_start3A_370 = tpu.memref_slice %arg6[%dma_start3A_368, %dma_start3A_369] : memref<10000x128xf32, #tpu.memory_space<vmem_shared>> -> memref<10000x128xf32, #tpu.memory_space<vmem_shared>>
        tpu.enqueue_indirect_dma source(%dma_start3A_364 : memref<40x128xf32, #tpu.memory_space<vmem>>) target(%dma_start3A_370 : memref<10000x128xf32, #tpu.memory_space<vmem_shared>>) offsets(%dma_start3A_367 : memref<40xi32, #tpu.memory_space<vmem>>) semaphore(%arg19 : memref<!tpu.dma_semaphore, #tpu.memory_space<semaphore_mem>>) {add = true}
      } else {
      }
      %add3A_203 = arith.constant 2 : i32
      %add3A_204 = arith.addi %mul3A_191, %add3A_203 : i32
      %lt3A_205 = arith.constant 250 : i32
      %lt3A_206 = arith.cmpi slt, %add3A_204, %lt3A_205 : i32
      %convert_element_type3A_207 = arith.extui %lt3A_206 : i1 to i32
      %cond3A_208 = arith.constant 0 : i32
      %cond3A_209 = arith.cmpi ne, %convert_element_type3A_207, %cond3A_208 : i32
      scf.if %cond3A_209 {
        %mul3A_336 = arith.constant 40 : i32
        %mul3A_337 = arith.muli %add3A_204, %mul3A_336 : i32
        %dma_wait3A = arith.constant 2 : i32
        %dma_wait3A_338 = arith.constant 0 : i32
        %dma_wait3A_339 = arith.constant 0 : i32
        %dma_wait3A_340 = tpu.memref_slice %arg7[%dma_wait3A, %dma_wait3A_338, %dma_wait3A_339] : memref<7x40x128xf32, #tpu.memory_space<vmem>> -> memref<1x40x128xf32, #tpu.memory_space<vmem>>
        %dma_wait3A_341 = tpu.memref_squeeze %dma_wait3A_340 : memref<1x40x128xf32, #tpu.memory_space<vmem>> -> memref<40x128xf32, #tpu.memory_space<vmem>>
        %dma_wait3A_342 = tpu.memref_slice %arg9[%mul3A_337] : memref<10000xi32, #tpu.memory_space<vmem>> -> memref<40xi32, #tpu.memory_space<vmem>>
        %dma_wait3A_343 = arith.constant 0 : i32
        %dma_wait3A_344 = arith.constant 0 : i32
        %dma_wait3A_345 = tpu.memref_slice %arg2[%dma_wait3A_343, %dma_wait3A_344] : memref<10000x128xf32, #tpu.memory_space<hbm>> -> memref<10000x128xf32, #tpu.memory_space<hbm>>
        tpu.wait_indirect_dma semaphore(%arg13 : memref<!tpu.dma_semaphore, #tpu.memory_space<semaphore_mem>>) src(%dma_wait3A_345 : memref<10000x128xf32, #tpu.memory_space<hbm>>) dst(%dma_wait3A_341 : memref<40x128xf32, #tpu.memory_space<vmem>>)
        %dma_wait3A_346 = arith.constant 2 : i32
        %dma_wait3A_347 = arith.constant 0 : i32
        %dma_wait3A_348 = tpu.memref_slice %arg10[%dma_wait3A_346, %dma_wait3A_347] : memref<7x40xi32, #tpu.memory_space<vmem>> -> memref<1x40xi32, #tpu.memory_space<vmem>>
        %dma_wait3A_349 = tpu.memref_squeeze %dma_wait3A_348 : memref<1x40xi32, #tpu.memory_space<vmem>> -> memref<40xi32, #tpu.memory_space<vmem>>
        %dma_wait3A_350 = arith.constant 0 : i32
        %dma_wait3A_351 = tpu.memref_slice %arg4[%add3A, %add3A_204, %dma_wait3A_350] : memref<32x250x40xi32, #tpu.memory_space<hbm>> -> memref<1x1x40xi32, #tpu.memory_space<hbm>>
        %dma_wait3A_352 = tpu.memref_squeeze %dma_wait3A_351 : memref<1x1x40xi32, #tpu.memory_space<hbm>> -> memref<40xi32, #tpu.memory_space<hbm>>
        %dma_wait3A_353 = arith.constant 0 : i32
        %dma_wait3A_354 = tpu.memref_slice %arg10[%dma_wait3A_346, %dma_wait3A_353] : memref<7x40xi32, #tpu.memory_space<vmem>> -> memref<1x40xi32, #tpu.memory_space<vmem>>
        %dma_wait3A_355 = tpu.memref_squeeze %dma_wait3A_354 : memref<1x40xi32, #tpu.memory_space<vmem>> -> memref<40xi32, #tpu.memory_space<vmem>>
        %dma_wait3A_356 = arith.constant 0 : i32
        %dma_wait3A_357 = tpu.memref_slice %arg4[%add3A, %add3A_204, %dma_wait3A_356] : memref<32x250x40xi32, #tpu.memory_space<hbm>> -> memref<1x1x40xi32, #tpu.memory_space<hbm>>
        %dma_wait3A_358 = tpu.memref_squeeze %dma_wait3A_357 : memref<1x1x40xi32, #tpu.memory_space<hbm>> -> memref<40xi32, #tpu.memory_space<hbm>>
        tpu.wait_dma2 semaphore(%arg27 : memref<!tpu.dma_semaphore, #tpu.memory_space<semaphore_mem>>) src(%dma_wait3A_358 : memref<40xi32, #tpu.memory_space<hbm>>) dst(%dma_wait3A_355 : memref<40xi32, #tpu.memory_space<vmem>>)
        %dma_start3A_359 = arith.constant 2 : i32
        %dma_start3A_360 = arith.constant 2 : i32
        %dma_start3A_361 = arith.constant 0 : i32
        %dma_start3A_362 = arith.constant 0 : i32
        %dma_start3A_363 = tpu.memref_slice %arg7[%dma_start3A_359, %dma_start3A_361, %dma_start3A_362] : memref<7x40x128xf32, #tpu.memory_space<vmem>> -> memref<1x40x128xf32, #tpu.memory_space<vmem>>
        %dma_start3A_364 = tpu.memref_squeeze %dma_start3A_363 : memref<1x40x128xf32, #tpu.memory_space<vmem>> -> memref<40x128xf32, #tpu.memory_space<vmem>>
        %dma_start3A_365 = arith.constant 0 : i32
        %dma_start3A_366 = tpu.memref_slice %arg10[%dma_start3A_360, %dma_start3A_365] : memref<7x40xi32, #tpu.memory_space<vmem>> -> memref<1x40xi32, #tpu.memory_space<vmem>>
        %dma_start3A_367 = tpu.memref_squeeze %dma_start3A_366 : memref<1x40xi32, #tpu.memory_space<vmem>> -> memref<40xi32, #tpu.memory_space<vmem>>
        %dma_start3A_368 = arith.constant 0 : i32
        %dma_start3A_369 = arith.constant 0 : i32
        %dma_start3A_370 = tpu.memref_slice %arg6[%dma_start3A_368, %dma_start3A_369] : memref<10000x128xf32, #tpu.memory_space<vmem_shared>> -> memref<10000x128xf32, #tpu.memory_space<vmem_shared>>
        tpu.enqueue_indirect_dma source(%dma_start3A_364 : memref<40x128xf32, #tpu.memory_space<vmem>>) target(%dma_start3A_370 : memref<10000x128xf32, #tpu.memory_space<vmem_shared>>) offsets(%dma_start3A_367 : memref<40xi32, #tpu.memory_space<vmem>>) semaphore(%arg20 : memref<!tpu.dma_semaphore, #tpu.memory_space<semaphore_mem>>) {add = true}
      } else {
      }
      %add3A_210 = arith.constant 3 : i32
      %add3A_211 = arith.addi %mul3A_191, %add3A_210 : i32
      %lt3A_212 = arith.constant 250 : i32
      %lt3A_213 = arith.cmpi slt, %add3A_211, %lt3A_212 : i32
      %convert_element_type3A_214 = arith.extui %lt3A_213 : i1 to i32
      %cond3A_215 = arith.constant 0 : i32
      %cond3A_216 = arith.cmpi ne, %convert_element_type3A_214, %cond3A_215 : i32
      scf.if %cond3A_216 {
        %mul3A_336 = arith.constant 40 : i32
        %mul3A_337 = arith.muli %add3A_211, %mul3A_336 : i32
        %dma_wait3A = arith.constant 3 : i32
        %dma_wait3A_338 = arith.constant 0 : i32
        %dma_wait3A_339 = arith.constant 0 : i32
        %dma_wait3A_340 = tpu.memref_slice %arg7[%dma_wait3A, %dma_wait3A_338, %dma_wait3A_339] : memref<7x40x128xf32, #tpu.memory_space<vmem>> -> memref<1x40x128xf32, #tpu.memory_space<vmem>>
        %dma_wait3A_341 = tpu.memref_squeeze %dma_wait3A_340 : memref<1x40x128xf32, #tpu.memory_space<vmem>> -> memref<40x128xf32, #tpu.memory_space<vmem>>
        %dma_wait3A_342 = tpu.memref_slice %arg9[%mul3A_337] : memref<10000xi32, #tpu.memory_space<vmem>> -> memref<40xi32, #tpu.memory_space<vmem>>
        %dma_wait3A_343 = arith.constant 0 : i32
        %dma_wait3A_344 = arith.constant 0 : i32
        %dma_wait3A_345 = tpu.memref_slice %arg2[%dma_wait3A_343, %dma_wait3A_344] : memref<10000x128xf32, #tpu.memory_space<hbm>> -> memref<10000x128xf32, #tpu.memory_space<hbm>>
        tpu.wait_indirect_dma semaphore(%arg14 : memref<!tpu.dma_semaphore, #tpu.memory_space<semaphore_mem>>) src(%dma_wait3A_345 : memref<10000x128xf32, #tpu.memory_space<hbm>>) dst(%dma_wait3A_341 : memref<40x128xf32, #tpu.memory_space<vmem>>)
        %dma_wait3A_346 = arith.constant 3 : i32
        %dma_wait3A_347 = arith.constant 0 : i32
        %dma_wait3A_348 = tpu.memref_slice %arg10[%dma_wait3A_346, %dma_wait3A_347] : memref<7x40xi32, #tpu.memory_space<vmem>> -> memref<1x40xi32, #tpu.memory_space<vmem>>
        %dma_wait3A_349 = tpu.memref_squeeze %dma_wait3A_348 : memref<1x40xi32, #tpu.memory_space<vmem>> -> memref<40xi32, #tpu.memory_space<vmem>>
        %dma_wait3A_350 = arith.constant 0 : i32
        %dma_wait3A_351 = tpu.memref_slice %arg4[%add3A, %add3A_211, %dma_wait3A_350] : memref<32x250x40xi32, #tpu.memory_space<hbm>> -> memref<1x1x40xi32, #tpu.memory_space<hbm>>
        %dma_wait3A_352 = tpu.memref_squeeze %dma_wait3A_351 : memref<1x1x40xi32, #tpu.memory_space<hbm>> -> memref<40xi32, #tpu.memory_space<hbm>>
        %dma_wait3A_353 = arith.constant 0 : i32
        %dma_wait3A_354 = tpu.memref_slice %arg10[%dma_wait3A_346, %dma_wait3A_353] : memref<7x40xi32, #tpu.memory_space<vmem>> -> memref<1x40xi32, #tpu.memory_space<vmem>>
        %dma_wait3A_355 = tpu.memref_squeeze %dma_wait3A_354 : memref<1x40xi32, #tpu.memory_space<vmem>> -> memref<40xi32, #tpu.memory_space<vmem>>
        %dma_wait3A_356 = arith.constant 0 : i32
        %dma_wait3A_357 = tpu.memref_slice %arg4[%add3A, %add3A_211, %dma_wait3A_356] : memref<32x250x40xi32, #tpu.memory_space<hbm>> -> memref<1x1x40xi32, #tpu.memory_space<hbm>>
        %dma_wait3A_358 = tpu.memref_squeeze %dma_wait3A_357 : memref<1x1x40xi32, #tpu.memory_space<hbm>> -> memref<40xi32, #tpu.memory_space<hbm>>
        tpu.wait_dma2 semaphore(%arg28 : memref<!tpu.dma_semaphore, #tpu.memory_space<semaphore_mem>>) src(%dma_wait3A_358 : memref<40xi32, #tpu.memory_space<hbm>>) dst(%dma_wait3A_355 : memref<40xi32, #tpu.memory_space<vmem>>)
        %dma_start3A_359 = arith.constant 3 : i32
        %dma_start3A_360 = arith.constant 3 : i32
        %dma_start3A_361 = arith.constant 0 : i32
        %dma_start3A_362 = arith.constant 0 : i32
        %dma_start3A_363 = tpu.memref_slice %arg7[%dma_start3A_359, %dma_start3A_361, %dma_start3A_362] : memref<7x40x128xf32, #tpu.memory_space<vmem>> -> memref<1x40x128xf32, #tpu.memory_space<vmem>>
        %dma_start3A_364 = tpu.memref_squeeze %dma_start3A_363 : memref<1x40x128xf32, #tpu.memory_space<vmem>> -> memref<40x128xf32, #tpu.memory_space<vmem>>
        %dma_start3A_365 = arith.constant 0 : i32
        %dma_start3A_366 = tpu.memref_slice %arg10[%dma_start3A_360, %dma_start3A_365] : memref<7x40xi32, #tpu.memory_space<vmem>> -> memref<1x40xi32, #tpu.memory_space<vmem>>
        %dma_start3A_367 = tpu.memref_squeeze %dma_start3A_366 : memref<1x40xi32, #tpu.memory_space<vmem>> -> memref<40xi32, #tpu.memory_space<vmem>>
        %dma_start3A_368 = arith.constant 0 : i32
        %dma_start3A_369 = arith.constant 0 : i32
        %dma_start3A_370 = tpu.memref_slice %arg6[%dma_start3A_368, %dma_start3A_369] : memref<10000x128xf32, #tpu.memory_space<vmem_shared>> -> memref<10000x128xf32, #tpu.memory_space<vmem_shared>>
        tpu.enqueue_indirect_dma source(%dma_start3A_364 : memref<40x128xf32, #tpu.memory_space<vmem>>) target(%dma_start3A_370 : memref<10000x128xf32, #tpu.memory_space<vmem_shared>>) offsets(%dma_start3A_367 : memref<40xi32, #tpu.memory_space<vmem>>) semaphore(%arg21 : memref<!tpu.dma_semaphore, #tpu.memory_space<semaphore_mem>>) {add = true}
      } else {
      }
      %add3A_217 = arith.constant 4 : i32
      %add3A_218 = arith.addi %mul3A_191, %add3A_217 : i32
      %lt3A_219 = arith.constant 250 : i32
      %lt3A_220 = arith.cmpi slt, %add3A_218, %lt3A_219 : i32
      %convert_element_type3A_221 = arith.extui %lt3A_220 : i1 to i32
      %cond3A_222 = arith.constant 0 : i32
      %cond3A_223 = arith.cmpi ne, %convert_element_type3A_221, %cond3A_222 : i32
      scf.if %cond3A_223 {
        %mul3A_336 = arith.constant 40 : i32
        %mul3A_337 = arith.muli %add3A_218, %mul3A_336 : i32
        %dma_wait3A = arith.constant 4 : i32
        %dma_wait3A_338 = arith.constant 0 : i32
        %dma_wait3A_339 = arith.constant 0 : i32
        %dma_wait3A_340 = tpu.memref_slice %arg7[%dma_wait3A, %dma_wait3A_338, %dma_wait3A_339] : memref<7x40x128xf32, #tpu.memory_space<vmem>> -> memref<1x40x128xf32, #tpu.memory_space<vmem>>
        %dma_wait3A_341 = tpu.memref_squeeze %dma_wait3A_340 : memref<1x40x128xf32, #tpu.memory_space<vmem>> -> memref<40x128xf32, #tpu.memory_space<vmem>>
        %dma_wait3A_342 = tpu.memref_slice %arg9[%mul3A_337] : memref<10000xi32, #tpu.memory_space<vmem>> -> memref<40xi32, #tpu.memory_space<vmem>>
        %dma_wait3A_343 = arith.constant 0 : i32
        %dma_wait3A_344 = arith.constant 0 : i32
        %dma_wait3A_345 = tpu.memref_slice %arg2[%dma_wait3A_343, %dma_wait3A_344] : memref<10000x128xf32, #tpu.memory_space<hbm>> -> memref<10000x128xf32, #tpu.memory_space<hbm>>
        tpu.wait_indirect_dma semaphore(%arg15 : memref<!tpu.dma_semaphore, #tpu.memory_space<semaphore_mem>>) src(%dma_wait3A_345 : memref<10000x128xf32, #tpu.memory_space<hbm>>) dst(%dma_wait3A_341 : memref<40x128xf32, #tpu.memory_space<vmem>>)
        %dma_wait3A_346 = arith.constant 4 : i32
        %dma_wait3A_347 = arith.constant 0 : i32
        %dma_wait3A_348 = tpu.memref_slice %arg10[%dma_wait3A_346, %dma_wait3A_347] : memref<7x40xi32, #tpu.memory_space<vmem>> -> memref<1x40xi32, #tpu.memory_space<vmem>>
        %dma_wait3A_349 = tpu.memref_squeeze %dma_wait3A_348 : memref<1x40xi32, #tpu.memory_space<vmem>> -> memref<40xi32, #tpu.memory_space<vmem>>
        %dma_wait3A_350 = arith.constant 0 : i32
        %dma_wait3A_351 = tpu.memref_slice %arg4[%add3A, %add3A_218, %dma_wait3A_350] : memref<32x250x40xi32, #tpu.memory_space<hbm>> -> memref<1x1x40xi32, #tpu.memory_space<hbm>>
        %dma_wait3A_352 = tpu.memref_squeeze %dma_wait3A_351 : memref<1x1x40xi32, #tpu.memory_space<hbm>> -> memref<40xi32, #tpu.memory_space<hbm>>
        %dma_wait3A_353 = arith.constant 0 : i32
        %dma_wait3A_354 = tpu.memref_slice %arg10[%dma_wait3A_346, %dma_wait3A_353] : memref<7x40xi32, #tpu.memory_space<vmem>> -> memref<1x40xi32, #tpu.memory_space<vmem>>
        %dma_wait3A_355 = tpu.memref_squeeze %dma_wait3A_354 : memref<1x40xi32, #tpu.memory_space<vmem>> -> memref<40xi32, #tpu.memory_space<vmem>>
        %dma_wait3A_356 = arith.constant 0 : i32
        %dma_wait3A_357 = tpu.memref_slice %arg4[%add3A, %add3A_218, %dma_wait3A_356] : memref<32x250x40xi32, #tpu.memory_space<hbm>> -> memref<1x1x40xi32, #tpu.memory_space<hbm>>
        %dma_wait3A_358 = tpu.memref_squeeze %dma_wait3A_357 : memref<1x1x40xi32, #tpu.memory_space<hbm>> -> memref<40xi32, #tpu.memory_space<hbm>>
        tpu.wait_dma2 semaphore(%arg29 : memref<!tpu.dma_semaphore, #tpu.memory_space<semaphore_mem>>) src(%dma_wait3A_358 : memref<40xi32, #tpu.memory_space<hbm>>) dst(%dma_wait3A_355 : memref<40xi32, #tpu.memory_space<vmem>>)
        %dma_start3A_359 = arith.constant 4 : i32
        %dma_start3A_360 = arith.constant 4 : i32
        %dma_start3A_361 = arith.constant 0 : i32
        %dma_start3A_362 = arith.constant 0 : i32
        %dma_start3A_363 = tpu.memref_slice %arg7[%dma_start3A_359, %dma_start3A_361, %dma_start3A_362] : memref<7x40x128xf32, #tpu.memory_space<vmem>> -> memref<1x40x128xf32, #tpu.memory_space<vmem>>
        %dma_start3A_364 = tpu.memref_squeeze %dma_start3A_363 : memref<1x40x128xf32, #tpu.memory_space<vmem>> -> memref<40x128xf32, #tpu.memory_space<vmem>>
        %dma_start3A_365 = arith.constant 0 : i32
        %dma_start3A_366 = tpu.memref_slice %arg10[%dma_start3A_360, %dma_start3A_365] : memref<7x40xi32, #tpu.memory_space<vmem>> -> memref<1x40xi32, #tpu.memory_space<vmem>>
        %dma_start3A_367 = tpu.memref_squeeze %dma_start3A_366 : memref<1x40xi32, #tpu.memory_space<vmem>> -> memref<40xi32, #tpu.memory_space<vmem>>
        %dma_start3A_368 = arith.constant 0 : i32
        %dma_start3A_369 = arith.constant 0 : i32
        %dma_start3A_370 = tpu.memref_slice %arg6[%dma_start3A_368, %dma_start3A_369] : memref<10000x128xf32, #tpu.memory_space<vmem_shared>> -> memref<10000x128xf32, #tpu.memory_space<vmem_shared>>
        tpu.enqueue_indirect_dma source(%dma_start3A_364 : memref<40x128xf32, #tpu.memory_space<vmem>>) target(%dma_start3A_370 : memref<10000x128xf32, #tpu.memory_space<vmem_shared>>) offsets(%dma_start3A_367 : memref<40xi32, #tpu.memory_space<vmem>>) semaphore(%arg22 : memref<!tpu.dma_semaphore, #tpu.memory_space<semaphore_mem>>) {add = true}
      } else {
      }
      %add3A_224 = arith.constant 5 : i32
      %add3A_225 = arith.addi %mul3A_191, %add3A_224 : i32
      %lt3A_226 = arith.constant 250 : i32
      %lt3A_227 = arith.cmpi slt, %add3A_225, %lt3A_226 : i32
      %convert_element_type3A_228 = arith.extui %lt3A_227 : i1 to i32
      %cond3A_229 = arith.constant 0 : i32
      %cond3A_230 = arith.cmpi ne, %convert_element_type3A_228, %cond3A_229 : i32
      scf.if %cond3A_230 {
        %mul3A_336 = arith.constant 40 : i32
        %mul3A_337 = arith.muli %add3A_225, %mul3A_336 : i32
        %dma_wait3A = arith.constant 5 : i32
        %dma_wait3A_338 = arith.constant 0 : i32
        %dma_wait3A_339 = arith.constant 0 : i32
        %dma_wait3A_340 = tpu.memref_slice %arg7[%dma_wait3A, %dma_wait3A_338, %dma_wait3A_339] : memref<7x40x128xf32, #tpu.memory_space<vmem>> -> memref<1x40x128xf32, #tpu.memory_space<vmem>>
        %dma_wait3A_341 = tpu.memref_squeeze %dma_wait3A_340 : memref<1x40x128xf32, #tpu.memory_space<vmem>> -> memref<40x128xf32, #tpu.memory_space<vmem>>
        %dma_wait3A_342 = tpu.memref_slice %arg9[%mul3A_337] : memref<10000xi32, #tpu.memory_space<vmem>> -> memref<40xi32, #tpu.memory_space<vmem>>
        %dma_wait3A_343 = arith.constant 0 : i32
        %dma_wait3A_344 = arith.constant 0 : i32
        %dma_wait3A_345 = tpu.memref_slice %arg2[%dma_wait3A_343, %dma_wait3A_344] : memref<10000x128xf32, #tpu.memory_space<hbm>> -> memref<10000x128xf32, #tpu.memory_space<hbm>>
        tpu.wait_indirect_dma semaphore(%arg16 : memref<!tpu.dma_semaphore, #tpu.memory_space<semaphore_mem>>) src(%dma_wait3A_345 : memref<10000x128xf32, #tpu.memory_space<hbm>>) dst(%dma_wait3A_341 : memref<40x128xf32, #tpu.memory_space<vmem>>)
        %dma_wait3A_346 = arith.constant 5 : i32
        %dma_wait3A_347 = arith.constant 0 : i32
        %dma_wait3A_348 = tpu.memref_slice %arg10[%dma_wait3A_346, %dma_wait3A_347] : memref<7x40xi32, #tpu.memory_space<vmem>> -> memref<1x40xi32, #tpu.memory_space<vmem>>
        %dma_wait3A_349 = tpu.memref_squeeze %dma_wait3A_348 : memref<1x40xi32, #tpu.memory_space<vmem>> -> memref<40xi32, #tpu.memory_space<vmem>>
        %dma_wait3A_350 = arith.constant 0 : i32
        %dma_wait3A_351 = tpu.memref_slice %arg4[%add3A, %add3A_225, %dma_wait3A_350] : memref<32x250x40xi32, #tpu.memory_space<hbm>> -> memref<1x1x40xi32, #tpu.memory_space<hbm>>
        %dma_wait3A_352 = tpu.memref_squeeze %dma_wait3A_351 : memref<1x1x40xi32, #tpu.memory_space<hbm>> -> memref<40xi32, #tpu.memory_space<hbm>>
        %dma_wait3A_353 = arith.constant 0 : i32
        %dma_wait3A_354 = tpu.memref_slice %arg10[%dma_wait3A_346, %dma_wait3A_353] : memref<7x40xi32, #tpu.memory_space<vmem>> -> memref<1x40xi32, #tpu.memory_space<vmem>>
        %dma_wait3A_355 = tpu.memref_squeeze %dma_wait3A_354 : memref<1x40xi32, #tpu.memory_space<vmem>> -> memref<40xi32, #tpu.memory_space<vmem>>
        %dma_wait3A_356 = arith.constant 0 : i32
        %dma_wait3A_357 = tpu.memref_slice %arg4[%add3A, %add3A_225, %dma_wait3A_356] : memref<32x250x40xi32, #tpu.memory_space<hbm>> -> memref<1x1x40xi32, #tpu.memory_space<hbm>>
        %dma_wait3A_358 = tpu.memref_squeeze %dma_wait3A_357 : memref<1x1x40xi32, #tpu.memory_space<hbm>> -> memref<40xi32, #tpu.memory_space<hbm>>
        tpu.wait_dma2 semaphore(%arg30 : memref<!tpu.dma_semaphore, #tpu.memory_space<semaphore_mem>>) src(%dma_wait3A_358 : memref<40xi32, #tpu.memory_space<hbm>>) dst(%dma_wait3A_355 : memref<40xi32, #tpu.memory_space<vmem>>)
        %dma_start3A_359 = arith.constant 5 : i32
        %dma_start3A_360 = arith.constant 5 : i32
        %dma_start3A_361 = arith.constant 0 : i32
        %dma_start3A_362 = arith.constant 0 : i32
        %dma_start3A_363 = tpu.memref_slice %arg7[%dma_start3A_359, %dma_start3A_361, %dma_start3A_362] : memref<7x40x128xf32, #tpu.memory_space<vmem>> -> memref<1x40x128xf32, #tpu.memory_space<vmem>>
        %dma_start3A_364 = tpu.memref_squeeze %dma_start3A_363 : memref<1x40x128xf32, #tpu.memory_space<vmem>> -> memref<40x128xf32, #tpu.memory_space<vmem>>
        %dma_start3A_365 = arith.constant 0 : i32
        %dma_start3A_366 = tpu.memref_slice %arg10[%dma_start3A_360, %dma_start3A_365] : memref<7x40xi32, #tpu.memory_space<vmem>> -> memref<1x40xi32, #tpu.memory_space<vmem>>
        %dma_start3A_367 = tpu.memref_squeeze %dma_start3A_366 : memref<1x40xi32, #tpu.memory_space<vmem>> -> memref<40xi32, #tpu.memory_space<vmem>>
        %dma_start3A_368 = arith.constant 0 : i32
        %dma_start3A_369 = arith.constant 0 : i32
        %dma_start3A_370 = tpu.memref_slice %arg6[%dma_start3A_368, %dma_start3A_369] : memref<10000x128xf32, #tpu.memory_space<vmem_shared>> -> memref<10000x128xf32, #tpu.memory_space<vmem_shared>>
        tpu.enqueue_indirect_dma source(%dma_start3A_364 : memref<40x128xf32, #tpu.memory_space<vmem>>) target(%dma_start3A_370 : memref<10000x128xf32, #tpu.memory_space<vmem_shared>>) offsets(%dma_start3A_367 : memref<40xi32, #tpu.memory_space<vmem>>) semaphore(%arg23 : memref<!tpu.dma_semaphore, #tpu.memory_space<semaphore_mem>>) {add = true}
      } else {
      }
      %add3A_231 = arith.constant 6 : i32
      %add3A_232 = arith.addi %mul3A_191, %add3A_231 : i32
      %lt3A_233 = arith.constant 250 : i32
      %lt3A_234 = arith.cmpi slt, %add3A_232, %lt3A_233 : i32
      %convert_element_type3A_235 = arith.extui %lt3A_234 : i1 to i32
      %cond3A_236 = arith.constant 0 : i32
      %cond3A_237 = arith.cmpi ne, %convert_element_type3A_235, %cond3A_236 : i32
      scf.if %cond3A_237 {
        %mul3A_336 = arith.constant 40 : i32
        %mul3A_337 = arith.muli %add3A_232, %mul3A_336 : i32
        %dma_wait3A = arith.constant 6 : i32
        %dma_wait3A_338 = arith.constant 0 : i32
        %dma_wait3A_339 = arith.constant 0 : i32
        %dma_wait3A_340 = tpu.memref_slice %arg7[%dma_wait3A, %dma_wait3A_338, %dma_wait3A_339] : memref<7x40x128xf32, #tpu.memory_space<vmem>> -> memref<1x40x128xf32, #tpu.memory_space<vmem>>
        %dma_wait3A_341 = tpu.memref_squeeze %dma_wait3A_340 : memref<1x40x128xf32, #tpu.memory_space<vmem>> -> memref<40x128xf32, #tpu.memory_space<vmem>>
        %dma_wait3A_342 = tpu.memref_slice %arg9[%mul3A_337] : memref<10000xi32, #tpu.memory_space<vmem>> -> memref<40xi32, #tpu.memory_space<vmem>>
        %dma_wait3A_343 = arith.constant 0 : i32
        %dma_wait3A_344 = arith.constant 0 : i32
        %dma_wait3A_345 = tpu.memref_slice %arg2[%dma_wait3A_343, %dma_wait3A_344] : memref<10000x128xf32, #tpu.memory_space<hbm>> -> memref<10000x128xf32, #tpu.memory_space<hbm>>
        tpu.wait_indirect_dma semaphore(%arg17 : memref<!tpu.dma_semaphore, #tpu.memory_space<semaphore_mem>>) src(%dma_wait3A_345 : memref<10000x128xf32, #tpu.memory_space<hbm>>) dst(%dma_wait3A_341 : memref<40x128xf32, #tpu.memory_space<vmem>>)
        %dma_wait3A_346 = arith.constant 6 : i32
        %dma_wait3A_347 = arith.constant 0 : i32
        %dma_wait3A_348 = tpu.memref_slice %arg10[%dma_wait3A_346, %dma_wait3A_347] : memref<7x40xi32, #tpu.memory_space<vmem>> -> memref<1x40xi32, #tpu.memory_space<vmem>>
        %dma_wait3A_349 = tpu.memref_squeeze %dma_wait3A_348 : memref<1x40xi32, #tpu.memory_space<vmem>> -> memref<40xi32, #tpu.memory_space<vmem>>
        %dma_wait3A_350 = arith.constant 0 : i32
        %dma_wait3A_351 = tpu.memref_slice %arg4[%add3A, %add3A_232, %dma_wait3A_350] : memref<32x250x40xi32, #tpu.memory_space<hbm>> -> memref<1x1x40xi32, #tpu.memory_space<hbm>>
        %dma_wait3A_352 = tpu.memref_squeeze %dma_wait3A_351 : memref<1x1x40xi32, #tpu.memory_space<hbm>> -> memref<40xi32, #tpu.memory_space<hbm>>
        %dma_wait3A_353 = arith.constant 0 : i32
        %dma_wait3A_354 = tpu.memref_slice %arg10[%dma_wait3A_346, %dma_wait3A_353] : memref<7x40xi32, #tpu.memory_space<vmem>> -> memref<1x40xi32, #tpu.memory_space<vmem>>
        %dma_wait3A_355 = tpu.memref_squeeze %dma_wait3A_354 : memref<1x40xi32, #tpu.memory_space<vmem>> -> memref<40xi32, #tpu.memory_space<vmem>>
        %dma_wait3A_356 = arith.constant 0 : i32
        %dma_wait3A_357 = tpu.memref_slice %arg4[%add3A, %add3A_232, %dma_wait3A_356] : memref<32x250x40xi32, #tpu.memory_space<hbm>> -> memref<1x1x40xi32, #tpu.memory_space<hbm>>
        %dma_wait3A_358 = tpu.memref_squeeze %dma_wait3A_357 : memref<1x1x40xi32, #tpu.memory_space<hbm>> -> memref<40xi32, #tpu.memory_space<hbm>>
        tpu.wait_dma2 semaphore(%arg31 : memref<!tpu.dma_semaphore, #tpu.memory_space<semaphore_mem>>) src(%dma_wait3A_358 : memref<40xi32, #tpu.memory_space<hbm>>) dst(%dma_wait3A_355 : memref<40xi32, #tpu.memory_space<vmem>>)
        %dma_start3A_359 = arith.constant 6 : i32
        %dma_start3A_360 = arith.constant 6 : i32
        %dma_start3A_361 = arith.constant 0 : i32
        %dma_start3A_362 = arith.constant 0 : i32
        %dma_start3A_363 = tpu.memref_slice %arg7[%dma_start3A_359, %dma_start3A_361, %dma_start3A_362] : memref<7x40x128xf32, #tpu.memory_space<vmem>> -> memref<1x40x128xf32, #tpu.memory_space<vmem>>
        %dma_start3A_364 = tpu.memref_squeeze %dma_start3A_363 : memref<1x40x128xf32, #tpu.memory_space<vmem>> -> memref<40x128xf32, #tpu.memory_space<vmem>>
        %dma_start3A_365 = arith.constant 0 : i32
        %dma_start3A_366 = tpu.memref_slice %arg10[%dma_start3A_360, %dma_start3A_365] : memref<7x40xi32, #tpu.memory_space<vmem>> -> memref<1x40xi32, #tpu.memory_space<vmem>>
        %dma_start3A_367 = tpu.memref_squeeze %dma_start3A_366 : memref<1x40xi32, #tpu.memory_space<vmem>> -> memref<40xi32, #tpu.memory_space<vmem>>
        %dma_start3A_368 = arith.constant 0 : i32
        %dma_start3A_369 = arith.constant 0 : i32
        %dma_start3A_370 = tpu.memref_slice %arg6[%dma_start3A_368, %dma_start3A_369] : memref<10000x128xf32, #tpu.memory_space<vmem_shared>> -> memref<10000x128xf32, #tpu.memory_space<vmem_shared>>
        tpu.enqueue_indirect_dma source(%dma_start3A_364 : memref<40x128xf32, #tpu.memory_space<vmem>>) target(%dma_start3A_370 : memref<10000x128xf32, #tpu.memory_space<vmem_shared>>) offsets(%dma_start3A_367 : memref<40xi32, #tpu.memory_space<vmem>>) semaphore(%arg24 : memref<!tpu.dma_semaphore, #tpu.memory_space<semaphore_mem>>) {add = true}
      } else {
      }
      %add3A_238 = arith.constant 0 : i32
      %add3A_239 = arith.addi %mul3A_191, %add3A_238 : i32
      %add3A_240 = arith.constant 7 : i32
      %add3A_241 = arith.addi %add3A_239, %add3A_240 : i32
      %lt3A_242 = arith.constant 250 : i32
      %lt3A_243 = arith.cmpi slt, %add3A_239, %lt3A_242 : i32
      %convert_element_type3A_244 = arith.extui %lt3A_243 : i1 to i32
      %cond3A_245 = arith.constant 0 : i32
      %cond3A_246 = arith.cmpi ne, %convert_element_type3A_244, %cond3A_245 : i32
      scf.if %cond3A_246 {
        %dma_wait3A = arith.constant 0 : i32
        %dma_wait3A_336 = arith.constant 0 : i32
        %dma_wait3A_337 = arith.constant 0 : i32
        %dma_wait3A_338 = arith.constant 0 : i32
        %dma_wait3A_339 = tpu.memref_slice %arg7[%dma_wait3A, %dma_wait3A_337, %dma_wait3A_338] : memref<7x40x128xf32, #tpu.memory_space<vmem>> -> memref<1x40x128xf32, #tpu.memory_space<vmem>>
        %dma_wait3A_340 = tpu.memref_squeeze %dma_wait3A_339 : memref<1x40x128xf32, #tpu.memory_space<vmem>> -> memref<40x128xf32, #tpu.memory_space<vmem>>
        %dma_wait3A_341 = arith.constant 0 : i32
        %dma_wait3A_342 = tpu.memref_slice %arg10[%dma_wait3A_336, %dma_wait3A_341] : memref<7x40xi32, #tpu.memory_space<vmem>> -> memref<1x40xi32, #tpu.memory_space<vmem>>
        %dma_wait3A_343 = tpu.memref_squeeze %dma_wait3A_342 : memref<1x40xi32, #tpu.memory_space<vmem>> -> memref<40xi32, #tpu.memory_space<vmem>>
        %dma_wait3A_344 = arith.constant 0 : i32
        %dma_wait3A_345 = arith.constant 0 : i32
        %dma_wait3A_346 = tpu.memref_slice %arg6[%dma_wait3A_344, %dma_wait3A_345] : memref<10000x128xf32, #tpu.memory_space<vmem_shared>> -> memref<10000x128xf32, #tpu.memory_space<vmem_shared>>
        tpu.wait_indirect_dma semaphore(%arg18 : memref<!tpu.dma_semaphore, #tpu.memory_space<semaphore_mem>>) src(%dma_wait3A_340 : memref<40x128xf32, #tpu.memory_space<vmem>>) dst(%dma_wait3A_346 : memref<10000x128xf32, #tpu.memory_space<vmem_shared>>)
      } else {
      }
      %lt3A_247 = arith.constant 250 : i32
      %lt3A_248 = arith.cmpi slt, %add3A_241, %lt3A_247 : i32
      %convert_element_type3A_249 = arith.extui %lt3A_248 : i1 to i32
      %cond3A_250 = arith.constant 0 : i32
      %cond3A_251 = arith.cmpi ne, %convert_element_type3A_249, %cond3A_250 : i32
      scf.if %cond3A_251 {
        %mul3A_336 = arith.constant 40 : i32
        %mul3A_337 = arith.muli %add3A_241, %mul3A_336 : i32
        %dma_start3A_338 = arith.constant 0 : i32
        %dma_start3A_339 = arith.constant 0 : i32
        %dma_start3A_340 = arith.constant 0 : i32
        %dma_start3A_341 = tpu.memref_slice %arg7[%dma_start3A_338, %dma_start3A_339, %dma_start3A_340] : memref<7x40x128xf32, #tpu.memory_space<vmem>> -> memref<1x40x128xf32, #tpu.memory_space<vmem>>
        %dma_start3A_342 = tpu.memref_squeeze %dma_start3A_341 : memref<1x40x128xf32, #tpu.memory_space<vmem>> -> memref<40x128xf32, #tpu.memory_space<vmem>>
        %dma_start3A_343 = tpu.memref_slice %arg9[%mul3A_337] : memref<10000xi32, #tpu.memory_space<vmem>> -> memref<40xi32, #tpu.memory_space<vmem>>
        %dma_start3A_344 = arith.constant 0 : i32
        %dma_start3A_345 = arith.constant 0 : i32
        %dma_start3A_346 = tpu.memref_slice %arg2[%dma_start3A_344, %dma_start3A_345] : memref<10000x128xf32, #tpu.memory_space<hbm>> -> memref<10000x128xf32, #tpu.memory_space<hbm>>
        tpu.enqueue_indirect_dma source(%dma_start3A_346 : memref<10000x128xf32, #tpu.memory_space<hbm>>) target(%dma_start3A_342 : memref<40x128xf32, #tpu.memory_space<vmem>>) offsets(%dma_start3A_343 : memref<40xi32, #tpu.memory_space<vmem>>) semaphore(%arg11 : memref<!tpu.dma_semaphore, #tpu.memory_space<semaphore_mem>>)
        %dma_start3A_347 = arith.constant 0 : i32
        %dma_start3A_348 = arith.constant 0 : i32
        %dma_start3A_349 = tpu.memref_slice %arg10[%dma_start3A_347, %dma_start3A_348] : memref<7x40xi32, #tpu.memory_space<vmem>> -> memref<1x40xi32, #tpu.memory_space<vmem>>
        %dma_start3A_350 = tpu.memref_squeeze %dma_start3A_349 : memref<1x40xi32, #tpu.memory_space<vmem>> -> memref<40xi32, #tpu.memory_space<vmem>>
        %dma_start3A_351 = arith.constant 0 : i32
        %dma_start3A_352 = tpu.memref_slice %arg4[%add3A, %add3A_241, %dma_start3A_351] : memref<32x250x40xi32, #tpu.memory_space<hbm>> -> memref<1x1x40xi32, #tpu.memory_space<hbm>>
        %dma_start3A_353 = tpu.memref_squeeze %dma_start3A_352 : memref<1x1x40xi32, #tpu.memory_space<hbm>> -> memref<40xi32, #tpu.memory_space<hbm>>
        %dma_start3A_354 = arith.constant 0 : i32
        %dma_start3A_355 = tpu.memref_slice %arg10[%dma_start3A_347, %dma_start3A_354] : memref<7x40xi32, #tpu.memory_space<vmem>> -> memref<1x40xi32, #tpu.memory_space<vmem>>
        %dma_start3A_356 = tpu.memref_squeeze %dma_start3A_355 : memref<1x40xi32, #tpu.memory_space<vmem>> -> memref<40xi32, #tpu.memory_space<vmem>>
        %dma_start3A_357 = arith.constant 0 : i32
        %dma_start3A_358 = tpu.memref_slice %arg4[%add3A, %add3A_241, %dma_start3A_357] : memref<32x250x40xi32, #tpu.memory_space<hbm>> -> memref<1x1x40xi32, #tpu.memory_space<hbm>>
        %dma_start3A_359 = tpu.memref_squeeze %dma_start3A_358 : memref<1x1x40xi32, #tpu.memory_space<hbm>> -> memref<40xi32, #tpu.memory_space<hbm>>
        tpu.enqueue_dma source(%dma_start3A_359 : memref<40xi32, #tpu.memory_space<hbm>>) target(%dma_start3A_356 : memref<40xi32, #tpu.memory_space<vmem>>) target_semaphore(%arg25 : memref<!tpu.dma_semaphore, #tpu.memory_space<semaphore_mem>>)
      } else {
      }
      %add3A_252 = arith.constant 1 : i32
      %add3A_253 = arith.addi %mul3A_191, %add3A_252 : i32
      %add3A_254 = arith.constant 7 : i32
      %add3A_255 = arith.addi %add3A_253, %add3A_254 : i32
      %lt3A_256 = arith.constant 250 : i32
      %lt3A_257 = arith.cmpi slt, %add3A_253, %lt3A_256 : i32
      %convert_element_type3A_258 = arith.extui %lt3A_257 : i1 to i32
      %cond3A_259 = arith.constant 0 : i32
      %cond3A_260 = arith.cmpi ne, %convert_element_type3A_258, %cond3A_259 : i32
      scf.if %cond3A_260 {
        %dma_wait3A = arith.constant 1 : i32
        %dma_wait3A_336 = arith.constant 1 : i32
        %dma_wait3A_337 = arith.constant 0 : i32
        %dma_wait3A_338 = arith.constant 0 : i32
        %dma_wait3A_339 = tpu.memref_slice %arg7[%dma_wait3A, %dma_wait3A_337, %dma_wait3A_338] : memref<7x40x128xf32, #tpu.memory_space<vmem>> -> memref<1x40x128xf32, #tpu.memory_space<vmem>>
        %dma_wait3A_340 = tpu.memref_squeeze %dma_wait3A_339 : memref<1x40x128xf32, #tpu.memory_space<vmem>> -> memref<40x128xf32, #tpu.memory_space<vmem>>
        %dma_wait3A_341 = arith.constant 0 : i32
        %dma_wait3A_342 = tpu.memref_slice %arg10[%dma_wait3A_336, %dma_wait3A_341] : memref<7x40xi32, #tpu.memory_space<vmem>> -> memref<1x40xi32, #tpu.memory_space<vmem>>
        %dma_wait3A_343 = tpu.memref_squeeze %dma_wait3A_342 : memref<1x40xi32, #tpu.memory_space<vmem>> -> memref<40xi32, #tpu.memory_space<vmem>>
        %dma_wait3A_344 = arith.constant 0 : i32
        %dma_wait3A_345 = arith.constant 0 : i32
        %dma_wait3A_346 = tpu.memref_slice %arg6[%dma_wait3A_344, %dma_wait3A_345] : memref<10000x128xf32, #tpu.memory_space<vmem_shared>> -> memref<10000x128xf32, #tpu.memory_space<vmem_shared>>
        tpu.wait_indirect_dma semaphore(%arg19 : memref<!tpu.dma_semaphore, #tpu.memory_space<semaphore_mem>>) src(%dma_wait3A_340 : memref<40x128xf32, #tpu.memory_space<vmem>>) dst(%dma_wait3A_346 : memref<10000x128xf32, #tpu.memory_space<vmem_shared>>)
      } else {
      }
      %lt3A_261 = arith.constant 250 : i32
      %lt3A_262 = arith.cmpi slt, %add3A_255, %lt3A_261 : i32
      %convert_element_type3A_263 = arith.extui %lt3A_262 : i1 to i32
      %cond3A_264 = arith.constant 0 : i32
      %cond3A_265 = arith.cmpi ne, %convert_element_type3A_263, %cond3A_264 : i32
      scf.if %cond3A_265 {
        %mul3A_336 = arith.constant 40 : i32
        %mul3A_337 = arith.muli %add3A_255, %mul3A_336 : i32
        %dma_start3A_338 = arith.constant 1 : i32
        %dma_start3A_339 = arith.constant 0 : i32
        %dma_start3A_340 = arith.constant 0 : i32
        %dma_start3A_341 = tpu.memref_slice %arg7[%dma_start3A_338, %dma_start3A_339, %dma_start3A_340] : memref<7x40x128xf32, #tpu.memory_space<vmem>> -> memref<1x40x128xf32, #tpu.memory_space<vmem>>
        %dma_start3A_342 = tpu.memref_squeeze %dma_start3A_341 : memref<1x40x128xf32, #tpu.memory_space<vmem>> -> memref<40x128xf32, #tpu.memory_space<vmem>>
        %dma_start3A_343 = tpu.memref_slice %arg9[%mul3A_337] : memref<10000xi32, #tpu.memory_space<vmem>> -> memref<40xi32, #tpu.memory_space<vmem>>
        %dma_start3A_344 = arith.constant 0 : i32
        %dma_start3A_345 = arith.constant 0 : i32
        %dma_start3A_346 = tpu.memref_slice %arg2[%dma_start3A_344, %dma_start3A_345] : memref<10000x128xf32, #tpu.memory_space<hbm>> -> memref<10000x128xf32, #tpu.memory_space<hbm>>
        tpu.enqueue_indirect_dma source(%dma_start3A_346 : memref<10000x128xf32, #tpu.memory_space<hbm>>) target(%dma_start3A_342 : memref<40x128xf32, #tpu.memory_space<vmem>>) offsets(%dma_start3A_343 : memref<40xi32, #tpu.memory_space<vmem>>) semaphore(%arg12 : memref<!tpu.dma_semaphore, #tpu.memory_space<semaphore_mem>>)
        %dma_start3A_347 = arith.constant 1 : i32
        %dma_start3A_348 = arith.constant 0 : i32
        %dma_start3A_349 = tpu.memref_slice %arg10[%dma_start3A_347, %dma_start3A_348] : memref<7x40xi32, #tpu.memory_space<vmem>> -> memref<1x40xi32, #tpu.memory_space<vmem>>
        %dma_start3A_350 = tpu.memref_squeeze %dma_start3A_349 : memref<1x40xi32, #tpu.memory_space<vmem>> -> memref<40xi32, #tpu.memory_space<vmem>>
        %dma_start3A_351 = arith.constant 0 : i32
        %dma_start3A_352 = tpu.memref_slice %arg4[%add3A, %add3A_255, %dma_start3A_351] : memref<32x250x40xi32, #tpu.memory_space<hbm>> -> memref<1x1x40xi32, #tpu.memory_space<hbm>>
        %dma_start3A_353 = tpu.memref_squeeze %dma_start3A_352 : memref<1x1x40xi32, #tpu.memory_space<hbm>> -> memref<40xi32, #tpu.memory_space<hbm>>
        %dma_start3A_354 = arith.constant 0 : i32
        %dma_start3A_355 = tpu.memref_slice %arg10[%dma_start3A_347, %dma_start3A_354] : memref<7x40xi32, #tpu.memory_space<vmem>> -> memref<1x40xi32, #tpu.memory_space<vmem>>
        %dma_start3A_356 = tpu.memref_squeeze %dma_start3A_355 : memref<1x40xi32, #tpu.memory_space<vmem>> -> memref<40xi32, #tpu.memory_space<vmem>>
        %dma_start3A_357 = arith.constant 0 : i32
        %dma_start3A_358 = tpu.memref_slice %arg4[%add3A, %add3A_255, %dma_start3A_357] : memref<32x250x40xi32, #tpu.memory_space<hbm>> -> memref<1x1x40xi32, #tpu.memory_space<hbm>>
        %dma_start3A_359 = tpu.memref_squeeze %dma_start3A_358 : memref<1x1x40xi32, #tpu.memory_space<hbm>> -> memref<40xi32, #tpu.memory_space<hbm>>
        tpu.enqueue_dma source(%dma_start3A_359 : memref<40xi32, #tpu.memory_space<hbm>>) target(%dma_start3A_356 : memref<40xi32, #tpu.memory_space<vmem>>) target_semaphore(%arg26 : memref<!tpu.dma_semaphore, #tpu.memory_space<semaphore_mem>>)
      } else {
      }
      %add3A_266 = arith.constant 2 : i32
      %add3A_267 = arith.addi %mul3A_191, %add3A_266 : i32
      %add3A_268 = arith.constant 7 : i32
      %add3A_269 = arith.addi %add3A_267, %add3A_268 : i32
      %lt3A_270 = arith.constant 250 : i32
      %lt3A_271 = arith.cmpi slt, %add3A_267, %lt3A_270 : i32
      %convert_element_type3A_272 = arith.extui %lt3A_271 : i1 to i32
      %cond3A_273 = arith.constant 0 : i32
      %cond3A_274 = arith.cmpi ne, %convert_element_type3A_272, %cond3A_273 : i32
      scf.if %cond3A_274 {
        %dma_wait3A = arith.constant 2 : i32
        %dma_wait3A_336 = arith.constant 2 : i32
        %dma_wait3A_337 = arith.constant 0 : i32
        %dma_wait3A_338 = arith.constant 0 : i32
        %dma_wait3A_339 = tpu.memref_slice %arg7[%dma_wait3A, %dma_wait3A_337, %dma_wait3A_338] : memref<7x40x128xf32, #tpu.memory_space<vmem>> -> memref<1x40x128xf32, #tpu.memory_space<vmem>>
        %dma_wait3A_340 = tpu.memref_squeeze %dma_wait3A_339 : memref<1x40x128xf32, #tpu.memory_space<vmem>> -> memref<40x128xf32, #tpu.memory_space<vmem>>
        %dma_wait3A_341 = arith.constant 0 : i32
        %dma_wait3A_342 = tpu.memref_slice %arg10[%dma_wait3A_336, %dma_wait3A_341] : memref<7x40xi32, #tpu.memory_space<vmem>> -> memref<1x40xi32, #tpu.memory_space<vmem>>
        %dma_wait3A_343 = tpu.memref_squeeze %dma_wait3A_342 : memref<1x40xi32, #tpu.memory_space<vmem>> -> memref<40xi32, #tpu.memory_space<vmem>>
        %dma_wait3A_344 = arith.constant 0 : i32
        %dma_wait3A_345 = arith.constant 0 : i32
        %dma_wait3A_346 = tpu.memref_slice %arg6[%dma_wait3A_344, %dma_wait3A_345] : memref<10000x128xf32, #tpu.memory_space<vmem_shared>> -> memref<10000x128xf32, #tpu.memory_space<vmem_shared>>
        tpu.wait_indirect_dma semaphore(%arg20 : memref<!tpu.dma_semaphore, #tpu.memory_space<semaphore_mem>>) src(%dma_wait3A_340 : memref<40x128xf32, #tpu.memory_space<vmem>>) dst(%dma_wait3A_346 : memref<10000x128xf32, #tpu.memory_space<vmem_shared>>)
      } else {
      }
      %lt3A_275 = arith.constant 250 : i32
      %lt3A_276 = arith.cmpi slt, %add3A_269, %lt3A_275 : i32
      %convert_element_type3A_277 = arith.extui %lt3A_276 : i1 to i32
      %cond3A_278 = arith.constant 0 : i32
      %cond3A_279 = arith.cmpi ne, %convert_element_type3A_277, %cond3A_278 : i32
      scf.if %cond3A_279 {
        %mul3A_336 = arith.constant 40 : i32
        %mul3A_337 = arith.muli %add3A_269, %mul3A_336 : i32
        %dma_start3A_338 = arith.constant 2 : i32
        %dma_start3A_339 = arith.constant 0 : i32
        %dma_start3A_340 = arith.constant 0 : i32
        %dma_start3A_341 = tpu.memref_slice %arg7[%dma_start3A_338, %dma_start3A_339, %dma_start3A_340] : memref<7x40x128xf32, #tpu.memory_space<vmem>> -> memref<1x40x128xf32, #tpu.memory_space<vmem>>
        %dma_start3A_342 = tpu.memref_squeeze %dma_start3A_341 : memref<1x40x128xf32, #tpu.memory_space<vmem>> -> memref<40x128xf32, #tpu.memory_space<vmem>>
        %dma_start3A_343 = tpu.memref_slice %arg9[%mul3A_337] : memref<10000xi32, #tpu.memory_space<vmem>> -> memref<40xi32, #tpu.memory_space<vmem>>
        %dma_start3A_344 = arith.constant 0 : i32
        %dma_start3A_345 = arith.constant 0 : i32
        %dma_start3A_346 = tpu.memref_slice %arg2[%dma_start3A_344, %dma_start3A_345] : memref<10000x128xf32, #tpu.memory_space<hbm>> -> memref<10000x128xf32, #tpu.memory_space<hbm>>
        tpu.enqueue_indirect_dma source(%dma_start3A_346 : memref<10000x128xf32, #tpu.memory_space<hbm>>) target(%dma_start3A_342 : memref<40x128xf32, #tpu.memory_space<vmem>>) offsets(%dma_start3A_343 : memref<40xi32, #tpu.memory_space<vmem>>) semaphore(%arg13 : memref<!tpu.dma_semaphore, #tpu.memory_space<semaphore_mem>>)
        %dma_start3A_347 = arith.constant 2 : i32
        %dma_start3A_348 = arith.constant 0 : i32
        %dma_start3A_349 = tpu.memref_slice %arg10[%dma_start3A_347, %dma_start3A_348] : memref<7x40xi32, #tpu.memory_space<vmem>> -> memref<1x40xi32, #tpu.memory_space<vmem>>
        %dma_start3A_350 = tpu.memref_squeeze %dma_start3A_349 : memref<1x40xi32, #tpu.memory_space<vmem>> -> memref<40xi32, #tpu.memory_space<vmem>>
        %dma_start3A_351 = arith.constant 0 : i32
        %dma_start3A_352 = tpu.memref_slice %arg4[%add3A, %add3A_269, %dma_start3A_351] : memref<32x250x40xi32, #tpu.memory_space<hbm>> -> memref<1x1x40xi32, #tpu.memory_space<hbm>>
        %dma_start3A_353 = tpu.memref_squeeze %dma_start3A_352 : memref<1x1x40xi32, #tpu.memory_space<hbm>> -> memref<40xi32, #tpu.memory_space<hbm>>
        %dma_start3A_354 = arith.constant 0 : i32
        %dma_start3A_355 = tpu.memref_slice %arg10[%dma_start3A_347, %dma_start3A_354] : memref<7x40xi32, #tpu.memory_space<vmem>> -> memref<1x40xi32, #tpu.memory_space<vmem>>
        %dma_start3A_356 = tpu.memref_squeeze %dma_start3A_355 : memref<1x40xi32, #tpu.memory_space<vmem>> -> memref<40xi32, #tpu.memory_space<vmem>>
        %dma_start3A_357 = arith.constant 0 : i32
        %dma_start3A_358 = tpu.memref_slice %arg4[%add3A, %add3A_269, %dma_start3A_357] : memref<32x250x40xi32, #tpu.memory_space<hbm>> -> memref<1x1x40xi32, #tpu.memory_space<hbm>>
        %dma_start3A_359 = tpu.memref_squeeze %dma_start3A_358 : memref<1x1x40xi32, #tpu.memory_space<hbm>> -> memref<40xi32, #tpu.memory_space<hbm>>
        tpu.enqueue_dma source(%dma_start3A_359 : memref<40xi32, #tpu.memory_space<hbm>>) target(%dma_start3A_356 : memref<40xi32, #tpu.memory_space<vmem>>) target_semaphore(%arg27 : memref<!tpu.dma_semaphore, #tpu.memory_space<semaphore_mem>>)
      } else {
      }
      %add3A_280 = arith.constant 3 : i32
      %add3A_281 = arith.addi %mul3A_191, %add3A_280 : i32
      %add3A_282 = arith.constant 7 : i32
      %add3A_283 = arith.addi %add3A_281, %add3A_282 : i32
      %lt3A_284 = arith.constant 250 : i32
      %lt3A_285 = arith.cmpi slt, %add3A_281, %lt3A_284 : i32
      %convert_element_type3A_286 = arith.extui %lt3A_285 : i1 to i32
      %cond3A_287 = arith.constant 0 : i32
      %cond3A_288 = arith.cmpi ne, %convert_element_type3A_286, %cond3A_287 : i32
      scf.if %cond3A_288 {
        %dma_wait3A = arith.constant 3 : i32
        %dma_wait3A_336 = arith.constant 3 : i32
        %dma_wait3A_337 = arith.constant 0 : i32
        %dma_wait3A_338 = arith.constant 0 : i32
        %dma_wait3A_339 = tpu.memref_slice %arg7[%dma_wait3A, %dma_wait3A_337, %dma_wait3A_338] : memref<7x40x128xf32, #tpu.memory_space<vmem>> -> memref<1x40x128xf32, #tpu.memory_space<vmem>>
        %dma_wait3A_340 = tpu.memref_squeeze %dma_wait3A_339 : memref<1x40x128xf32, #tpu.memory_space<vmem>> -> memref<40x128xf32, #tpu.memory_space<vmem>>
        %dma_wait3A_341 = arith.constant 0 : i32
        %dma_wait3A_342 = tpu.memref_slice %arg10[%dma_wait3A_336, %dma_wait3A_341] : memref<7x40xi32, #tpu.memory_space<vmem>> -> memref<1x40xi32, #tpu.memory_space<vmem>>
        %dma_wait3A_343 = tpu.memref_squeeze %dma_wait3A_342 : memref<1x40xi32, #tpu.memory_space<vmem>> -> memref<40xi32, #tpu.memory_space<vmem>>
        %dma_wait3A_344 = arith.constant 0 : i32
        %dma_wait3A_345 = arith.constant 0 : i32
        %dma_wait3A_346 = tpu.memref_slice %arg6[%dma_wait3A_344, %dma_wait3A_345] : memref<10000x128xf32, #tpu.memory_space<vmem_shared>> -> memref<10000x128xf32, #tpu.memory_space<vmem_shared>>
        tpu.wait_indirect_dma semaphore(%arg21 : memref<!tpu.dma_semaphore, #tpu.memory_space<semaphore_mem>>) src(%dma_wait3A_340 : memref<40x128xf32, #tpu.memory_space<vmem>>) dst(%dma_wait3A_346 : memref<10000x128xf32, #tpu.memory_space<vmem_shared>>)
      } else {
      }
      %lt3A_289 = arith.constant 250 : i32
      %lt3A_290 = arith.cmpi slt, %add3A_283, %lt3A_289 : i32
      %convert_element_type3A_291 = arith.extui %lt3A_290 : i1 to i32
      %cond3A_292 = arith.constant 0 : i32
      %cond3A_293 = arith.cmpi ne, %convert_element_type3A_291, %cond3A_292 : i32
      scf.if %cond3A_293 {
        %mul3A_336 = arith.constant 40 : i32
        %mul3A_337 = arith.muli %add3A_283, %mul3A_336 : i32
        %dma_start3A_338 = arith.constant 3 : i32
        %dma_start3A_339 = arith.constant 0 : i32
        %dma_start3A_340 = arith.constant 0 : i32
        %dma_start3A_341 = tpu.memref_slice %arg7[%dma_start3A_338, %dma_start3A_339, %dma_start3A_340] : memref<7x40x128xf32, #tpu.memory_space<vmem>> -> memref<1x40x128xf32, #tpu.memory_space<vmem>>
        %dma_start3A_342 = tpu.memref_squeeze %dma_start3A_341 : memref<1x40x128xf32, #tpu.memory_space<vmem>> -> memref<40x128xf32, #tpu.memory_space<vmem>>
        %dma_start3A_343 = tpu.memref_slice %arg9[%mul3A_337] : memref<10000xi32, #tpu.memory_space<vmem>> -> memref<40xi32, #tpu.memory_space<vmem>>
        %dma_start3A_344 = arith.constant 0 : i32
        %dma_start3A_345 = arith.constant 0 : i32
        %dma_start3A_346 = tpu.memref_slice %arg2[%dma_start3A_344, %dma_start3A_345] : memref<10000x128xf32, #tpu.memory_space<hbm>> -> memref<10000x128xf32, #tpu.memory_space<hbm>>
        tpu.enqueue_indirect_dma source(%dma_start3A_346 : memref<10000x128xf32, #tpu.memory_space<hbm>>) target(%dma_start3A_342 : memref<40x128xf32, #tpu.memory_space<vmem>>) offsets(%dma_start3A_343 : memref<40xi32, #tpu.memory_space<vmem>>) semaphore(%arg14 : memref<!tpu.dma_semaphore, #tpu.memory_space<semaphore_mem>>)
        %dma_start3A_347 = arith.constant 3 : i32
        %dma_start3A_348 = arith.constant 0 : i32
        %dma_start3A_349 = tpu.memref_slice %arg10[%dma_start3A_347, %dma_start3A_348] : memref<7x40xi32, #tpu.memory_space<vmem>> -> memref<1x40xi32, #tpu.memory_space<vmem>>
        %dma_start3A_350 = tpu.memref_squeeze %dma_start3A_349 : memref<1x40xi32, #tpu.memory_space<vmem>> -> memref<40xi32, #tpu.memory_space<vmem>>
        %dma_start3A_351 = arith.constant 0 : i32
        %dma_start3A_352 = tpu.memref_slice %arg4[%add3A, %add3A_283, %dma_start3A_351] : memref<32x250x40xi32, #tpu.memory_space<hbm>> -> memref<1x1x40xi32, #tpu.memory_space<hbm>>
        %dma_start3A_353 = tpu.memref_squeeze %dma_start3A_352 : memref<1x1x40xi32, #tpu.memory_space<hbm>> -> memref<40xi32, #tpu.memory_space<hbm>>
        %dma_start3A_354 = arith.constant 0 : i32
        %dma_start3A_355 = tpu.memref_slice %arg10[%dma_start3A_347, %dma_start3A_354] : memref<7x40xi32, #tpu.memory_space<vmem>> -> memref<1x40xi32, #tpu.memory_space<vmem>>
        %dma_start3A_356 = tpu.memref_squeeze %dma_start3A_355 : memref<1x40xi32, #tpu.memory_space<vmem>> -> memref<40xi32, #tpu.memory_space<vmem>>
        %dma_start3A_357 = arith.constant 0 : i32
        %dma_start3A_358 = tpu.memref_slice %arg4[%add3A, %add3A_283, %dma_start3A_357] : memref<32x250x40xi32, #tpu.memory_space<hbm>> -> memref<1x1x40xi32, #tpu.memory_space<hbm>>
        %dma_start3A_359 = tpu.memref_squeeze %dma_start3A_358 : memref<1x1x40xi32, #tpu.memory_space<hbm>> -> memref<40xi32, #tpu.memory_space<hbm>>
        tpu.enqueue_dma source(%dma_start3A_359 : memref<40xi32, #tpu.memory_space<hbm>>) target(%dma_start3A_356 : memref<40xi32, #tpu.memory_space<vmem>>) target_semaphore(%arg28 : memref<!tpu.dma_semaphore, #tpu.memory_space<semaphore_mem>>)
      } else {
      }
      %add3A_294 = arith.constant 4 : i32
      %add3A_295 = arith.addi %mul3A_191, %add3A_294 : i32
      %add3A_296 = arith.constant 7 : i32
      %add3A_297 = arith.addi %add3A_295, %add3A_296 : i32
      %lt3A_298 = arith.constant 250 : i32
      %lt3A_299 = arith.cmpi slt, %add3A_295, %lt3A_298 : i32
      %convert_element_type3A_300 = arith.extui %lt3A_299 : i1 to i32
      %cond3A_301 = arith.constant 0 : i32
      %cond3A_302 = arith.cmpi ne, %convert_element_type3A_300, %cond3A_301 : i32
      scf.if %cond3A_302 {
        %dma_wait3A = arith.constant 4 : i32
        %dma_wait3A_336 = arith.constant 4 : i32
        %dma_wait3A_337 = arith.constant 0 : i32
        %dma_wait3A_338 = arith.constant 0 : i32
        %dma_wait3A_339 = tpu.memref_slice %arg7[%dma_wait3A, %dma_wait3A_337, %dma_wait3A_338] : memref<7x40x128xf32, #tpu.memory_space<vmem>> -> memref<1x40x128xf32, #tpu.memory_space<vmem>>
        %dma_wait3A_340 = tpu.memref_squeeze %dma_wait3A_339 : memref<1x40x128xf32, #tpu.memory_space<vmem>> -> memref<40x128xf32, #tpu.memory_space<vmem>>
        %dma_wait3A_341 = arith.constant 0 : i32
        %dma_wait3A_342 = tpu.memref_slice %arg10[%dma_wait3A_336, %dma_wait3A_341] : memref<7x40xi32, #tpu.memory_space<vmem>> -> memref<1x40xi32, #tpu.memory_space<vmem>>
        %dma_wait3A_343 = tpu.memref_squeeze %dma_wait3A_342 : memref<1x40xi32, #tpu.memory_space<vmem>> -> memref<40xi32, #tpu.memory_space<vmem>>
        %dma_wait3A_344 = arith.constant 0 : i32
        %dma_wait3A_345 = arith.constant 0 : i32
        %dma_wait3A_346 = tpu.memref_slice %arg6[%dma_wait3A_344, %dma_wait3A_345] : memref<10000x128xf32, #tpu.memory_space<vmem_shared>> -> memref<10000x128xf32, #tpu.memory_space<vmem_shared>>
        tpu.wait_indirect_dma semaphore(%arg22 : memref<!tpu.dma_semaphore, #tpu.memory_space<semaphore_mem>>) src(%dma_wait3A_340 : memref<40x128xf32, #tpu.memory_space<vmem>>) dst(%dma_wait3A_346 : memref<10000x128xf32, #tpu.memory_space<vmem_shared>>)
      } else {
      }
      %lt3A_303 = arith.constant 250 : i32
      %lt3A_304 = arith.cmpi slt, %add3A_297, %lt3A_303 : i32
      %convert_element_type3A_305 = arith.extui %lt3A_304 : i1 to i32
      %cond3A_306 = arith.constant 0 : i32
      %cond3A_307 = arith.cmpi ne, %convert_element_type3A_305, %cond3A_306 : i32
      scf.if %cond3A_307 {
        %mul3A_336 = arith.constant 40 : i32
        %mul3A_337 = arith.muli %add3A_297, %mul3A_336 : i32
        %dma_start3A_338 = arith.constant 4 : i32
        %dma_start3A_339 = arith.constant 0 : i32
        %dma_start3A_340 = arith.constant 0 : i32
        %dma_start3A_341 = tpu.memref_slice %arg7[%dma_start3A_338, %dma_start3A_339, %dma_start3A_340] : memref<7x40x128xf32, #tpu.memory_space<vmem>> -> memref<1x40x128xf32, #tpu.memory_space<vmem>>
        %dma_start3A_342 = tpu.memref_squeeze %dma_start3A_341 : memref<1x40x128xf32, #tpu.memory_space<vmem>> -> memref<40x128xf32, #tpu.memory_space<vmem>>
        %dma_start3A_343 = tpu.memref_slice %arg9[%mul3A_337] : memref<10000xi32, #tpu.memory_space<vmem>> -> memref<40xi32, #tpu.memory_space<vmem>>
        %dma_start3A_344 = arith.constant 0 : i32
        %dma_start3A_345 = arith.constant 0 : i32
        %dma_start3A_346 = tpu.memref_slice %arg2[%dma_start3A_344, %dma_start3A_345] : memref<10000x128xf32, #tpu.memory_space<hbm>> -> memref<10000x128xf32, #tpu.memory_space<hbm>>
        tpu.enqueue_indirect_dma source(%dma_start3A_346 : memref<10000x128xf32, #tpu.memory_space<hbm>>) target(%dma_start3A_342 : memref<40x128xf32, #tpu.memory_space<vmem>>) offsets(%dma_start3A_343 : memref<40xi32, #tpu.memory_space<vmem>>) semaphore(%arg15 : memref<!tpu.dma_semaphore, #tpu.memory_space<semaphore_mem>>)
        %dma_start3A_347 = arith.constant 4 : i32
        %dma_start3A_348 = arith.constant 0 : i32
        %dma_start3A_349 = tpu.memref_slice %arg10[%dma_start3A_347, %dma_start3A_348] : memref<7x40xi32, #tpu.memory_space<vmem>> -> memref<1x40xi32, #tpu.memory_space<vmem>>
        %dma_start3A_350 = tpu.memref_squeeze %dma_start3A_349 : memref<1x40xi32, #tpu.memory_space<vmem>> -> memref<40xi32, #tpu.memory_space<vmem>>
        %dma_start3A_351 = arith.constant 0 : i32
        %dma_start3A_352 = tpu.memref_slice %arg4[%add3A, %add3A_297, %dma_start3A_351] : memref<32x250x40xi32, #tpu.memory_space<hbm>> -> memref<1x1x40xi32, #tpu.memory_space<hbm>>
        %dma_start3A_353 = tpu.memref_squeeze %dma_start3A_352 : memref<1x1x40xi32, #tpu.memory_space<hbm>> -> memref<40xi32, #tpu.memory_space<hbm>>
        %dma_start3A_354 = arith.constant 0 : i32
        %dma_start3A_355 = tpu.memref_slice %arg10[%dma_start3A_347, %dma_start3A_354] : memref<7x40xi32, #tpu.memory_space<vmem>> -> memref<1x40xi32, #tpu.memory_space<vmem>>
        %dma_start3A_356 = tpu.memref_squeeze %dma_start3A_355 : memref<1x40xi32, #tpu.memory_space<vmem>> -> memref<40xi32, #tpu.memory_space<vmem>>
        %dma_start3A_357 = arith.constant 0 : i32
        %dma_start3A_358 = tpu.memref_slice %arg4[%add3A, %add3A_297, %dma_start3A_357] : memref<32x250x40xi32, #tpu.memory_space<hbm>> -> memref<1x1x40xi32, #tpu.memory_space<hbm>>
        %dma_start3A_359 = tpu.memref_squeeze %dma_start3A_358 : memref<1x1x40xi32, #tpu.memory_space<hbm>> -> memref<40xi32, #tpu.memory_space<hbm>>
        tpu.enqueue_dma source(%dma_start3A_359 : memref<40xi32, #tpu.memory_space<hbm>>) target(%dma_start3A_356 : memref<40xi32, #tpu.memory_space<vmem>>) target_semaphore(%arg29 : memref<!tpu.dma_semaphore, #tpu.memory_space<semaphore_mem>>)
      } else {
      }
      %add3A_308 = arith.constant 5 : i32
      %add3A_309 = arith.addi %mul3A_191, %add3A_308 : i32
      %add3A_310 = arith.constant 7 : i32
      %add3A_311 = arith.addi %add3A_309, %add3A_310 : i32
      %lt3A_312 = arith.constant 250 : i32
      %lt3A_313 = arith.cmpi slt, %add3A_309, %lt3A_312 : i32
      %convert_element_type3A_314 = arith.extui %lt3A_313 : i1 to i32
      %cond3A_315 = arith.constant 0 : i32
      %cond3A_316 = arith.cmpi ne, %convert_element_type3A_314, %cond3A_315 : i32
      scf.if %cond3A_316 {
        %dma_wait3A = arith.constant 5 : i32
        %dma_wait3A_336 = arith.constant 5 : i32
        %dma_wait3A_337 = arith.constant 0 : i32
        %dma_wait3A_338 = arith.constant 0 : i32
        %dma_wait3A_339 = tpu.memref_slice %arg7[%dma_wait3A, %dma_wait3A_337, %dma_wait3A_338] : memref<7x40x128xf32, #tpu.memory_space<vmem>> -> memref<1x40x128xf32, #tpu.memory_space<vmem>>
        %dma_wait3A_340 = tpu.memref_squeeze %dma_wait3A_339 : memref<1x40x128xf32, #tpu.memory_space<vmem>> -> memref<40x128xf32, #tpu.memory_space<vmem>>
        %dma_wait3A_341 = arith.constant 0 : i32
        %dma_wait3A_342 = tpu.memref_slice %arg10[%dma_wait3A_336, %dma_wait3A_341] : memref<7x40xi32, #tpu.memory_space<vmem>> -> memref<1x40xi32, #tpu.memory_space<vmem>>
        %dma_wait3A_343 = tpu.memref_squeeze %dma_wait3A_342 : memref<1x40xi32, #tpu.memory_space<vmem>> -> memref<40xi32, #tpu.memory_space<vmem>>
        %dma_wait3A_344 = arith.constant 0 : i32
        %dma_wait3A_345 = arith.constant 0 : i32
        %dma_wait3A_346 = tpu.memref_slice %arg6[%dma_wait3A_344, %dma_wait3A_345] : memref<10000x128xf32, #tpu.memory_space<vmem_shared>> -> memref<10000x128xf32, #tpu.memory_space<vmem_shared>>
        tpu.wait_indirect_dma semaphore(%arg23 : memref<!tpu.dma_semaphore, #tpu.memory_space<semaphore_mem>>) src(%dma_wait3A_340 : memref<40x128xf32, #tpu.memory_space<vmem>>) dst(%dma_wait3A_346 : memref<10000x128xf32, #tpu.memory_space<vmem_shared>>)
      } else {
      }
      %lt3A_317 = arith.constant 250 : i32
      %lt3A_318 = arith.cmpi slt, %add3A_311, %lt3A_317 : i32
      %convert_element_type3A_319 = arith.extui %lt3A_318 : i1 to i32
      %cond3A_320 = arith.constant 0 : i32
      %cond3A_321 = arith.cmpi ne, %convert_element_type3A_319, %cond3A_320 : i32
      scf.if %cond3A_321 {
        %mul3A_336 = arith.constant 40 : i32
        %mul3A_337 = arith.muli %add3A_311, %mul3A_336 : i32
        %dma_start3A_338 = arith.constant 5 : i32
        %dma_start3A_339 = arith.constant 0 : i32
        %dma_start3A_340 = arith.constant 0 : i32
        %dma_start3A_341 = tpu.memref_slice %arg7[%dma_start3A_338, %dma_start3A_339, %dma_start3A_340] : memref<7x40x128xf32, #tpu.memory_space<vmem>> -> memref<1x40x128xf32, #tpu.memory_space<vmem>>
        %dma_start3A_342 = tpu.memref_squeeze %dma_start3A_341 : memref<1x40x128xf32, #tpu.memory_space<vmem>> -> memref<40x128xf32, #tpu.memory_space<vmem>>
        %dma_start3A_343 = tpu.memref_slice %arg9[%mul3A_337] : memref<10000xi32, #tpu.memory_space<vmem>> -> memref<40xi32, #tpu.memory_space<vmem>>
        %dma_start3A_344 = arith.constant 0 : i32
        %dma_start3A_345 = arith.constant 0 : i32
        %dma_start3A_346 = tpu.memref_slice %arg2[%dma_start3A_344, %dma_start3A_345] : memref<10000x128xf32, #tpu.memory_space<hbm>> -> memref<10000x128xf32, #tpu.memory_space<hbm>>
        tpu.enqueue_indirect_dma source(%dma_start3A_346 : memref<10000x128xf32, #tpu.memory_space<hbm>>) target(%dma_start3A_342 : memref<40x128xf32, #tpu.memory_space<vmem>>) offsets(%dma_start3A_343 : memref<40xi32, #tpu.memory_space<vmem>>) semaphore(%arg16 : memref<!tpu.dma_semaphore, #tpu.memory_space<semaphore_mem>>)
        %dma_start3A_347 = arith.constant 5 : i32
        %dma_start3A_348 = arith.constant 0 : i32
        %dma_start3A_349 = tpu.memref_slice %arg10[%dma_start3A_347, %dma_start3A_348] : memref<7x40xi32, #tpu.memory_space<vmem>> -> memref<1x40xi32, #tpu.memory_space<vmem>>
        %dma_start3A_350 = tpu.memref_squeeze %dma_start3A_349 : memref<1x40xi32, #tpu.memory_space<vmem>> -> memref<40xi32, #tpu.memory_space<vmem>>
        %dma_start3A_351 = arith.constant 0 : i32
        %dma_start3A_352 = tpu.memref_slice %arg4[%add3A, %add3A_311, %dma_start3A_351] : memref<32x250x40xi32, #tpu.memory_space<hbm>> -> memref<1x1x40xi32, #tpu.memory_space<hbm>>
        %dma_start3A_353 = tpu.memref_squeeze %dma_start3A_352 : memref<1x1x40xi32, #tpu.memory_space<hbm>> -> memref<40xi32, #tpu.memory_space<hbm>>
        %dma_start3A_354 = arith.constant 0 : i32
        %dma_start3A_355 = tpu.memref_slice %arg10[%dma_start3A_347, %dma_start3A_354] : memref<7x40xi32, #tpu.memory_space<vmem>> -> memref<1x40xi32, #tpu.memory_space<vmem>>
        %dma_start3A_356 = tpu.memref_squeeze %dma_start3A_355 : memref<1x40xi32, #tpu.memory_space<vmem>> -> memref<40xi32, #tpu.memory_space<vmem>>
        %dma_start3A_357 = arith.constant 0 : i32
        %dma_start3A_358 = tpu.memref_slice %arg4[%add3A, %add3A_311, %dma_start3A_357] : memref<32x250x40xi32, #tpu.memory_space<hbm>> -> memref<1x1x40xi32, #tpu.memory_space<hbm>>
        %dma_start3A_359 = tpu.memref_squeeze %dma_start3A_358 : memref<1x1x40xi32, #tpu.memory_space<hbm>> -> memref<40xi32, #tpu.memory_space<hbm>>
        tpu.enqueue_dma source(%dma_start3A_359 : memref<40xi32, #tpu.memory_space<hbm>>) target(%dma_start3A_356 : memref<40xi32, #tpu.memory_space<vmem>>) target_semaphore(%arg30 : memref<!tpu.dma_semaphore, #tpu.memory_space<semaphore_mem>>)
      } else {
      }
      %add3A_322 = arith.constant 6 : i32
      %add3A_323 = arith.addi %mul3A_191, %add3A_322 : i32
      %add3A_324 = arith.constant 7 : i32
      %add3A_325 = arith.addi %add3A_323, %add3A_324 : i32
      %lt3A_326 = arith.constant 250 : i32
      %lt3A_327 = arith.cmpi slt, %add3A_323, %lt3A_326 : i32
      %convert_element_type3A_328 = arith.extui %lt3A_327 : i1 to i32
      %cond3A_329 = arith.constant 0 : i32
      %cond3A_330 = arith.cmpi ne, %convert_element_type3A_328, %cond3A_329 : i32
      scf.if %cond3A_330 {
        %dma_wait3A = arith.constant 6 : i32
        %dma_wait3A_336 = arith.constant 6 : i32
        %dma_wait3A_337 = arith.constant 0 : i32
        %dma_wait3A_338 = arith.constant 0 : i32
        %dma_wait3A_339 = tpu.memref_slice %arg7[%dma_wait3A, %dma_wait3A_337, %dma_wait3A_338] : memref<7x40x128xf32, #tpu.memory_space<vmem>> -> memref<1x40x128xf32, #tpu.memory_space<vmem>>
        %dma_wait3A_340 = tpu.memref_squeeze %dma_wait3A_339 : memref<1x40x128xf32, #tpu.memory_space<vmem>> -> memref<40x128xf32, #tpu.memory_space<vmem>>
        %dma_wait3A_341 = arith.constant 0 : i32
        %dma_wait3A_342 = tpu.memref_slice %arg10[%dma_wait3A_336, %dma_wait3A_341] : memref<7x40xi32, #tpu.memory_space<vmem>> -> memref<1x40xi32, #tpu.memory_space<vmem>>
        %dma_wait3A_343 = tpu.memref_squeeze %dma_wait3A_342 : memref<1x40xi32, #tpu.memory_space<vmem>> -> memref<40xi32, #tpu.memory_space<vmem>>
        %dma_wait3A_344 = arith.constant 0 : i32
        %dma_wait3A_345 = arith.constant 0 : i32
        %dma_wait3A_346 = tpu.memref_slice %arg6[%dma_wait3A_344, %dma_wait3A_345] : memref<10000x128xf32, #tpu.memory_space<vmem_shared>> -> memref<10000x128xf32, #tpu.memory_space<vmem_shared>>
        tpu.wait_indirect_dma semaphore(%arg24 : memref<!tpu.dma_semaphore, #tpu.memory_space<semaphore_mem>>) src(%dma_wait3A_340 : memref<40x128xf32, #tpu.memory_space<vmem>>) dst(%dma_wait3A_346 : memref<10000x128xf32, #tpu.memory_space<vmem_shared>>)
      } else {
      }
      %lt3A_331 = arith.constant 250 : i32
      %lt3A_332 = arith.cmpi slt, %add3A_325, %lt3A_331 : i32
      %convert_element_type3A_333 = arith.extui %lt3A_332 : i1 to i32
      %cond3A_334 = arith.constant 0 : i32
      %cond3A_335 = arith.cmpi ne, %convert_element_type3A_333, %cond3A_334 : i32
      scf.if %cond3A_335 {
        %mul3A_336 = arith.constant 40 : i32
        %mul3A_337 = arith.muli %add3A_325, %mul3A_336 : i32
        %dma_start3A_338 = arith.constant 6 : i32
        %dma_start3A_339 = arith.constant 0 : i32
        %dma_start3A_340 = arith.constant 0 : i32
        %dma_start3A_341 = tpu.memref_slice %arg7[%dma_start3A_338, %dma_start3A_339, %dma_start3A_340] : memref<7x40x128xf32, #tpu.memory_space<vmem>> -> memref<1x40x128xf32, #tpu.memory_space<vmem>>
        %dma_start3A_342 = tpu.memref_squeeze %dma_start3A_341 : memref<1x40x128xf32, #tpu.memory_space<vmem>> -> memref<40x128xf32, #tpu.memory_space<vmem>>
        %dma_start3A_343 = tpu.memref_slice %arg9[%mul3A_337] : memref<10000xi32, #tpu.memory_space<vmem>> -> memref<40xi32, #tpu.memory_space<vmem>>
        %dma_start3A_344 = arith.constant 0 : i32
        %dma_start3A_345 = arith.constant 0 : i32
        %dma_start3A_346 = tpu.memref_slice %arg2[%dma_start3A_344, %dma_start3A_345] : memref<10000x128xf32, #tpu.memory_space<hbm>> -> memref<10000x128xf32, #tpu.memory_space<hbm>>
        tpu.enqueue_indirect_dma source(%dma_start3A_346 : memref<10000x128xf32, #tpu.memory_space<hbm>>) target(%dma_start3A_342 : memref<40x128xf32, #tpu.memory_space<vmem>>) offsets(%dma_start3A_343 : memref<40xi32, #tpu.memory_space<vmem>>) semaphore(%arg17 : memref<!tpu.dma_semaphore, #tpu.memory_space<semaphore_mem>>)
        %dma_start3A_347 = arith.constant 6 : i32
        %dma_start3A_348 = arith.constant 0 : i32
        %dma_start3A_349 = tpu.memref_slice %arg10[%dma_start3A_347, %dma_start3A_348] : memref<7x40xi32, #tpu.memory_space<vmem>> -> memref<1x40xi32, #tpu.memory_space<vmem>>
        %dma_start3A_350 = tpu.memref_squeeze %dma_start3A_349 : memref<1x40xi32, #tpu.memory_space<vmem>> -> memref<40xi32, #tpu.memory_space<vmem>>
        %dma_start3A_351 = arith.constant 0 : i32
        %dma_start3A_352 = tpu.memref_slice %arg4[%add3A, %add3A_325, %dma_start3A_351] : memref<32x250x40xi32, #tpu.memory_space<hbm>> -> memref<1x1x40xi32, #tpu.memory_space<hbm>>
        %dma_start3A_353 = tpu.memref_squeeze %dma_start3A_352 : memref<1x1x40xi32, #tpu.memory_space<hbm>> -> memref<40xi32, #tpu.memory_space<hbm>>
        %dma_start3A_354 = arith.constant 0 : i32
        %dma_start3A_355 = tpu.memref_slice %arg10[%dma_start3A_347, %dma_start3A_354] : memref<7x40xi32, #tpu.memory_space<vmem>> -> memref<1x40xi32, #tpu.memory_space<vmem>>
        %dma_start3A_356 = tpu.memref_squeeze %dma_start3A_355 : memref<1x40xi32, #tpu.memory_space<vmem>> -> memref<40xi32, #tpu.memory_space<vmem>>
        %dma_start3A_357 = arith.constant 0 : i32
        %dma_start3A_358 = tpu.memref_slice %arg4[%add3A, %add3A_325, %dma_start3A_357] : memref<32x250x40xi32, #tpu.memory_space<hbm>> -> memref<1x1x40xi32, #tpu.memory_space<hbm>>
        %dma_start3A_359 = tpu.memref_squeeze %dma_start3A_358 : memref<1x1x40xi32, #tpu.memory_space<hbm>> -> memref<40xi32, #tpu.memory_space<hbm>>
        tpu.enqueue_dma source(%dma_start3A_359 : memref<40xi32, #tpu.memory_space<hbm>>) target(%dma_start3A_356 : memref<40xi32, #tpu.memory_space<vmem>>) target_semaphore(%arg31 : memref<!tpu.dma_semaphore, #tpu.memory_space<semaphore_mem>>)
      } else {
      }
    }
    %scan3A_185 = arith.constant 36 : i32
    %barrier3A_186 = arith.constant 0 : index
    tpu.barrier barrier_id(%barrier3A_186)
    %mul3A_187 = arith.constant 625 : i32
    %mul3A_188 = arith.muli %arg1, %mul3A_187 : i32
    "tpu.region"() ({
      %run_scoped3A = tpu.sem_alloc : memref<!tpu.dma_semaphore, #tpu.memory_space<semaphore_mem>>
      %dma_start3A_189 = arith.constant 0 : i32
      %dma_start3A_190 = arith.constant 0 : i32
      %dma_start3A_191 = tpu.memref_slice %arg5[%arg0, %arg1, %dma_start3A_189, %dma_start3A_190] : memref<2x16x625x128xf32, #tpu.memory_space<hbm>> -> memref<1x1x625x128xf32, #tpu.memory_space<hbm>>
      %dma_start3A_192 = tpu.memref_squeeze %dma_start3A_191 : memref<1x1x625x128xf32, #tpu.memory_space<hbm>> -> memref<625x128xf32, #tpu.memory_space<hbm>>
      %dma_start3A_193 = arith.constant 0 : i32
      %dma_start3A_194 = tpu.memref_slice %arg6[%mul3A_188, %dma_start3A_193] : memref<10000x128xf32, #tpu.memory_space<vmem_shared>> -> memref<625x128xf32, #tpu.memory_space<vmem_shared>>
      tpu.enqueue_dma source(%dma_start3A_194 : memref<625x128xf32, #tpu.memory_space<vmem_shared>>) target(%dma_start3A_192 : memref<625x128xf32, #tpu.memory_space<hbm>>) target_semaphore(%run_scoped3A : memref<!tpu.dma_semaphore, #tpu.memory_space<semaphore_mem>>)
      %dma_wait3A = arith.constant 0 : i32
      %dma_wait3A_195 = arith.constant 0 : i32
      %dma_wait3A_196 = tpu.memref_slice %arg5[%arg0, %arg1, %dma_wait3A, %dma_wait3A_195] : memref<2x16x625x128xf32, #tpu.memory_space<hbm>> -> memref<1x1x625x128xf32, #tpu.memory_space<hbm>>
      %dma_wait3A_197 = tpu.memref_squeeze %dma_wait3A_196 : memref<1x1x625x128xf32, #tpu.memory_space<hbm>> -> memref<625x128xf32, #tpu.memory_space<hbm>>
      %dma_wait3A_198 = arith.constant 0 : i32
      %dma_wait3A_199 = tpu.memref_slice %arg6[%mul3A_188, %dma_wait3A_198] : memref<10000x128xf32, #tpu.memory_space<vmem_shared>> -> memref<625x128xf32, #tpu.memory_space<vmem_shared>>
      tpu.wait_dma2 semaphore(%run_scoped3A : memref<!tpu.dma_semaphore, #tpu.memory_space<semaphore_mem>>) src(%dma_wait3A_199 : memref<625x128xf32, #tpu.memory_space<vmem_shared>>) dst(%dma_wait3A_197 : memref<625x128xf32, #tpu.memory_space<hbm>>)
      tpu.yield
    }) : () -> ()
    return
  }
}

#map = affine_map<(d0, d1) -> (0, 0, 0)>
#map1 = affine_map<(d0, d1) -> (0, 0, 0, 0, 0)>
module attributes {stable_mosaic.version = 14 : i64} {
  func.func @_sc_degrees(%arg0: i32, %arg1: i32, %arg2: memref<32x125x80xi32, #tpu.memory_space<hbm>>, %arg3: memref<32x125x80xi32, #tpu.memory_space<hbm>>, %arg4: memref<2x2x16x625x16xf32, #tpu.memory_space<hbm>>, %arg5: memref<10000x16xf32, #tpu.memory_space<vmem_shared>>, %arg6: memref<10000x16xf32, #tpu.memory_space<vmem_shared>>, %arg7: memref<80x16xf32, #tpu.memory_space<vmem>>, %arg8: memref<25x16xf32, #tpu.memory_space<vmem>>, %arg9: memref<125x80xi32, #tpu.memory_space<vmem>>, %arg10: memref<125x80xi32, #tpu.memory_space<vmem>>, %arg11: memref<!tpu.dma_semaphore, #tpu.memory_space<semaphore_mem>>) attributes {dimension_semantics = [#tpu.dimension_semantics<core_parallel>, #tpu.dimension_semantics<subcore_parallel>], iteration_bounds = array<i64: 2, 16>, scalar_prefetch = 0 : i64, scratch_operands = 7 : i64, tpu.core_type = #tpu.core_type<sc_vector_subcore>, window_params = [{transform_indices = #map}, {transform_indices = #map}, {transform_indices = #map1}]} {
    %mul3A = arith.constant 2 : i32
    %mul3A_0 = arith.muli %arg1, %mul3A : i32
    %add3A = arith.addi %mul3A_0, %arg0 : i32
    %broadcast_in_dim3A = arith.constant 1.000000e+00 : f32
    %broadcast_in_dim3A_1 = vector.broadcast %broadcast_in_dim3A : f32 to vector<16xf32>
    %scan3A = arith.constant 0 : i32
    %scan3A_2 = arith.constant 0 : i32
    %scan3A_3 = arith.constant 80 : i32
    %scan3A_4 = arith.addi %scan3A_2, %scan3A_3 : i32
    %scan3A_5 = arith.constant 1 : i32
    scf.for %scan3A_39 = %scan3A_2 to %scan3A_4 step %scan3A_5  : i32 {
      %swap3A = arith.index_cast %scan3A_39 : i32 to index
      %swap3A_40 = arith.constant 0 : index
      %swap3A_41 = tpu.vector_load %arg7[%swap3A, %swap3A_40] {strides = array<i32>} : memref<80x16xf32, #tpu.memory_space<vmem>>, vector<1x16xf32>,
      %swap3A_42 = vector.shape_cast %swap3A_41 : vector<1x16xf32> to vector<16xf32>
      %swap3A_43 = vector.shape_cast %broadcast_in_dim3A_1 : vector<16xf32> to vector<1x16xf32>
      tpu.vector_store %arg7[%swap3A, %swap3A_40], %swap3A_43 {strides = array<i32>} : memref<80x16xf32, #tpu.memory_space<vmem>>, vector<1x16xf32>,
    }
    %scan3A_6 = arith.constant 80 : i32
    %broadcast_in_dim3A_7 = arith.constant 0.000000e+00 : f32
    %broadcast_in_dim3A_8 = vector.broadcast %broadcast_in_dim3A_7 : f32 to vector<16xf32>
    %scan3A_9 = arith.constant 0 : i32
    %scan3A_10 = arith.constant 0 : i32
    %scan3A_11 = arith.constant 25 : i32
    %scan3A_12 = arith.addi %scan3A_10, %scan3A_11 : i32
    %scan3A_13 = arith.constant 1 : i32
    scf.for %scan3A_39 = %scan3A_10 to %scan3A_12 step %scan3A_13  : i32 {
      %swap3A = arith.index_cast %scan3A_39 : i32 to index
      %swap3A_40 = arith.constant 0 : index
      %swap3A_41 = tpu.vector_load %arg8[%swap3A, %swap3A_40] {strides = array<i32>} : memref<25x16xf32, #tpu.memory_space<vmem>>, vector<1x16xf32>,
      %swap3A_42 = vector.shape_cast %swap3A_41 : vector<1x16xf32> to vector<16xf32>
      %swap3A_43 = vector.shape_cast %broadcast_in_dim3A_8 : vector<16xf32> to vector<1x16xf32>
      tpu.vector_store %arg8[%swap3A, %swap3A_40], %swap3A_43 {strides = array<i32>} : memref<25x16xf32, #tpu.memory_space<vmem>>, vector<1x16xf32>,
    }
    %scan3A_14 = arith.constant 25 : i32
    "tpu.region"() ({
      %run_scoped3A_39 = tpu.sem_alloc : memref<!tpu.dma_semaphore, #tpu.memory_space<semaphore_mem>>
      %dma_start3A = arith.constant 0 : i32
      %dma_start3A_40 = arith.constant 0 : i32
      %dma_start3A_41 = tpu.memref_slice %arg2[%add3A, %dma_start3A, %dma_start3A_40] : memref<32x125x80xi32, #tpu.memory_space<hbm>> -> memref<1x125x80xi32, #tpu.memory_space<hbm>>
      %dma_start3A_42 = tpu.memref_squeeze %dma_start3A_41 : memref<1x125x80xi32, #tpu.memory_space<hbm>> -> memref<125x80xi32, #tpu.memory_space<hbm>>
      %dma_start3A_43 = arith.constant 0 : i32
      %dma_start3A_44 = arith.constant 0 : i32
      %dma_start3A_45 = tpu.memref_slice %arg2[%add3A, %dma_start3A_43, %dma_start3A_44] : memref<32x125x80xi32, #tpu.memory_space<hbm>> -> memref<1x125x80xi32, #tpu.memory_space<hbm>>
      %dma_start3A_46 = tpu.memref_squeeze %dma_start3A_45 : memref<1x125x80xi32, #tpu.memory_space<hbm>> -> memref<125x80xi32, #tpu.memory_space<hbm>>
      tpu.enqueue_dma source(%dma_start3A_46 : memref<125x80xi32, #tpu.memory_space<hbm>>) target(%arg9 : memref<125x80xi32, #tpu.memory_space<vmem>>) target_semaphore(%run_scoped3A_39 : memref<!tpu.dma_semaphore, #tpu.memory_space<semaphore_mem>>)
      %dma_wait3A = arith.constant 0 : i32
      %dma_wait3A_47 = arith.constant 0 : i32
      %dma_wait3A_48 = tpu.memref_slice %arg2[%add3A, %dma_wait3A, %dma_wait3A_47] : memref<32x125x80xi32, #tpu.memory_space<hbm>> -> memref<1x125x80xi32, #tpu.memory_space<hbm>>
      %dma_wait3A_49 = tpu.memref_squeeze %dma_wait3A_48 : memref<1x125x80xi32, #tpu.memory_space<hbm>> -> memref<125x80xi32, #tpu.memory_space<hbm>>
      %dma_wait3A_50 = arith.constant 0 : i32
      %dma_wait3A_51 = arith.constant 0 : i32
      %dma_wait3A_52 = tpu.memref_slice %arg2[%add3A, %dma_wait3A_50, %dma_wait3A_51] : memref<32x125x80xi32, #tpu.memory_space<hbm>> -> memref<1x125x80xi32, #tpu.memory_space<hbm>>
      %dma_wait3A_53 = tpu.memref_squeeze %dma_wait3A_52 : memref<1x125x80xi32, #tpu.memory_space<hbm>> -> memref<125x80xi32, #tpu.memory_space<hbm>>
      tpu.wait_dma2 semaphore(%run_scoped3A_39 : memref<!tpu.dma_semaphore, #tpu.memory_space<semaphore_mem>>) src(%dma_wait3A_53 : memref<125x80xi32, #tpu.memory_space<hbm>>) dst(%arg9 : memref<125x80xi32, #tpu.memory_space<vmem>>)
      tpu.yield
    }) : () -> ()
    "tpu.region"() ({
      %run_scoped3A_39 = tpu.sem_alloc : memref<!tpu.dma_semaphore, #tpu.memory_space<semaphore_mem>>
      %dma_start3A = arith.constant 0 : i32
      %dma_start3A_40 = arith.constant 0 : i32
      %dma_start3A_41 = tpu.memref_slice %arg3[%add3A, %dma_start3A, %dma_start3A_40] : memref<32x125x80xi32, #tpu.memory_space<hbm>> -> memref<1x125x80xi32, #tpu.memory_space<hbm>>
      %dma_start3A_42 = tpu.memref_squeeze %dma_start3A_41 : memref<1x125x80xi32, #tpu.memory_space<hbm>> -> memref<125x80xi32, #tpu.memory_space<hbm>>
      %dma_start3A_43 = arith.constant 0 : i32
      %dma_start3A_44 = arith.constant 0 : i32
      %dma_start3A_45 = tpu.memref_slice %arg3[%add3A, %dma_start3A_43, %dma_start3A_44] : memref<32x125x80xi32, #tpu.memory_space<hbm>> -> memref<1x125x80xi32, #tpu.memory_space<hbm>>
      %dma_start3A_46 = tpu.memref_squeeze %dma_start3A_45 : memref<1x125x80xi32, #tpu.memory_space<hbm>> -> memref<125x80xi32, #tpu.memory_space<hbm>>
      tpu.enqueue_dma source(%dma_start3A_46 : memref<125x80xi32, #tpu.memory_space<hbm>>) target(%arg10 : memref<125x80xi32, #tpu.memory_space<vmem>>) target_semaphore(%run_scoped3A_39 : memref<!tpu.dma_semaphore, #tpu.memory_space<semaphore_mem>>)
      %dma_wait3A = arith.constant 0 : i32
      %dma_wait3A_47 = arith.constant 0 : i32
      %dma_wait3A_48 = tpu.memref_slice %arg3[%add3A, %dma_wait3A, %dma_wait3A_47] : memref<32x125x80xi32, #tpu.memory_space<hbm>> -> memref<1x125x80xi32, #tpu.memory_space<hbm>>
      %dma_wait3A_49 = tpu.memref_squeeze %dma_wait3A_48 : memref<1x125x80xi32, #tpu.memory_space<hbm>> -> memref<125x80xi32, #tpu.memory_space<hbm>>
      %dma_wait3A_50 = arith.constant 0 : i32
      %dma_wait3A_51 = arith.constant 0 : i32
      %dma_wait3A_52 = tpu.memref_slice %arg3[%add3A, %dma_wait3A_50, %dma_wait3A_51] : memref<32x125x80xi32, #tpu.memory_space<hbm>> -> memref<1x125x80xi32, #tpu.memory_space<hbm>>
      %dma_wait3A_53 = tpu.memref_squeeze %dma_wait3A_52 : memref<1x125x80xi32, #tpu.memory_space<hbm>> -> memref<125x80xi32, #tpu.memory_space<hbm>>
      tpu.wait_dma2 semaphore(%run_scoped3A_39 : memref<!tpu.dma_semaphore, #tpu.memory_space<semaphore_mem>>) src(%dma_wait3A_53 : memref<125x80xi32, #tpu.memory_space<hbm>>) dst(%arg10 : memref<125x80xi32, #tpu.memory_space<vmem>>)
      tpu.yield
    }) : () -> ()
    %scan3A_15 = arith.constant 0 : i32
    %scan3A_16 = arith.constant 0 : i32
    %scan3A_17 = arith.constant 25 : i32
    %scan3A_18 = arith.addi %scan3A_16, %scan3A_17 : i32
    %scan3A_19 = arith.constant 1 : i32
    scf.for %scan3A_39 = %scan3A_16 to %scan3A_18 step %scan3A_19  : i32 {
      %mul3A_40 = arith.constant 625 : i32
      %mul3A_41 = arith.muli %arg1, %mul3A_40 : i32
      %mul3A_42 = arith.constant 25 : i32
      %mul3A_43 = arith.muli %scan3A_39, %mul3A_42 : i32
      %add3A_44 = arith.addi %mul3A_41, %mul3A_43 : i32
      "tpu.region"() ({
        %run_scoped3A_45 = tpu.sem_alloc : memref<!tpu.dma_semaphore, #tpu.memory_space<semaphore_mem>>
        %dma_start3A = arith.constant 0 : i32
        %dma_start3A_46 = tpu.memref_slice %arg5[%add3A_44, %dma_start3A] : memref<10000x16xf32, #tpu.memory_space<vmem_shared>> -> memref<25x16xf32, #tpu.memory_space<vmem_shared>>
        %dma_start3A_47 = arith.constant 0 : i32
        %dma_start3A_48 = tpu.memref_slice %arg5[%add3A_44, %dma_start3A_47] : memref<10000x16xf32, #tpu.memory_space<vmem_shared>> -> memref<25x16xf32, #tpu.memory_space<vmem_shared>>
        tpu.enqueue_dma source(%arg8 : memref<25x16xf32, #tpu.memory_space<vmem>>) target(%dma_start3A_48 : memref<25x16xf32, #tpu.memory_space<vmem_shared>>) target_semaphore(%run_scoped3A_45 : memref<!tpu.dma_semaphore, #tpu.memory_space<semaphore_mem>>)
        %dma_wait3A = arith.constant 0 : i32
        %dma_wait3A_49 = tpu.memref_slice %arg5[%add3A_44, %dma_wait3A] : memref<10000x16xf32, #tpu.memory_space<vmem_shared>> -> memref<25x16xf32, #tpu.memory_space<vmem_shared>>
        %dma_wait3A_50 = arith.constant 0 : i32
        %dma_wait3A_51 = tpu.memref_slice %arg5[%add3A_44, %dma_wait3A_50] : memref<10000x16xf32, #tpu.memory_space<vmem_shared>> -> memref<25x16xf32, #tpu.memory_space<vmem_shared>>
        tpu.wait_dma2 semaphore(%run_scoped3A_45 : memref<!tpu.dma_semaphore, #tpu.memory_space<semaphore_mem>>) src(%arg8 : memref<25x16xf32, #tpu.memory_space<vmem>>) dst(%dma_wait3A_51 : memref<25x16xf32, #tpu.memory_space<vmem_shared>>)
        tpu.yield
      }) : () -> ()
      "tpu.region"() ({
        %run_scoped3A_45 = tpu.sem_alloc : memref<!tpu.dma_semaphore, #tpu.memory_space<semaphore_mem>>
        %dma_start3A = arith.constant 0 : i32
        %dma_start3A_46 = tpu.memref_slice %arg6[%add3A_44, %dma_start3A] : memref<10000x16xf32, #tpu.memory_space<vmem_shared>> -> memref<25x16xf32, #tpu.memory_space<vmem_shared>>
        %dma_start3A_47 = arith.constant 0 : i32
        %dma_start3A_48 = tpu.memref_slice %arg6[%add3A_44, %dma_start3A_47] : memref<10000x16xf32, #tpu.memory_space<vmem_shared>> -> memref<25x16xf32, #tpu.memory_space<vmem_shared>>
        tpu.enqueue_dma source(%arg8 : memref<25x16xf32, #tpu.memory_space<vmem>>) target(%dma_start3A_48 : memref<25x16xf32, #tpu.memory_space<vmem_shared>>) target_semaphore(%run_scoped3A_45 : memref<!tpu.dma_semaphore, #tpu.memory_space<semaphore_mem>>)
        %dma_wait3A = arith.constant 0 : i32
        %dma_wait3A_49 = tpu.memref_slice %arg6[%add3A_44, %dma_wait3A] : memref<10000x16xf32, #tpu.memory_space<vmem_shared>> -> memref<25x16xf32, #tpu.memory_space<vmem_shared>>
        %dma_wait3A_50 = arith.constant 0 : i32
        %dma_wait3A_51 = tpu.memref_slice %arg6[%add3A_44, %dma_wait3A_50] : memref<10000x16xf32, #tpu.memory_space<vmem_shared>> -> memref<25x16xf32, #tpu.memory_space<vmem_shared>>
        tpu.wait_dma2 semaphore(%run_scoped3A_45 : memref<!tpu.dma_semaphore, #tpu.memory_space<semaphore_mem>>) src(%arg8 : memref<25x16xf32, #tpu.memory_space<vmem>>) dst(%dma_wait3A_51 : memref<25x16xf32, #tpu.memory_space<vmem_shared>>)
        tpu.yield
      }) : () -> ()
    }
    %scan3A_20 = arith.constant 25 : i32
    %barrier3A = arith.constant 0 : index
    tpu.barrier barrier_id(%barrier3A)
    %scan3A_21 = arith.constant 0 : i32
    %scan3A_22 = arith.constant 0 : i32
    %scan3A_23 = arith.constant 125 : i32
    %scan3A_24 = arith.addi %scan3A_22, %scan3A_23 : i32
    %scan3A_25 = arith.constant 1 : i32
    scf.for %scan3A_39 = %scan3A_22 to %scan3A_24 step %scan3A_25  : i32 {
      %dma_start3A = arith.constant 0 : i32
      %dma_start3A_40 = tpu.memref_slice %arg9[%scan3A_39, %dma_start3A] : memref<125x80xi32, #tpu.memory_space<vmem>> -> memref<1x80xi32, #tpu.memory_space<vmem>>
      %dma_start3A_41 = tpu.memref_squeeze %dma_start3A_40 : memref<1x80xi32, #tpu.memory_space<vmem>> -> memref<80xi32, #tpu.memory_space<vmem>>
      %dma_start3A_42 = arith.constant 0 : i32
      %dma_start3A_43 = arith.constant 0 : i32
      %dma_start3A_44 = tpu.memref_slice %arg5[%dma_start3A_42, %dma_start3A_43] : memref<10000x16xf32, #tpu.memory_space<vmem_shared>> -> memref<10000x16xf32, #tpu.memory_space<vmem_shared>>
      tpu.enqueue_indirect_dma source(%arg7 : memref<80x16xf32, #tpu.memory_space<vmem>>) target(%dma_start3A_44 : memref<10000x16xf32, #tpu.memory_space<vmem_shared>>) offsets(%dma_start3A_41 : memref<80xi32, #tpu.memory_space<vmem>>) semaphore(%arg11 : memref<!tpu.dma_semaphore, #tpu.memory_space<semaphore_mem>>) {add = true}
      %dma_start3A_45 = arith.constant 0 : i32
      %dma_start3A_46 = tpu.memref_slice %arg10[%scan3A_39, %dma_start3A_45] : memref<125x80xi32, #tpu.memory_space<vmem>> -> memref<1x80xi32, #tpu.memory_space<vmem>>
      %dma_start3A_47 = tpu.memref_squeeze %dma_start3A_46 : memref<1x80xi32, #tpu.memory_space<vmem>> -> memref<80xi32, #tpu.memory_space<vmem>>
      %dma_start3A_48 = arith.constant 0 : i32
      %dma_start3A_49 = arith.constant 0 : i32
      %dma_start3A_50 = tpu.memref_slice %arg6[%dma_start3A_48, %dma_start3A_49] : memref<10000x16xf32, #tpu.memory_space<vmem_shared>> -> memref<10000x16xf32, #tpu.memory_space<vmem_shared>>
      tpu.enqueue_indirect_dma source(%arg7 : memref<80x16xf32, #tpu.memory_space<vmem>>) target(%dma_start3A_50 : memref<10000x16xf32, #tpu.memory_space<vmem_shared>>) offsets(%dma_start3A_47 : memref<80xi32, #tpu.memory_space<vmem>>) semaphore(%arg11 : memref<!tpu.dma_semaphore, #tpu.memory_space<semaphore_mem>>) {add = true}
    }
    %scan3A_26 = arith.constant 125 : i32
    %scan3A_27 = arith.constant 0 : i32
    %scan3A_28 = arith.constant 0 : i32
    %scan3A_29 = arith.constant 250 : i32
    %scan3A_30 = arith.addi %scan3A_28, %scan3A_29 : i32
    %scan3A_31 = arith.constant 1 : i32
    scf.for %scan3A_39 = %scan3A_28 to %scan3A_30 step %scan3A_31  : i32 {
      %dma_wait3A = arith.constant 0 : i32
      %dma_wait3A_40 = arith.constant 0 : i32
      %dma_wait3A_41 = tpu.memref_slice %arg9[%dma_wait3A, %dma_wait3A_40] : memref<125x80xi32, #tpu.memory_space<vmem>> -> memref<1x80xi32, #tpu.memory_space<vmem>>
      %dma_wait3A_42 = tpu.memref_squeeze %dma_wait3A_41 : memref<1x80xi32, #tpu.memory_space<vmem>> -> memref<80xi32, #tpu.memory_space<vmem>>
      %dma_wait3A_43 = arith.constant 0 : i32
      %dma_wait3A_44 = arith.constant 0 : i32
      %dma_wait3A_45 = tpu.memref_slice %arg5[%dma_wait3A_43, %dma_wait3A_44] : memref<10000x16xf32, #tpu.memory_space<vmem_shared>> -> memref<10000x16xf32, #tpu.memory_space<vmem_shared>>
      tpu.wait_indirect_dma semaphore(%arg11 : memref<!tpu.dma_semaphore, #tpu.memory_space<semaphore_mem>>) src(%arg7 : memref<80x16xf32, #tpu.memory_space<vmem>>) dst(%dma_wait3A_45 : memref<10000x16xf32, #tpu.memory_space<vmem_shared>>)
    }
    %scan3A_32 = arith.constant 250 : i32
    %barrier3A_33 = arith.constant 0 : index
    tpu.barrier barrier_id(%barrier3A_33)
    %mul3A_34 = arith.constant 625 : i32
    %mul3A_35 = arith.muli %arg1, %mul3A_34 : i32
    %run_scoped3A = arith.constant 0 : i32
    "tpu.region"() ({
      %run_scoped3A_39 = tpu.sem_alloc : memref<!tpu.dma_semaphore, #tpu.memory_space<semaphore_mem>>
      %dma_start3A = arith.constant 0 : i32
      %dma_start3A_40 = arith.constant 0 : i32
      %dma_start3A_41 = tpu.memref_slice %arg4[%arg0, %run_scoped3A, %arg1, %dma_start3A, %dma_start3A_40] : memref<2x2x16x625x16xf32, #tpu.memory_space<hbm>> -> memref<1x1x1x625x16xf32, #tpu.memory_space<hbm>>
      %dma_start3A_42 = tpu.memref_squeeze %dma_start3A_41 : memref<1x1x1x625x16xf32, #tpu.memory_space<hbm>> -> memref<625x16xf32, #tpu.memory_space<hbm>>
      %dma_start3A_43 = arith.constant 0 : i32
      %dma_start3A_44 = tpu.memref_slice %arg5[%mul3A_35, %dma_start3A_43] : memref<10000x16xf32, #tpu.memory_space<vmem_shared>> -> memref<625x16xf32, #tpu.memory_space<vmem_shared>>
      tpu.enqueue_dma source(%dma_start3A_44 : memref<625x16xf32, #tpu.memory_space<vmem_shared>>) target(%dma_start3A_42 : memref<625x16xf32, #tpu.memory_space<hbm>>) target_semaphore(%run_scoped3A_39 : memref<!tpu.dma_semaphore, #tpu.memory_space<semaphore_mem>>)
      %dma_wait3A = arith.constant 0 : i32
      %dma_wait3A_45 = arith.constant 0 : i32
      %dma_wait3A_46 = tpu.memref_slice %arg4[%arg0, %run_scoped3A, %arg1, %dma_wait3A, %dma_wait3A_45] : memref<2x2x16x625x16xf32, #tpu.memory_space<hbm>> -> memref<1x1x1x625x16xf32, #tpu.memory_space<hbm>>
      %dma_wait3A_47 = tpu.memref_squeeze %dma_wait3A_46 : memref<1x1x1x625x16xf32, #tpu.memory_space<hbm>> -> memref<625x16xf32, #tpu.memory_space<hbm>>
      %dma_wait3A_48 = arith.constant 0 : i32
      %dma_wait3A_49 = tpu.memref_slice %arg5[%mul3A_35, %dma_wait3A_48] : memref<10000x16xf32, #tpu.memory_space<vmem_shared>> -> memref<625x16xf32, #tpu.memory_space<vmem_shared>>
      tpu.wait_dma2 semaphore(%run_scoped3A_39 : memref<!tpu.dma_semaphore, #tpu.memory_space<semaphore_mem>>) src(%dma_wait3A_49 : memref<625x16xf32, #tpu.memory_space<vmem_shared>>) dst(%dma_wait3A_47 : memref<625x16xf32, #tpu.memory_space<hbm>>)
      tpu.yield
    }) : () -> ()
    %mul3A_36 = arith.constant 625 : i32
    %mul3A_37 = arith.muli %arg1, %mul3A_36 : i32
    %run_scoped3A_38 = arith.constant 1 : i32
    "tpu.region"() ({
      %run_scoped3A_39 = tpu.sem_alloc : memref<!tpu.dma_semaphore, #tpu.memory_space<semaphore_mem>>
      %dma_start3A = arith.constant 0 : i32
      %dma_start3A_40 = arith.constant 0 : i32
      %dma_start3A_41 = tpu.memref_slice %arg4[%arg0, %run_scoped3A_38, %arg1, %dma_start3A, %dma_start3A_40] : memref<2x2x16x625x16xf32, #tpu.memory_space<hbm>> -> memref<1x1x1x625x16xf32, #tpu.memory_space<hbm>>
      %dma_start3A_42 = tpu.memref_squeeze %dma_start3A_41 : memref<1x1x1x625x16xf32, #tpu.memory_space<hbm>> -> memref<625x16xf32, #tpu.memory_space<hbm>>
      %dma_start3A_43 = arith.constant 0 : i32
      %dma_start3A_44 = tpu.memref_slice %arg6[%mul3A_37, %dma_start3A_43] : memref<10000x16xf32, #tpu.memory_space<vmem_shared>> -> memref<625x16xf32, #tpu.memory_space<vmem_shared>>
      tpu.enqueue_dma source(%dma_start3A_44 : memref<625x16xf32, #tpu.memory_space<vmem_shared>>) target(%dma_start3A_42 : memref<625x16xf32, #tpu.memory_space<hbm>>) target_semaphore(%run_scoped3A_39 : memref<!tpu.dma_semaphore, #tpu.memory_space<semaphore_mem>>)
      %dma_wait3A = arith.constant 0 : i32
      %dma_wait3A_45 = arith.constant 0 : i32
      %dma_wait3A_46 = tpu.memref_slice %arg4[%arg0, %run_scoped3A_38, %arg1, %dma_wait3A, %dma_wait3A_45] : memref<2x2x16x625x16xf32, #tpu.memory_space<hbm>> -> memref<1x1x1x625x16xf32, #tpu.memory_space<hbm>>
      %dma_wait3A_47 = tpu.memref_squeeze %dma_wait3A_46 : memref<1x1x1x625x16xf32, #tpu.memory_space<hbm>> -> memref<625x16xf32, #tpu.memory_space<hbm>>
      %dma_wait3A_48 = arith.constant 0 : i32
      %dma_wait3A_49 = tpu.memref_slice %arg6[%mul3A_37, %dma_wait3A_48] : memref<10000x16xf32, #tpu.memory_space<vmem_shared>> -> memref<625x16xf32, #tpu.memory_space<vmem_shared>>
      tpu.wait_dma2 semaphore(%run_scoped3A_39 : memref<!tpu.dma_semaphore, #tpu.memory_space<semaphore_mem>>) src(%dma_wait3A_49 : memref<625x16xf32, #tpu.memory_space<vmem_shared>>) dst(%dma_wait3A_47 : memref<625x16xf32, #tpu.memory_space<hbm>>)
      tpu.yield
    }) : () -> ()
    return
  }
}

#map = affine_map<(d0, d1) -> (0, 0)>
#map1 = affine_map<(d0, d1) -> (0, 0, 0)>
#map2 = affine_map<(d0, d1) -> (0, 0, 0, 0)>
module attributes {stable_mosaic.version = 14 : i64} {
  func.func @k(%arg0: i32, %arg1: i32, %arg2: memref<10000x16xf32, #tpu.memory_space<hbm>>, %arg3: memref<32x10000xi32, #tpu.memory_space<hbm>>, %arg4: memref<32x125x80xi32, #tpu.memory_space<hbm>>, %arg5: memref<2x16x625x16xf32, #tpu.memory_space<hbm>>, %arg6: memref<10000x16xf32, #tpu.memory_space<vmem_shared>>, %arg7: memref<5x80x16xf32, #tpu.memory_space<vmem>>, %arg8: memref<25x16xf32, #tpu.memory_space<vmem>>, %arg9: memref<10000xi32, #tpu.memory_space<vmem>>, %arg10: memref<5x80xi32, #tpu.memory_space<vmem>>, %arg11: memref<!tpu.dma_semaphore, #tpu.memory_space<semaphore_mem>>, %arg12: memref<!tpu.dma_semaphore, #tpu.memory_space<semaphore_mem>>, %arg13: memref<!tpu.dma_semaphore, #tpu.memory_space<semaphore_mem>>, %arg14: memref<!tpu.dma_semaphore, #tpu.memory_space<semaphore_mem>>, %arg15: memref<!tpu.dma_semaphore, #tpu.memory_space<semaphore_mem>>, %arg16: memref<!tpu.dma_semaphore, #tpu.memory_space<semaphore_mem>>, %arg17: memref<!tpu.dma_semaphore, #tpu.memory_space<semaphore_mem>>, %arg18: memref<!tpu.dma_semaphore, #tpu.memory_space<semaphore_mem>>, %arg19: memref<!tpu.dma_semaphore, #tpu.memory_space<semaphore_mem>>, %arg20: memref<!tpu.dma_semaphore, #tpu.memory_space<semaphore_mem>>, %arg21: memref<!tpu.dma_semaphore, #tpu.memory_space<semaphore_mem>>, %arg22: memref<!tpu.dma_semaphore, #tpu.memory_space<semaphore_mem>>, %arg23: memref<!tpu.dma_semaphore, #tpu.memory_space<semaphore_mem>>, %arg24: memref<!tpu.dma_semaphore, #tpu.memory_space<semaphore_mem>>, %arg25: memref<!tpu.dma_semaphore, #tpu.memory_space<semaphore_mem>>) attributes {dimension_semantics = [#tpu.dimension_semantics<core_parallel>, #tpu.dimension_semantics<subcore_parallel>], iteration_bounds = array<i64: 2, 16>, scalar_prefetch = 0 : i64, scratch_operands = 20 : i64, tpu.core_type = #tpu.core_type<sc_vector_subcore>, window_params = [{transform_indices = #map}, {transform_indices = #map}, {transform_indices = #map1}, {transform_indices = #map2}]} {
    %mul3A = arith.constant 2 : i32
    %mul3A_0 = arith.muli %arg1, %mul3A : i32
    %add3A = arith.addi %mul3A_0, %arg0 : i32
    "tpu.region"() ({
      %run_scoped3A = tpu.sem_alloc : memref<!tpu.dma_semaphore, #tpu.memory_space<semaphore_mem>>
      %dma_start3A_141 = arith.constant 0 : i32
      %dma_start3A_142 = tpu.memref_slice %arg3[%add3A, %dma_start3A_141] : memref<32x10000xi32, #tpu.memory_space<hbm>> -> memref<1x10000xi32, #tpu.memory_space<hbm>>
      %dma_start3A_143 = tpu.memref_squeeze %dma_start3A_142 : memref<1x10000xi32, #tpu.memory_space<hbm>> -> memref<10000xi32, #tpu.memory_space<hbm>>
      %dma_start3A_144 = arith.constant 0 : i32
      %dma_start3A_145 = tpu.memref_slice %arg3[%add3A, %dma_start3A_144] : memref<32x10000xi32, #tpu.memory_space<hbm>> -> memref<1x10000xi32, #tpu.memory_space<hbm>>
      %dma_start3A_146 = tpu.memref_squeeze %dma_start3A_145 : memref<1x10000xi32, #tpu.memory_space<hbm>> -> memref<10000xi32, #tpu.memory_space<hbm>>
      tpu.enqueue_dma source(%dma_start3A_146 : memref<10000xi32, #tpu.memory_space<hbm>>) target(%arg9 : memref<10000xi32, #tpu.memory_space<vmem>>) target_semaphore(%run_scoped3A : memref<!tpu.dma_semaphore, #tpu.memory_space<semaphore_mem>>)
      %dma_wait3A = arith.constant 0 : i32
      %dma_wait3A_147 = tpu.memref_slice %arg3[%add3A, %dma_wait3A] : memref<32x10000xi32, #tpu.memory_space<hbm>> -> memref<1x10000xi32, #tpu.memory_space<hbm>>
      %dma_wait3A_148 = tpu.memref_squeeze %dma_wait3A_147 : memref<1x10000xi32, #tpu.memory_space<hbm>> -> memref<10000xi32, #tpu.memory_space<hbm>>
      %dma_wait3A_149 = arith.constant 0 : i32
      %dma_wait3A_150 = tpu.memref_slice %arg3[%add3A, %dma_wait3A_149] : memref<32x10000xi32, #tpu.memory_space<hbm>> -> memref<1x10000xi32, #tpu.memory_space<hbm>>
      %dma_wait3A_151 = tpu.memref_squeeze %dma_wait3A_150 : memref<1x10000xi32, #tpu.memory_space<hbm>> -> memref<10000xi32, #tpu.memory_space<hbm>>
      tpu.wait_dma2 semaphore(%run_scoped3A : memref<!tpu.dma_semaphore, #tpu.memory_space<semaphore_mem>>) src(%dma_wait3A_151 : memref<10000xi32, #tpu.memory_space<hbm>>) dst(%arg9 : memref<10000xi32, #tpu.memory_space<vmem>>)
      tpu.yield
    }) : () -> ()
    %broadcast_in_dim3A = arith.constant 0.000000e+00 : f32
    %broadcast_in_dim3A_1 = vector.broadcast %broadcast_in_dim3A : f32 to vector<16xf32>
    %scan3A = arith.constant 0 : i32
    %scan3A_2 = arith.constant 0 : i32
    %scan3A_3 = arith.constant 25 : i32
    %scan3A_4 = arith.addi %scan3A_2, %scan3A_3 : i32
    %scan3A_5 = arith.constant 1 : i32
    scf.for %scan3A_141 = %scan3A_2 to %scan3A_4 step %scan3A_5  : i32 {
      %swap3A = arith.index_cast %scan3A_141 : i32 to index
      %swap3A_142 = arith.constant 0 : index
      %swap3A_143 = tpu.vector_load %arg8[%swap3A, %swap3A_142] {strides = array<i32>} : memref<25x16xf32, #tpu.memory_space<vmem>>, vector<1x16xf32>,
      %swap3A_144 = vector.shape_cast %swap3A_143 : vector<1x16xf32> to vector<16xf32>
      %swap3A_145 = vector.shape_cast %broadcast_in_dim3A_1 : vector<16xf32> to vector<1x16xf32>
      tpu.vector_store %arg8[%swap3A, %swap3A_142], %swap3A_145 {strides = array<i32>} : memref<25x16xf32, #tpu.memory_space<vmem>>, vector<1x16xf32>,
    }
    %scan3A_6 = arith.constant 25 : i32
    %scan3A_7 = arith.constant 0 : i32
    %scan3A_8 = arith.constant 0 : i32
    %scan3A_9 = arith.constant 25 : i32
    %scan3A_10 = arith.addi %scan3A_8, %scan3A_9 : i32
    %scan3A_11 = arith.constant 1 : i32
    scf.for %scan3A_141 = %scan3A_8 to %scan3A_10 step %scan3A_11  : i32 {
      %mul3A_142 = arith.constant 625 : i32
      %mul3A_143 = arith.muli %arg1, %mul3A_142 : i32
      %mul3A_144 = arith.constant 25 : i32
      %mul3A_145 = arith.muli %scan3A_141, %mul3A_144 : i32
      %add3A_146 = arith.addi %mul3A_143, %mul3A_145 : i32
      "tpu.region"() ({
        %run_scoped3A = tpu.sem_alloc : memref<!tpu.dma_semaphore, #tpu.memory_space<semaphore_mem>>
        %dma_start3A_147 = arith.constant 0 : i32
        %dma_start3A_148 = tpu.memref_slice %arg6[%add3A_146, %dma_start3A_147] : memref<10000x16xf32, #tpu.memory_space<vmem_shared>> -> memref<25x16xf32, #tpu.memory_space<vmem_shared>>
        %dma_start3A_149 = arith.constant 0 : i32
        %dma_start3A_150 = tpu.memref_slice %arg6[%add3A_146, %dma_start3A_149] : memref<10000x16xf32, #tpu.memory_space<vmem_shared>> -> memref<25x16xf32, #tpu.memory_space<vmem_shared>>
        tpu.enqueue_dma source(%arg8 : memref<25x16xf32, #tpu.memory_space<vmem>>) target(%dma_start3A_150 : memref<25x16xf32, #tpu.memory_space<vmem_shared>>) target_semaphore(%run_scoped3A : memref<!tpu.dma_semaphore, #tpu.memory_space<semaphore_mem>>)
        %dma_wait3A = arith.constant 0 : i32
        %dma_wait3A_151 = tpu.memref_slice %arg6[%add3A_146, %dma_wait3A] : memref<10000x16xf32, #tpu.memory_space<vmem_shared>> -> memref<25x16xf32, #tpu.memory_space<vmem_shared>>
        %dma_wait3A_152 = arith.constant 0 : i32
        %dma_wait3A_153 = tpu.memref_slice %arg6[%add3A_146, %dma_wait3A_152] : memref<10000x16xf32, #tpu.memory_space<vmem_shared>> -> memref<25x16xf32, #tpu.memory_space<vmem_shared>>
        tpu.wait_dma2 semaphore(%run_scoped3A : memref<!tpu.dma_semaphore, #tpu.memory_space<semaphore_mem>>) src(%arg8 : memref<25x16xf32, #tpu.memory_space<vmem>>) dst(%dma_wait3A_153 : memref<25x16xf32, #tpu.memory_space<vmem_shared>>)
        tpu.yield
      }) : () -> ()
    }
    %scan3A_12 = arith.constant 25 : i32
    %barrier3A = arith.constant 0 : index
    tpu.barrier barrier_id(%barrier3A)
    %dma_start3A = arith.constant 0 : i32
    %dma_start3A_13 = arith.constant 0 : i32
    %dma_start3A_14 = arith.constant 0 : i32
    %dma_start3A_15 = tpu.memref_slice %arg7[%dma_start3A, %dma_start3A_13, %dma_start3A_14] : memref<5x80x16xf32, #tpu.memory_space<vmem>> -> memref<1x80x16xf32, #tpu.memory_space<vmem>>
    %dma_start3A_16 = tpu.memref_squeeze %dma_start3A_15 : memref<1x80x16xf32, #tpu.memory_space<vmem>> -> memref<80x16xf32, #tpu.memory_space<vmem>>
    %dma_start3A_17 = arith.constant 0 : i32
    %dma_start3A_18 = tpu.memref_slice %arg9[%dma_start3A_17] : memref<10000xi32, #tpu.memory_space<vmem>> -> memref<80xi32, #tpu.memory_space<vmem>>
    %dma_start3A_19 = arith.constant 0 : i32
    %dma_start3A_20 = arith.constant 0 : i32
    %dma_start3A_21 = tpu.memref_slice %arg2[%dma_start3A_19, %dma_start3A_20] : memref<10000x16xf32, #tpu.memory_space<hbm>> -> memref<10000x16xf32, #tpu.memory_space<hbm>>
    tpu.enqueue_indirect_dma source(%dma_start3A_21 : memref<10000x16xf32, #tpu.memory_space<hbm>>) target(%dma_start3A_16 : memref<80x16xf32, #tpu.memory_space<vmem>>) offsets(%dma_start3A_18 : memref<80xi32, #tpu.memory_space<vmem>>) semaphore(%arg11 : memref<!tpu.dma_semaphore, #tpu.memory_space<semaphore_mem>>)
    %dma_start3A_22 = arith.constant 0 : i32
    %dma_start3A_23 = arith.constant 0 : i32
    %dma_start3A_24 = arith.constant 0 : i32
    %dma_start3A_25 = tpu.memref_slice %arg10[%dma_start3A_23, %dma_start3A_24] : memref<5x80xi32, #tpu.memory_space<vmem>> -> memref<1x80xi32, #tpu.memory_space<vmem>>
    %dma_start3A_26 = tpu.memref_squeeze %dma_start3A_25 : memref<1x80xi32, #tpu.memory_space<vmem>> -> memref<80xi32, #tpu.memory_space<vmem>>
    %dma_start3A_27 = arith.constant 0 : i32
    %dma_start3A_28 = tpu.memref_slice %arg4[%add3A, %dma_start3A_22, %dma_start3A_27] : memref<32x125x80xi32, #tpu.memory_space<hbm>> -> memref<1x1x80xi32, #tpu.memory_space<hbm>>
    %dma_start3A_29 = tpu.memref_squeeze %dma_start3A_28 : memref<1x1x80xi32, #tpu.memory_space<hbm>> -> memref<80xi32, #tpu.memory_space<hbm>>
    %dma_start3A_30 = arith.constant 0 : i32
    %dma_start3A_31 = tpu.memref_slice %arg10[%dma_start3A_23, %dma_start3A_30] : memref<5x80xi32, #tpu.memory_space<vmem>> -> memref<1x80xi32, #tpu.memory_space<vmem>>
    %dma_start3A_32 = tpu.memref_squeeze %dma_start3A_31 : memref<1x80xi32, #tpu.memory_space<vmem>> -> memref<80xi32, #tpu.memory_space<vmem>>
    %dma_start3A_33 = arith.constant 0 : i32
    %dma_start3A_34 = tpu.memref_slice %arg4[%add3A, %dma_start3A_22, %dma_start3A_33] : memref<32x125x80xi32, #tpu.memory_space<hbm>> -> memref<1x1x80xi32, #tpu.memory_space<hbm>>
    %dma_start3A_35 = tpu.memref_squeeze %dma_start3A_34 : memref<1x1x80xi32, #tpu.memory_space<hbm>> -> memref<80xi32, #tpu.memory_space<hbm>>
    tpu.enqueue_dma source(%dma_start3A_35 : memref<80xi32, #tpu.memory_space<hbm>>) target(%dma_start3A_32 : memref<80xi32, #tpu.memory_space<vmem>>) target_semaphore(%arg21 : memref<!tpu.dma_semaphore, #tpu.memory_space<semaphore_mem>>)
    %dma_start3A_36 = arith.constant 1 : i32
    %dma_start3A_37 = arith.constant 0 : i32
    %dma_start3A_38 = arith.constant 0 : i32
    %dma_start3A_39 = tpu.memref_slice %arg7[%dma_start3A_36, %dma_start3A_37, %dma_start3A_38] : memref<5x80x16xf32, #tpu.memory_space<vmem>> -> memref<1x80x16xf32, #tpu.memory_space<vmem>>
    %dma_start3A_40 = tpu.memref_squeeze %dma_start3A_39 : memref<1x80x16xf32, #tpu.memory_space<vmem>> -> memref<80x16xf32, #tpu.memory_space<vmem>>
    %dma_start3A_41 = arith.constant 80 : i32
    %dma_start3A_42 = tpu.memref_slice %arg9[%dma_start3A_41] : memref<10000xi32, #tpu.memory_space<vmem>> -> memref<80xi32, #tpu.memory_space<vmem>>
    %dma_start3A_43 = arith.constant 0 : i32
    %dma_start3A_44 = arith.constant 0 : i32
    %dma_start3A_45 = tpu.memref_slice %arg2[%dma_start3A_43, %dma_start3A_44] : memref<10000x16xf32, #tpu.memory_space<hbm>> -> memref<10000x16xf32, #tpu.memory_space<hbm>>
    tpu.enqueue_indirect_dma source(%dma_start3A_45 : memref<10000x16xf32, #tpu.memory_space<hbm>>) target(%dma_start3A_40 : memref<80x16xf32, #tpu.memory_space<vmem>>) offsets(%dma_start3A_42 : memref<80xi32, #tpu.memory_space<vmem>>) semaphore(%arg12 : memref<!tpu.dma_semaphore, #tpu.memory_space<semaphore_mem>>)
    %dma_start3A_46 = arith.constant 1 : i32
    %dma_start3A_47 = arith.constant 1 : i32
    %dma_start3A_48 = arith.constant 0 : i32
    %dma_start3A_49 = tpu.memref_slice %arg10[%dma_start3A_47, %dma_start3A_48] : memref<5x80xi32, #tpu.memory_space<vmem>> -> memref<1x80xi32, #tpu.memory_space<vmem>>
    %dma_start3A_50 = tpu.memref_squeeze %dma_start3A_49 : memref<1x80xi32, #tpu.memory_space<vmem>> -> memref<80xi32, #tpu.memory_space<vmem>>
    %dma_start3A_51 = arith.constant 0 : i32
    %dma_start3A_52 = tpu.memref_slice %arg4[%add3A, %dma_start3A_46, %dma_start3A_51] : memref<32x125x80xi32, #tpu.memory_space<hbm>> -> memref<1x1x80xi32, #tpu.memory_space<hbm>>
    %dma_start3A_53 = tpu.memref_squeeze %dma_start3A_52 : memref<1x1x80xi32, #tpu.memory_space<hbm>> -> memref<80xi32, #tpu.memory_space<hbm>>
    %dma_start3A_54 = arith.constant 0 : i32
    %dma_start3A_55 = tpu.memref_slice %arg10[%dma_start3A_47, %dma_start3A_54] : memref<5x80xi32, #tpu.memory_space<vmem>> -> memref<1x80xi32, #tpu.memory_space<vmem>>
    %dma_start3A_56 = tpu.memref_squeeze %dma_start3A_55 : memref<1x80xi32, #tpu.memory_space<vmem>> -> memref<80xi32, #tpu.memory_space<vmem>>
    %dma_start3A_57 = arith.constant 0 : i32
    %dma_start3A_58 = tpu.memref_slice %arg4[%add3A, %dma_start3A_46, %dma_start3A_57] : memref<32x125x80xi32, #tpu.memory_space<hbm>> -> memref<1x1x80xi32, #tpu.memory_space<hbm>>
    %dma_start3A_59 = tpu.memref_squeeze %dma_start3A_58 : memref<1x1x80xi32, #tpu.memory_space<hbm>> -> memref<80xi32, #tpu.memory_space<hbm>>
    tpu.enqueue_dma source(%dma_start3A_59 : memref<80xi32, #tpu.memory_space<hbm>>) target(%dma_start3A_56 : memref<80xi32, #tpu.memory_space<vmem>>) target_semaphore(%arg22 : memref<!tpu.dma_semaphore, #tpu.memory_space<semaphore_mem>>)
    %dma_start3A_60 = arith.constant 2 : i32
    %dma_start3A_61 = arith.constant 0 : i32
    %dma_start3A_62 = arith.constant 0 : i32
    %dma_start3A_63 = tpu.memref_slice %arg7[%dma_start3A_60, %dma_start3A_61, %dma_start3A_62] : memref<5x80x16xf32, #tpu.memory_space<vmem>> -> memref<1x80x16xf32, #tpu.memory_space<vmem>>
    %dma_start3A_64 = tpu.memref_squeeze %dma_start3A_63 : memref<1x80x16xf32, #tpu.memory_space<vmem>> -> memref<80x16xf32, #tpu.memory_space<vmem>>
    %dma_start3A_65 = arith.constant 160 : i32
    %dma_start3A_66 = tpu.memref_slice %arg9[%dma_start3A_65] : memref<10000xi32, #tpu.memory_space<vmem>> -> memref<80xi32, #tpu.memory_space<vmem>>
    %dma_start3A_67 = arith.constant 0 : i32
    %dma_start3A_68 = arith.constant 0 : i32
    %dma_start3A_69 = tpu.memref_slice %arg2[%dma_start3A_67, %dma_start3A_68] : memref<10000x16xf32, #tpu.memory_space<hbm>> -> memref<10000x16xf32, #tpu.memory_space<hbm>>
    tpu.enqueue_indirect_dma source(%dma_start3A_69 : memref<10000x16xf32, #tpu.memory_space<hbm>>) target(%dma_start3A_64 : memref<80x16xf32, #tpu.memory_space<vmem>>) offsets(%dma_start3A_66 : memref<80xi32, #tpu.memory_space<vmem>>) semaphore(%arg13 : memref<!tpu.dma_semaphore, #tpu.memory_space<semaphore_mem>>)
    %dma_start3A_70 = arith.constant 2 : i32
    %dma_start3A_71 = arith.constant 2 : i32
    %dma_start3A_72 = arith.constant 0 : i32
    %dma_start3A_73 = tpu.memref_slice %arg10[%dma_start3A_71, %dma_start3A_72] : memref<5x80xi32, #tpu.memory_space<vmem>> -> memref<1x80xi32, #tpu.memory_space<vmem>>
    %dma_start3A_74 = tpu.memref_squeeze %dma_start3A_73 : memref<1x80xi32, #tpu.memory_space<vmem>> -> memref<80xi32, #tpu.memory_space<vmem>>
    %dma_start3A_75 = arith.constant 0 : i32
    %dma_start3A_76 = tpu.memref_slice %arg4[%add3A, %dma_start3A_70, %dma_start3A_75] : memref<32x125x80xi32, #tpu.memory_space<hbm>> -> memref<1x1x80xi32, #tpu.memory_space<hbm>>
    %dma_start3A_77 = tpu.memref_squeeze %dma_start3A_76 : memref<1x1x80xi32, #tpu.memory_space<hbm>> -> memref<80xi32, #tpu.memory_space<hbm>>
    %dma_start3A_78 = arith.constant 0 : i32
    %dma_start3A_79 = tpu.memref_slice %arg10[%dma_start3A_71, %dma_start3A_78] : memref<5x80xi32, #tpu.memory_space<vmem>> -> memref<1x80xi32, #tpu.memory_space<vmem>>
    %dma_start3A_80 = tpu.memref_squeeze %dma_start3A_79 : memref<1x80xi32, #tpu.memory_space<vmem>> -> memref<80xi32, #tpu.memory_space<vmem>>
    %dma_start3A_81 = arith.constant 0 : i32
    %dma_start3A_82 = tpu.memref_slice %arg4[%add3A, %dma_start3A_70, %dma_start3A_81] : memref<32x125x80xi32, #tpu.memory_space<hbm>> -> memref<1x1x80xi32, #tpu.memory_space<hbm>>
    %dma_start3A_83 = tpu.memref_squeeze %dma_start3A_82 : memref<1x1x80xi32, #tpu.memory_space<hbm>> -> memref<80xi32, #tpu.memory_space<hbm>>
    tpu.enqueue_dma source(%dma_start3A_83 : memref<80xi32, #tpu.memory_space<hbm>>) target(%dma_start3A_80 : memref<80xi32, #tpu.memory_space<vmem>>) target_semaphore(%arg23 : memref<!tpu.dma_semaphore, #tpu.memory_space<semaphore_mem>>)
    %dma_start3A_84 = arith.constant 3 : i32
    %dma_start3A_85 = arith.constant 0 : i32
    %dma_start3A_86 = arith.constant 0 : i32
    %dma_start3A_87 = tpu.memref_slice %arg7[%dma_start3A_84, %dma_start3A_85, %dma_start3A_86] : memref<5x80x16xf32, #tpu.memory_space<vmem>> -> memref<1x80x16xf32, #tpu.memory_space<vmem>>
    %dma_start3A_88 = tpu.memref_squeeze %dma_start3A_87 : memref<1x80x16xf32, #tpu.memory_space<vmem>> -> memref<80x16xf32, #tpu.memory_space<vmem>>
    %dma_start3A_89 = arith.constant 240 : i32
    %dma_start3A_90 = tpu.memref_slice %arg9[%dma_start3A_89] : memref<10000xi32, #tpu.memory_space<vmem>> -> memref<80xi32, #tpu.memory_space<vmem>>
    %dma_start3A_91 = arith.constant 0 : i32
    %dma_start3A_92 = arith.constant 0 : i32
    %dma_start3A_93 = tpu.memref_slice %arg2[%dma_start3A_91, %dma_start3A_92] : memref<10000x16xf32, #tpu.memory_space<hbm>> -> memref<10000x16xf32, #tpu.memory_space<hbm>>
    tpu.enqueue_indirect_dma source(%dma_start3A_93 : memref<10000x16xf32, #tpu.memory_space<hbm>>) target(%dma_start3A_88 : memref<80x16xf32, #tpu.memory_space<vmem>>) offsets(%dma_start3A_90 : memref<80xi32, #tpu.memory_space<vmem>>) semaphore(%arg14 : memref<!tpu.dma_semaphore, #tpu.memory_space<semaphore_mem>>)
    %dma_start3A_94 = arith.constant 3 : i32
    %dma_start3A_95 = arith.constant 3 : i32
    %dma_start3A_96 = arith.constant 0 : i32
    %dma_start3A_97 = tpu.memref_slice %arg10[%dma_start3A_95, %dma_start3A_96] : memref<5x80xi32, #tpu.memory_space<vmem>> -> memref<1x80xi32, #tpu.memory_space<vmem>>
    %dma_start3A_98 = tpu.memref_squeeze %dma_start3A_97 : memref<1x80xi32, #tpu.memory_space<vmem>> -> memref<80xi32, #tpu.memory_space<vmem>>
    %dma_start3A_99 = arith.constant 0 : i32
    %dma_start3A_100 = tpu.memref_slice %arg4[%add3A, %dma_start3A_94, %dma_start3A_99] : memref<32x125x80xi32, #tpu.memory_space<hbm>> -> memref<1x1x80xi32, #tpu.memory_space<hbm>>
    %dma_start3A_101 = tpu.memref_squeeze %dma_start3A_100 : memref<1x1x80xi32, #tpu.memory_space<hbm>> -> memref<80xi32, #tpu.memory_space<hbm>>
    %dma_start3A_102 = arith.constant 0 : i32
    %dma_start3A_103 = tpu.memref_slice %arg10[%dma_start3A_95, %dma_start3A_102] : memref<5x80xi32, #tpu.memory_space<vmem>> -> memref<1x80xi32, #tpu.memory_space<vmem>>
    %dma_start3A_104 = tpu.memref_squeeze %dma_start3A_103 : memref<1x80xi32, #tpu.memory_space<vmem>> -> memref<80xi32, #tpu.memory_space<vmem>>
    %dma_start3A_105 = arith.constant 0 : i32
    %dma_start3A_106 = tpu.memref_slice %arg4[%add3A, %dma_start3A_94, %dma_start3A_105] : memref<32x125x80xi32, #tpu.memory_space<hbm>> -> memref<1x1x80xi32, #tpu.memory_space<hbm>>
    %dma_start3A_107 = tpu.memref_squeeze %dma_start3A_106 : memref<1x1x80xi32, #tpu.memory_space<hbm>> -> memref<80xi32, #tpu.memory_space<hbm>>
    tpu.enqueue_dma source(%dma_start3A_107 : memref<80xi32, #tpu.memory_space<hbm>>) target(%dma_start3A_104 : memref<80xi32, #tpu.memory_space<vmem>>) target_semaphore(%arg24 : memref<!tpu.dma_semaphore, #tpu.memory_space<semaphore_mem>>)
    %dma_start3A_108 = arith.constant 4 : i32
    %dma_start3A_109 = arith.constant 0 : i32
    %dma_start3A_110 = arith.constant 0 : i32
    %dma_start3A_111 = tpu.memref_slice %arg7[%dma_start3A_108, %dma_start3A_109, %dma_start3A_110] : memref<5x80x16xf32, #tpu.memory_space<vmem>> -> memref<1x80x16xf32, #tpu.memory_space<vmem>>
    %dma_start3A_112 = tpu.memref_squeeze %dma_start3A_111 : memref<1x80x16xf32, #tpu.memory_space<vmem>> -> memref<80x16xf32, #tpu.memory_space<vmem>>
    %dma_start3A_113 = arith.constant 320 : i32
    %dma_start3A_114 = tpu.memref_slice %arg9[%dma_start3A_113] : memref<10000xi32, #tpu.memory_space<vmem>> -> memref<80xi32, #tpu.memory_space<vmem>>
    %dma_start3A_115 = arith.constant 0 : i32
    %dma_start3A_116 = arith.constant 0 : i32
    %dma_start3A_117 = tpu.memref_slice %arg2[%dma_start3A_115, %dma_start3A_116] : memref<10000x16xf32, #tpu.memory_space<hbm>> -> memref<10000x16xf32, #tpu.memory_space<hbm>>
    tpu.enqueue_indirect_dma source(%dma_start3A_117 : memref<10000x16xf32, #tpu.memory_space<hbm>>) target(%dma_start3A_112 : memref<80x16xf32, #tpu.memory_space<vmem>>) offsets(%dma_start3A_114 : memref<80xi32, #tpu.memory_space<vmem>>) semaphore(%arg15 : memref<!tpu.dma_semaphore, #tpu.memory_space<semaphore_mem>>)
    %dma_start3A_118 = arith.constant 4 : i32
    %dma_start3A_119 = arith.constant 4 : i32
    %dma_start3A_120 = arith.constant 0 : i32
    %dma_start3A_121 = tpu.memref_slice %arg10[%dma_start3A_119, %dma_start3A_120] : memref<5x80xi32, #tpu.memory_space<vmem>> -> memref<1x80xi32, #tpu.memory_space<vmem>>
    %dma_start3A_122 = tpu.memref_squeeze %dma_start3A_121 : memref<1x80xi32, #tpu.memory_space<vmem>> -> memref<80xi32, #tpu.memory_space<vmem>>
    %dma_start3A_123 = arith.constant 0 : i32
    %dma_start3A_124 = tpu.memref_slice %arg4[%add3A, %dma_start3A_118, %dma_start3A_123] : memref<32x125x80xi32, #tpu.memory_space<hbm>> -> memref<1x1x80xi32, #tpu.memory_space<hbm>>
    %dma_start3A_125 = tpu.memref_squeeze %dma_start3A_124 : memref<1x1x80xi32, #tpu.memory_space<hbm>> -> memref<80xi32, #tpu.memory_space<hbm>>
    %dma_start3A_126 = arith.constant 0 : i32
    %dma_start3A_127 = tpu.memref_slice %arg10[%dma_start3A_119, %dma_start3A_126] : memref<5x80xi32, #tpu.memory_space<vmem>> -> memref<1x80xi32, #tpu.memory_space<vmem>>
    %dma_start3A_128 = tpu.memref_squeeze %dma_start3A_127 : memref<1x80xi32, #tpu.memory_space<vmem>> -> memref<80xi32, #tpu.memory_space<vmem>>
    %dma_start3A_129 = arith.constant 0 : i32
    %dma_start3A_130 = tpu.memref_slice %arg4[%add3A, %dma_start3A_118, %dma_start3A_129] : memref<32x125x80xi32, #tpu.memory_space<hbm>> -> memref<1x1x80xi32, #tpu.memory_space<hbm>>
    %dma_start3A_131 = tpu.memref_squeeze %dma_start3A_130 : memref<1x1x80xi32, #tpu.memory_space<hbm>> -> memref<80xi32, #tpu.memory_space<hbm>>
    tpu.enqueue_dma source(%dma_start3A_131 : memref<80xi32, #tpu.memory_space<hbm>>) target(%dma_start3A_128 : memref<80xi32, #tpu.memory_space<vmem>>) target_semaphore(%arg25 : memref<!tpu.dma_semaphore, #tpu.memory_space<semaphore_mem>>)
    %scan3A_132 = arith.constant 0 : i32
    %scan3A_133 = arith.constant 0 : i32
    %scan3A_134 = arith.constant 25 : i32
    %scan3A_135 = arith.addi %scan3A_133, %scan3A_134 : i32
    %scan3A_136 = arith.constant 1 : i32
    scf.for %scan3A_141 = %scan3A_133 to %scan3A_135 step %scan3A_136  : i32 {
      %mul3A_142 = arith.constant 5 : i32
      %mul3A_143 = arith.muli %scan3A_141, %mul3A_142 : i32
      %add3A_144 = arith.constant 0 : i32
      %add3A_145 = arith.addi %mul3A_143, %add3A_144 : i32
      %lt3A = arith.constant 125 : i32
      %lt3A_146 = arith.cmpi slt, %add3A_145, %lt3A : i32
      %convert_element_type3A = arith.extui %lt3A_146 : i1 to i32
      %cond3A = arith.constant 0 : i32
      %cond3A_147 = arith.cmpi ne, %convert_element_type3A, %cond3A : i32
      scf.if %cond3A_147 {
        %mul3A_246 = arith.constant 80 : i32
        %mul3A_247 = arith.muli %add3A_145, %mul3A_246 : i32
        %dma_wait3A = arith.constant 0 : i32
        %dma_wait3A_248 = arith.constant 0 : i32
        %dma_wait3A_249 = arith.constant 0 : i32
        %dma_wait3A_250 = tpu.memref_slice %arg7[%dma_wait3A, %dma_wait3A_248, %dma_wait3A_249] : memref<5x80x16xf32, #tpu.memory_space<vmem>> -> memref<1x80x16xf32, #tpu.memory_space<vmem>>
        %dma_wait3A_251 = tpu.memref_squeeze %dma_wait3A_250 : memref<1x80x16xf32, #tpu.memory_space<vmem>> -> memref<80x16xf32, #tpu.memory_space<vmem>>
        %dma_wait3A_252 = tpu.memref_slice %arg9[%mul3A_247] : memref<10000xi32, #tpu.memory_space<vmem>> -> memref<80xi32, #tpu.memory_space<vmem>>
        %dma_wait3A_253 = arith.constant 0 : i32
        %dma_wait3A_254 = arith.constant 0 : i32
        %dma_wait3A_255 = tpu.memref_slice %arg2[%dma_wait3A_253, %dma_wait3A_254] : memref<10000x16xf32, #tpu.memory_space<hbm>> -> memref<10000x16xf32, #tpu.memory_space<hbm>>
        tpu.wait_indirect_dma semaphore(%arg11 : memref<!tpu.dma_semaphore, #tpu.memory_space<semaphore_mem>>) src(%dma_wait3A_255 : memref<10000x16xf32, #tpu.memory_space<hbm>>) dst(%dma_wait3A_251 : memref<80x16xf32, #tpu.memory_space<vmem>>)
        %dma_wait3A_256 = arith.constant 0 : i32
        %dma_wait3A_257 = arith.constant 0 : i32
        %dma_wait3A_258 = tpu.memref_slice %arg10[%dma_wait3A_256, %dma_wait3A_257] : memref<5x80xi32, #tpu.memory_space<vmem>> -> memref<1x80xi32, #tpu.memory_space<vmem>>
        %dma_wait3A_259 = tpu.memref_squeeze %dma_wait3A_258 : memref<1x80xi32, #tpu.memory_space<vmem>> -> memref<80xi32, #tpu.memory_space<vmem>>
        %dma_wait3A_260 = arith.constant 0 : i32
        %dma_wait3A_261 = tpu.memref_slice %arg4[%add3A, %add3A_145, %dma_wait3A_260] : memref<32x125x80xi32, #tpu.memory_space<hbm>> -> memref<1x1x80xi32, #tpu.memory_space<hbm>>
        %dma_wait3A_262 = tpu.memref_squeeze %dma_wait3A_261 : memref<1x1x80xi32, #tpu.memory_space<hbm>> -> memref<80xi32, #tpu.memory_space<hbm>>
        %dma_wait3A_263 = arith.constant 0 : i32
        %dma_wait3A_264 = tpu.memref_slice %arg10[%dma_wait3A_256, %dma_wait3A_263] : memref<5x80xi32, #tpu.memory_space<vmem>> -> memref<1x80xi32, #tpu.memory_space<vmem>>
        %dma_wait3A_265 = tpu.memref_squeeze %dma_wait3A_264 : memref<1x80xi32, #tpu.memory_space<vmem>> -> memref<80xi32, #tpu.memory_space<vmem>>
        %dma_wait3A_266 = arith.constant 0 : i32
        %dma_wait3A_267 = tpu.memref_slice %arg4[%add3A, %add3A_145, %dma_wait3A_266] : memref<32x125x80xi32, #tpu.memory_space<hbm>> -> memref<1x1x80xi32, #tpu.memory_space<hbm>>
        %dma_wait3A_268 = tpu.memref_squeeze %dma_wait3A_267 : memref<1x1x80xi32, #tpu.memory_space<hbm>> -> memref<80xi32, #tpu.memory_space<hbm>>
        tpu.wait_dma2 semaphore(%arg21 : memref<!tpu.dma_semaphore, #tpu.memory_space<semaphore_mem>>) src(%dma_wait3A_268 : memref<80xi32, #tpu.memory_space<hbm>>) dst(%dma_wait3A_265 : memref<80xi32, #tpu.memory_space<vmem>>)
        %dma_start3A_269 = arith.constant 0 : i32
        %dma_start3A_270 = arith.constant 0 : i32
        %dma_start3A_271 = arith.constant 0 : i32
        %dma_start3A_272 = arith.constant 0 : i32
        %dma_start3A_273 = tpu.memref_slice %arg7[%dma_start3A_269, %dma_start3A_271, %dma_start3A_272] : memref<5x80x16xf32, #tpu.memory_space<vmem>> -> memref<1x80x16xf32, #tpu.memory_space<vmem>>
        %dma_start3A_274 = tpu.memref_squeeze %dma_start3A_273 : memref<1x80x16xf32, #tpu.memory_space<vmem>> -> memref<80x16xf32, #tpu.memory_space<vmem>>
        %dma_start3A_275 = arith.constant 0 : i32
        %dma_start3A_276 = tpu.memref_slice %arg10[%dma_start3A_270, %dma_start3A_275] : memref<5x80xi32, #tpu.memory_space<vmem>> -> memref<1x80xi32, #tpu.memory_space<vmem>>
        %dma_start3A_277 = tpu.memref_squeeze %dma_start3A_276 : memref<1x80xi32, #tpu.memory_space<vmem>> -> memref<80xi32, #tpu.memory_space<vmem>>
        %dma_start3A_278 = arith.constant 0 : i32
        %dma_start3A_279 = arith.constant 0 : i32
        %dma_start3A_280 = tpu.memref_slice %arg6[%dma_start3A_278, %dma_start3A_279] : memref<10000x16xf32, #tpu.memory_space<vmem_shared>> -> memref<10000x16xf32, #tpu.memory_space<vmem_shared>>
        tpu.enqueue_indirect_dma source(%dma_start3A_274 : memref<80x16xf32, #tpu.memory_space<vmem>>) target(%dma_start3A_280 : memref<10000x16xf32, #tpu.memory_space<vmem_shared>>) offsets(%dma_start3A_277 : memref<80xi32, #tpu.memory_space<vmem>>) semaphore(%arg16 : memref<!tpu.dma_semaphore, #tpu.memory_space<semaphore_mem>>) {add = true}
      } else {
      }
      %add3A_148 = arith.constant 1 : i32
      %add3A_149 = arith.addi %mul3A_143, %add3A_148 : i32
      %lt3A_150 = arith.constant 125 : i32
      %lt3A_151 = arith.cmpi slt, %add3A_149, %lt3A_150 : i32
      %convert_element_type3A_152 = arith.extui %lt3A_151 : i1 to i32
      %cond3A_153 = arith.constant 0 : i32
      %cond3A_154 = arith.cmpi ne, %convert_element_type3A_152, %cond3A_153 : i32
      scf.if %cond3A_154 {
        %mul3A_246 = arith.constant 80 : i32
        %mul3A_247 = arith.muli %add3A_149, %mul3A_246 : i32
        %dma_wait3A = arith.constant 1 : i32
        %dma_wait3A_248 = arith.constant 0 : i32
        %dma_wait3A_249 = arith.constant 0 : i32
        %dma_wait3A_250 = tpu.memref_slice %arg7[%dma_wait3A, %dma_wait3A_248, %dma_wait3A_249] : memref<5x80x16xf32, #tpu.memory_space<vmem>> -> memref<1x80x16xf32, #tpu.memory_space<vmem>>
        %dma_wait3A_251 = tpu.memref_squeeze %dma_wait3A_250 : memref<1x80x16xf32, #tpu.memory_space<vmem>> -> memref<80x16xf32, #tpu.memory_space<vmem>>
        %dma_wait3A_252 = tpu.memref_slice %arg9[%mul3A_247] : memref<10000xi32, #tpu.memory_space<vmem>> -> memref<80xi32, #tpu.memory_space<vmem>>
        %dma_wait3A_253 = arith.constant 0 : i32
        %dma_wait3A_254 = arith.constant 0 : i32
        %dma_wait3A_255 = tpu.memref_slice %arg2[%dma_wait3A_253, %dma_wait3A_254] : memref<10000x16xf32, #tpu.memory_space<hbm>> -> memref<10000x16xf32, #tpu.memory_space<hbm>>
        tpu.wait_indirect_dma semaphore(%arg12 : memref<!tpu.dma_semaphore, #tpu.memory_space<semaphore_mem>>) src(%dma_wait3A_255 : memref<10000x16xf32, #tpu.memory_space<hbm>>) dst(%dma_wait3A_251 : memref<80x16xf32, #tpu.memory_space<vmem>>)
        %dma_wait3A_256 = arith.constant 1 : i32
        %dma_wait3A_257 = arith.constant 0 : i32
        %dma_wait3A_258 = tpu.memref_slice %arg10[%dma_wait3A_256, %dma_wait3A_257] : memref<5x80xi32, #tpu.memory_space<vmem>> -> memref<1x80xi32, #tpu.memory_space<vmem>>
        %dma_wait3A_259 = tpu.memref_squeeze %dma_wait3A_258 : memref<1x80xi32, #tpu.memory_space<vmem>> -> memref<80xi32, #tpu.memory_space<vmem>>
        %dma_wait3A_260 = arith.constant 0 : i32
        %dma_wait3A_261 = tpu.memref_slice %arg4[%add3A, %add3A_149, %dma_wait3A_260] : memref<32x125x80xi32, #tpu.memory_space<hbm>> -> memref<1x1x80xi32, #tpu.memory_space<hbm>>
        %dma_wait3A_262 = tpu.memref_squeeze %dma_wait3A_261 : memref<1x1x80xi32, #tpu.memory_space<hbm>> -> memref<80xi32, #tpu.memory_space<hbm>>
        %dma_wait3A_263 = arith.constant 0 : i32
        %dma_wait3A_264 = tpu.memref_slice %arg10[%dma_wait3A_256, %dma_wait3A_263] : memref<5x80xi32, #tpu.memory_space<vmem>> -> memref<1x80xi32, #tpu.memory_space<vmem>>
        %dma_wait3A_265 = tpu.memref_squeeze %dma_wait3A_264 : memref<1x80xi32, #tpu.memory_space<vmem>> -> memref<80xi32, #tpu.memory_space<vmem>>
        %dma_wait3A_266 = arith.constant 0 : i32
        %dma_wait3A_267 = tpu.memref_slice %arg4[%add3A, %add3A_149, %dma_wait3A_266] : memref<32x125x80xi32, #tpu.memory_space<hbm>> -> memref<1x1x80xi32, #tpu.memory_space<hbm>>
        %dma_wait3A_268 = tpu.memref_squeeze %dma_wait3A_267 : memref<1x1x80xi32, #tpu.memory_space<hbm>> -> memref<80xi32, #tpu.memory_space<hbm>>
        tpu.wait_dma2 semaphore(%arg22 : memref<!tpu.dma_semaphore, #tpu.memory_space<semaphore_mem>>) src(%dma_wait3A_268 : memref<80xi32, #tpu.memory_space<hbm>>) dst(%dma_wait3A_265 : memref<80xi32, #tpu.memory_space<vmem>>)
        %dma_start3A_269 = arith.constant 1 : i32
        %dma_start3A_270 = arith.constant 1 : i32
        %dma_start3A_271 = arith.constant 0 : i32
        %dma_start3A_272 = arith.constant 0 : i32
        %dma_start3A_273 = tpu.memref_slice %arg7[%dma_start3A_269, %dma_start3A_271, %dma_start3A_272] : memref<5x80x16xf32, #tpu.memory_space<vmem>> -> memref<1x80x16xf32, #tpu.memory_space<vmem>>
        %dma_start3A_274 = tpu.memref_squeeze %dma_start3A_273 : memref<1x80x16xf32, #tpu.memory_space<vmem>> -> memref<80x16xf32, #tpu.memory_space<vmem>>
        %dma_start3A_275 = arith.constant 0 : i32
        %dma_start3A_276 = tpu.memref_slice %arg10[%dma_start3A_270, %dma_start3A_275] : memref<5x80xi32, #tpu.memory_space<vmem>> -> memref<1x80xi32, #tpu.memory_space<vmem>>
        %dma_start3A_277 = tpu.memref_squeeze %dma_start3A_276 : memref<1x80xi32, #tpu.memory_space<vmem>> -> memref<80xi32, #tpu.memory_space<vmem>>
        %dma_start3A_278 = arith.constant 0 : i32
        %dma_start3A_279 = arith.constant 0 : i32
        %dma_start3A_280 = tpu.memref_slice %arg6[%dma_start3A_278, %dma_start3A_279] : memref<10000x16xf32, #tpu.memory_space<vmem_shared>> -> memref<10000x16xf32, #tpu.memory_space<vmem_shared>>
        tpu.enqueue_indirect_dma source(%dma_start3A_274 : memref<80x16xf32, #tpu.memory_space<vmem>>) target(%dma_start3A_280 : memref<10000x16xf32, #tpu.memory_space<vmem_shared>>) offsets(%dma_start3A_277 : memref<80xi32, #tpu.memory_space<vmem>>) semaphore(%arg17 : memref<!tpu.dma_semaphore, #tpu.memory_space<semaphore_mem>>) {add = true}
      } else {
      }
      %add3A_155 = arith.constant 2 : i32
      %add3A_156 = arith.addi %mul3A_143, %add3A_155 : i32
      %lt3A_157 = arith.constant 125 : i32
      %lt3A_158 = arith.cmpi slt, %add3A_156, %lt3A_157 : i32
      %convert_element_type3A_159 = arith.extui %lt3A_158 : i1 to i32
      %cond3A_160 = arith.constant 0 : i32
      %cond3A_161 = arith.cmpi ne, %convert_element_type3A_159, %cond3A_160 : i32
      scf.if %cond3A_161 {
        %mul3A_246 = arith.constant 80 : i32
        %mul3A_247 = arith.muli %add3A_156, %mul3A_246 : i32
        %dma_wait3A = arith.constant 2 : i32
        %dma_wait3A_248 = arith.constant 0 : i32
        %dma_wait3A_249 = arith.constant 0 : i32
        %dma_wait3A_250 = tpu.memref_slice %arg7[%dma_wait3A, %dma_wait3A_248, %dma_wait3A_249] : memref<5x80x16xf32, #tpu.memory_space<vmem>> -> memref<1x80x16xf32, #tpu.memory_space<vmem>>
        %dma_wait3A_251 = tpu.memref_squeeze %dma_wait3A_250 : memref<1x80x16xf32, #tpu.memory_space<vmem>> -> memref<80x16xf32, #tpu.memory_space<vmem>>
        %dma_wait3A_252 = tpu.memref_slice %arg9[%mul3A_247] : memref<10000xi32, #tpu.memory_space<vmem>> -> memref<80xi32, #tpu.memory_space<vmem>>
        %dma_wait3A_253 = arith.constant 0 : i32
        %dma_wait3A_254 = arith.constant 0 : i32
        %dma_wait3A_255 = tpu.memref_slice %arg2[%dma_wait3A_253, %dma_wait3A_254] : memref<10000x16xf32, #tpu.memory_space<hbm>> -> memref<10000x16xf32, #tpu.memory_space<hbm>>
        tpu.wait_indirect_dma semaphore(%arg13 : memref<!tpu.dma_semaphore, #tpu.memory_space<semaphore_mem>>) src(%dma_wait3A_255 : memref<10000x16xf32, #tpu.memory_space<hbm>>) dst(%dma_wait3A_251 : memref<80x16xf32, #tpu.memory_space<vmem>>)
        %dma_wait3A_256 = arith.constant 2 : i32
        %dma_wait3A_257 = arith.constant 0 : i32
        %dma_wait3A_258 = tpu.memref_slice %arg10[%dma_wait3A_256, %dma_wait3A_257] : memref<5x80xi32, #tpu.memory_space<vmem>> -> memref<1x80xi32, #tpu.memory_space<vmem>>
        %dma_wait3A_259 = tpu.memref_squeeze %dma_wait3A_258 : memref<1x80xi32, #tpu.memory_space<vmem>> -> memref<80xi32, #tpu.memory_space<vmem>>
        %dma_wait3A_260 = arith.constant 0 : i32
        %dma_wait3A_261 = tpu.memref_slice %arg4[%add3A, %add3A_156, %dma_wait3A_260] : memref<32x125x80xi32, #tpu.memory_space<hbm>> -> memref<1x1x80xi32, #tpu.memory_space<hbm>>
        %dma_wait3A_262 = tpu.memref_squeeze %dma_wait3A_261 : memref<1x1x80xi32, #tpu.memory_space<hbm>> -> memref<80xi32, #tpu.memory_space<hbm>>
        %dma_wait3A_263 = arith.constant 0 : i32
        %dma_wait3A_264 = tpu.memref_slice %arg10[%dma_wait3A_256, %dma_wait3A_263] : memref<5x80xi32, #tpu.memory_space<vmem>> -> memref<1x80xi32, #tpu.memory_space<vmem>>
        %dma_wait3A_265 = tpu.memref_squeeze %dma_wait3A_264 : memref<1x80xi32, #tpu.memory_space<vmem>> -> memref<80xi32, #tpu.memory_space<vmem>>
        %dma_wait3A_266 = arith.constant 0 : i32
        %dma_wait3A_267 = tpu.memref_slice %arg4[%add3A, %add3A_156, %dma_wait3A_266] : memref<32x125x80xi32, #tpu.memory_space<hbm>> -> memref<1x1x80xi32, #tpu.memory_space<hbm>>
        %dma_wait3A_268 = tpu.memref_squeeze %dma_wait3A_267 : memref<1x1x80xi32, #tpu.memory_space<hbm>> -> memref<80xi32, #tpu.memory_space<hbm>>
        tpu.wait_dma2 semaphore(%arg23 : memref<!tpu.dma_semaphore, #tpu.memory_space<semaphore_mem>>) src(%dma_wait3A_268 : memref<80xi32, #tpu.memory_space<hbm>>) dst(%dma_wait3A_265 : memref<80xi32, #tpu.memory_space<vmem>>)
        %dma_start3A_269 = arith.constant 2 : i32
        %dma_start3A_270 = arith.constant 2 : i32
        %dma_start3A_271 = arith.constant 0 : i32
        %dma_start3A_272 = arith.constant 0 : i32
        %dma_start3A_273 = tpu.memref_slice %arg7[%dma_start3A_269, %dma_start3A_271, %dma_start3A_272] : memref<5x80x16xf32, #tpu.memory_space<vmem>> -> memref<1x80x16xf32, #tpu.memory_space<vmem>>
        %dma_start3A_274 = tpu.memref_squeeze %dma_start3A_273 : memref<1x80x16xf32, #tpu.memory_space<vmem>> -> memref<80x16xf32, #tpu.memory_space<vmem>>
        %dma_start3A_275 = arith.constant 0 : i32
        %dma_start3A_276 = tpu.memref_slice %arg10[%dma_start3A_270, %dma_start3A_275] : memref<5x80xi32, #tpu.memory_space<vmem>> -> memref<1x80xi32, #tpu.memory_space<vmem>>
        %dma_start3A_277 = tpu.memref_squeeze %dma_start3A_276 : memref<1x80xi32, #tpu.memory_space<vmem>> -> memref<80xi32, #tpu.memory_space<vmem>>
        %dma_start3A_278 = arith.constant 0 : i32
        %dma_start3A_279 = arith.constant 0 : i32
        %dma_start3A_280 = tpu.memref_slice %arg6[%dma_start3A_278, %dma_start3A_279] : memref<10000x16xf32, #tpu.memory_space<vmem_shared>> -> memref<10000x16xf32, #tpu.memory_space<vmem_shared>>
        tpu.enqueue_indirect_dma source(%dma_start3A_274 : memref<80x16xf32, #tpu.memory_space<vmem>>) target(%dma_start3A_280 : memref<10000x16xf32, #tpu.memory_space<vmem_shared>>) offsets(%dma_start3A_277 : memref<80xi32, #tpu.memory_space<vmem>>) semaphore(%arg18 : memref<!tpu.dma_semaphore, #tpu.memory_space<semaphore_mem>>) {add = true}
      } else {
      }
      %add3A_162 = arith.constant 3 : i32
      %add3A_163 = arith.addi %mul3A_143, %add3A_162 : i32
      %lt3A_164 = arith.constant 125 : i32
      %lt3A_165 = arith.cmpi slt, %add3A_163, %lt3A_164 : i32
      %convert_element_type3A_166 = arith.extui %lt3A_165 : i1 to i32
      %cond3A_167 = arith.constant 0 : i32
      %cond3A_168 = arith.cmpi ne, %convert_element_type3A_166, %cond3A_167 : i32
      scf.if %cond3A_168 {
        %mul3A_246 = arith.constant 80 : i32
        %mul3A_247 = arith.muli %add3A_163, %mul3A_246 : i32
        %dma_wait3A = arith.constant 3 : i32
        %dma_wait3A_248 = arith.constant 0 : i32
        %dma_wait3A_249 = arith.constant 0 : i32
        %dma_wait3A_250 = tpu.memref_slice %arg7[%dma_wait3A, %dma_wait3A_248, %dma_wait3A_249] : memref<5x80x16xf32, #tpu.memory_space<vmem>> -> memref<1x80x16xf32, #tpu.memory_space<vmem>>
        %dma_wait3A_251 = tpu.memref_squeeze %dma_wait3A_250 : memref<1x80x16xf32, #tpu.memory_space<vmem>> -> memref<80x16xf32, #tpu.memory_space<vmem>>
        %dma_wait3A_252 = tpu.memref_slice %arg9[%mul3A_247] : memref<10000xi32, #tpu.memory_space<vmem>> -> memref<80xi32, #tpu.memory_space<vmem>>
        %dma_wait3A_253 = arith.constant 0 : i32
        %dma_wait3A_254 = arith.constant 0 : i32
        %dma_wait3A_255 = tpu.memref_slice %arg2[%dma_wait3A_253, %dma_wait3A_254] : memref<10000x16xf32, #tpu.memory_space<hbm>> -> memref<10000x16xf32, #tpu.memory_space<hbm>>
        tpu.wait_indirect_dma semaphore(%arg14 : memref<!tpu.dma_semaphore, #tpu.memory_space<semaphore_mem>>) src(%dma_wait3A_255 : memref<10000x16xf32, #tpu.memory_space<hbm>>) dst(%dma_wait3A_251 : memref<80x16xf32, #tpu.memory_space<vmem>>)
        %dma_wait3A_256 = arith.constant 3 : i32
        %dma_wait3A_257 = arith.constant 0 : i32
        %dma_wait3A_258 = tpu.memref_slice %arg10[%dma_wait3A_256, %dma_wait3A_257] : memref<5x80xi32, #tpu.memory_space<vmem>> -> memref<1x80xi32, #tpu.memory_space<vmem>>
        %dma_wait3A_259 = tpu.memref_squeeze %dma_wait3A_258 : memref<1x80xi32, #tpu.memory_space<vmem>> -> memref<80xi32, #tpu.memory_space<vmem>>
        %dma_wait3A_260 = arith.constant 0 : i32
        %dma_wait3A_261 = tpu.memref_slice %arg4[%add3A, %add3A_163, %dma_wait3A_260] : memref<32x125x80xi32, #tpu.memory_space<hbm>> -> memref<1x1x80xi32, #tpu.memory_space<hbm>>
        %dma_wait3A_262 = tpu.memref_squeeze %dma_wait3A_261 : memref<1x1x80xi32, #tpu.memory_space<hbm>> -> memref<80xi32, #tpu.memory_space<hbm>>
        %dma_wait3A_263 = arith.constant 0 : i32
        %dma_wait3A_264 = tpu.memref_slice %arg10[%dma_wait3A_256, %dma_wait3A_263] : memref<5x80xi32, #tpu.memory_space<vmem>> -> memref<1x80xi32, #tpu.memory_space<vmem>>
        %dma_wait3A_265 = tpu.memref_squeeze %dma_wait3A_264 : memref<1x80xi32, #tpu.memory_space<vmem>> -> memref<80xi32, #tpu.memory_space<vmem>>
        %dma_wait3A_266 = arith.constant 0 : i32
        %dma_wait3A_267 = tpu.memref_slice %arg4[%add3A, %add3A_163, %dma_wait3A_266] : memref<32x125x80xi32, #tpu.memory_space<hbm>> -> memref<1x1x80xi32, #tpu.memory_space<hbm>>
        %dma_wait3A_268 = tpu.memref_squeeze %dma_wait3A_267 : memref<1x1x80xi32, #tpu.memory_space<hbm>> -> memref<80xi32, #tpu.memory_space<hbm>>
        tpu.wait_dma2 semaphore(%arg24 : memref<!tpu.dma_semaphore, #tpu.memory_space<semaphore_mem>>) src(%dma_wait3A_268 : memref<80xi32, #tpu.memory_space<hbm>>) dst(%dma_wait3A_265 : memref<80xi32, #tpu.memory_space<vmem>>)
        %dma_start3A_269 = arith.constant 3 : i32
        %dma_start3A_270 = arith.constant 3 : i32
        %dma_start3A_271 = arith.constant 0 : i32
        %dma_start3A_272 = arith.constant 0 : i32
        %dma_start3A_273 = tpu.memref_slice %arg7[%dma_start3A_269, %dma_start3A_271, %dma_start3A_272] : memref<5x80x16xf32, #tpu.memory_space<vmem>> -> memref<1x80x16xf32, #tpu.memory_space<vmem>>
        %dma_start3A_274 = tpu.memref_squeeze %dma_start3A_273 : memref<1x80x16xf32, #tpu.memory_space<vmem>> -> memref<80x16xf32, #tpu.memory_space<vmem>>
        %dma_start3A_275 = arith.constant 0 : i32
        %dma_start3A_276 = tpu.memref_slice %arg10[%dma_start3A_270, %dma_start3A_275] : memref<5x80xi32, #tpu.memory_space<vmem>> -> memref<1x80xi32, #tpu.memory_space<vmem>>
        %dma_start3A_277 = tpu.memref_squeeze %dma_start3A_276 : memref<1x80xi32, #tpu.memory_space<vmem>> -> memref<80xi32, #tpu.memory_space<vmem>>
        %dma_start3A_278 = arith.constant 0 : i32
        %dma_start3A_279 = arith.constant 0 : i32
        %dma_start3A_280 = tpu.memref_slice %arg6[%dma_start3A_278, %dma_start3A_279] : memref<10000x16xf32, #tpu.memory_space<vmem_shared>> -> memref<10000x16xf32, #tpu.memory_space<vmem_shared>>
        tpu.enqueue_indirect_dma source(%dma_start3A_274 : memref<80x16xf32, #tpu.memory_space<vmem>>) target(%dma_start3A_280 : memref<10000x16xf32, #tpu.memory_space<vmem_shared>>) offsets(%dma_start3A_277 : memref<80xi32, #tpu.memory_space<vmem>>) semaphore(%arg19 : memref<!tpu.dma_semaphore, #tpu.memory_space<semaphore_mem>>) {add = true}
      } else {
      }
      %add3A_169 = arith.constant 4 : i32
      %add3A_170 = arith.addi %mul3A_143, %add3A_169 : i32
      %lt3A_171 = arith.constant 125 : i32
      %lt3A_172 = arith.cmpi slt, %add3A_170, %lt3A_171 : i32
      %convert_element_type3A_173 = arith.extui %lt3A_172 : i1 to i32
      %cond3A_174 = arith.constant 0 : i32
      %cond3A_175 = arith.cmpi ne, %convert_element_type3A_173, %cond3A_174 : i32
      scf.if %cond3A_175 {
        %mul3A_246 = arith.constant 80 : i32
        %mul3A_247 = arith.muli %add3A_170, %mul3A_246 : i32
        %dma_wait3A = arith.constant 4 : i32
        %dma_wait3A_248 = arith.constant 0 : i32
        %dma_wait3A_249 = arith.constant 0 : i32
        %dma_wait3A_250 = tpu.memref_slice %arg7[%dma_wait3A, %dma_wait3A_248, %dma_wait3A_249] : memref<5x80x16xf32, #tpu.memory_space<vmem>> -> memref<1x80x16xf32, #tpu.memory_space<vmem>>
        %dma_wait3A_251 = tpu.memref_squeeze %dma_wait3A_250 : memref<1x80x16xf32, #tpu.memory_space<vmem>> -> memref<80x16xf32, #tpu.memory_space<vmem>>
        %dma_wait3A_252 = tpu.memref_slice %arg9[%mul3A_247] : memref<10000xi32, #tpu.memory_space<vmem>> -> memref<80xi32, #tpu.memory_space<vmem>>
        %dma_wait3A_253 = arith.constant 0 : i32
        %dma_wait3A_254 = arith.constant 0 : i32
        %dma_wait3A_255 = tpu.memref_slice %arg2[%dma_wait3A_253, %dma_wait3A_254] : memref<10000x16xf32, #tpu.memory_space<hbm>> -> memref<10000x16xf32, #tpu.memory_space<hbm>>
        tpu.wait_indirect_dma semaphore(%arg15 : memref<!tpu.dma_semaphore, #tpu.memory_space<semaphore_mem>>) src(%dma_wait3A_255 : memref<10000x16xf32, #tpu.memory_space<hbm>>) dst(%dma_wait3A_251 : memref<80x16xf32, #tpu.memory_space<vmem>>)
        %dma_wait3A_256 = arith.constant 4 : i32
        %dma_wait3A_257 = arith.constant 0 : i32
        %dma_wait3A_258 = tpu.memref_slice %arg10[%dma_wait3A_256, %dma_wait3A_257] : memref<5x80xi32, #tpu.memory_space<vmem>> -> memref<1x80xi32, #tpu.memory_space<vmem>>
        %dma_wait3A_259 = tpu.memref_squeeze %dma_wait3A_258 : memref<1x80xi32, #tpu.memory_space<vmem>> -> memref<80xi32, #tpu.memory_space<vmem>>
        %dma_wait3A_260 = arith.constant 0 : i32
        %dma_wait3A_261 = tpu.memref_slice %arg4[%add3A, %add3A_170, %dma_wait3A_260] : memref<32x125x80xi32, #tpu.memory_space<hbm>> -> memref<1x1x80xi32, #tpu.memory_space<hbm>>
        %dma_wait3A_262 = tpu.memref_squeeze %dma_wait3A_261 : memref<1x1x80xi32, #tpu.memory_space<hbm>> -> memref<80xi32, #tpu.memory_space<hbm>>
        %dma_wait3A_263 = arith.constant 0 : i32
        %dma_wait3A_264 = tpu.memref_slice %arg10[%dma_wait3A_256, %dma_wait3A_263] : memref<5x80xi32, #tpu.memory_space<vmem>> -> memref<1x80xi32, #tpu.memory_space<vmem>>
        %dma_wait3A_265 = tpu.memref_squeeze %dma_wait3A_264 : memref<1x80xi32, #tpu.memory_space<vmem>> -> memref<80xi32, #tpu.memory_space<vmem>>
        %dma_wait3A_266 = arith.constant 0 : i32
        %dma_wait3A_267 = tpu.memref_slice %arg4[%add3A, %add3A_170, %dma_wait3A_266] : memref<32x125x80xi32, #tpu.memory_space<hbm>> -> memref<1x1x80xi32, #tpu.memory_space<hbm>>
        %dma_wait3A_268 = tpu.memref_squeeze %dma_wait3A_267 : memref<1x1x80xi32, #tpu.memory_space<hbm>> -> memref<80xi32, #tpu.memory_space<hbm>>
        tpu.wait_dma2 semaphore(%arg25 : memref<!tpu.dma_semaphore, #tpu.memory_space<semaphore_mem>>) src(%dma_wait3A_268 : memref<80xi32, #tpu.memory_space<hbm>>) dst(%dma_wait3A_265 : memref<80xi32, #tpu.memory_space<vmem>>)
        %dma_start3A_269 = arith.constant 4 : i32
        %dma_start3A_270 = arith.constant 4 : i32
        %dma_start3A_271 = arith.constant 0 : i32
        %dma_start3A_272 = arith.constant 0 : i32
        %dma_start3A_273 = tpu.memref_slice %arg7[%dma_start3A_269, %dma_start3A_271, %dma_start3A_272] : memref<5x80x16xf32, #tpu.memory_space<vmem>> -> memref<1x80x16xf32, #tpu.memory_space<vmem>>
        %dma_start3A_274 = tpu.memref_squeeze %dma_start3A_273 : memref<1x80x16xf32, #tpu.memory_space<vmem>> -> memref<80x16xf32, #tpu.memory_space<vmem>>
        %dma_start3A_275 = arith.constant 0 : i32
        %dma_start3A_276 = tpu.memref_slice %arg10[%dma_start3A_270, %dma_start3A_275] : memref<5x80xi32, #tpu.memory_space<vmem>> -> memref<1x80xi32, #tpu.memory_space<vmem>>
        %dma_start3A_277 = tpu.memref_squeeze %dma_start3A_276 : memref<1x80xi32, #tpu.memory_space<vmem>> -> memref<80xi32, #tpu.memory_space<vmem>>
        %dma_start3A_278 = arith.constant 0 : i32
        %dma_start3A_279 = arith.constant 0 : i32
        %dma_start3A_280 = tpu.memref_slice %arg6[%dma_start3A_278, %dma_start3A_279] : memref<10000x16xf32, #tpu.memory_space<vmem_shared>> -> memref<10000x16xf32, #tpu.memory_space<vmem_shared>>
        tpu.enqueue_indirect_dma source(%dma_start3A_274 : memref<80x16xf32, #tpu.memory_space<vmem>>) target(%dma_start3A_280 : memref<10000x16xf32, #tpu.memory_space<vmem_shared>>) offsets(%dma_start3A_277 : memref<80xi32, #tpu.memory_space<vmem>>) semaphore(%arg20 : memref<!tpu.dma_semaphore, #tpu.memory_space<semaphore_mem>>) {add = true}
      } else {
      }
      %add3A_176 = arith.constant 0 : i32
      %add3A_177 = arith.addi %mul3A_143, %add3A_176 : i32
      %add3A_178 = arith.constant 5 : i32
      %add3A_179 = arith.addi %add3A_177, %add3A_178 : i32
      %lt3A_180 = arith.constant 125 : i32
      %lt3A_181 = arith.cmpi slt, %add3A_177, %lt3A_180 : i32
      %convert_element_type3A_182 = arith.extui %lt3A_181 : i1 to i32
      %cond3A_183 = arith.constant 0 : i32
      %cond3A_184 = arith.cmpi ne, %convert_element_type3A_182, %cond3A_183 : i32
      scf.if %cond3A_184 {
        %dma_wait3A = arith.constant 0 : i32
        %dma_wait3A_246 = arith.constant 0 : i32
        %dma_wait3A_247 = arith.constant 0 : i32
        %dma_wait3A_248 = arith.constant 0 : i32
        %dma_wait3A_249 = tpu.memref_slice %arg7[%dma_wait3A, %dma_wait3A_247, %dma_wait3A_248] : memref<5x80x16xf32, #tpu.memory_space<vmem>> -> memref<1x80x16xf32, #tpu.memory_space<vmem>>
        %dma_wait3A_250 = tpu.memref_squeeze %dma_wait3A_249 : memref<1x80x16xf32, #tpu.memory_space<vmem>> -> memref<80x16xf32, #tpu.memory_space<vmem>>
        %dma_wait3A_251 = arith.constant 0 : i32
        %dma_wait3A_252 = tpu.memref_slice %arg10[%dma_wait3A_246, %dma_wait3A_251] : memref<5x80xi32, #tpu.memory_space<vmem>> -> memref<1x80xi32, #tpu.memory_space<vmem>>
        %dma_wait3A_253 = tpu.memref_squeeze %dma_wait3A_252 : memref<1x80xi32, #tpu.memory_space<vmem>> -> memref<80xi32, #tpu.memory_space<vmem>>
        %dma_wait3A_254 = arith.constant 0 : i32
        %dma_wait3A_255 = arith.constant 0 : i32
        %dma_wait3A_256 = tpu.memref_slice %arg6[%dma_wait3A_254, %dma_wait3A_255] : memref<10000x16xf32, #tpu.memory_space<vmem_shared>> -> memref<10000x16xf32, #tpu.memory_space<vmem_shared>>
        tpu.wait_indirect_dma semaphore(%arg16 : memref<!tpu.dma_semaphore, #tpu.memory_space<semaphore_mem>>) src(%dma_wait3A_250 : memref<80x16xf32, #tpu.memory_space<vmem>>) dst(%dma_wait3A_256 : memref<10000x16xf32, #tpu.memory_space<vmem_shared>>)
      } else {
      }
      %lt3A_185 = arith.constant 125 : i32
      %lt3A_186 = arith.cmpi slt, %add3A_179, %lt3A_185 : i32
      %convert_element_type3A_187 = arith.extui %lt3A_186 : i1 to i32
      %cond3A_188 = arith.constant 0 : i32
      %cond3A_189 = arith.cmpi ne, %convert_element_type3A_187, %cond3A_188 : i32
      scf.if %cond3A_189 {
        %mul3A_246 = arith.constant 80 : i32
        %mul3A_247 = arith.muli %add3A_179, %mul3A_246 : i32
        %dma_start3A_248 = arith.constant 0 : i32
        %dma_start3A_249 = arith.constant 0 : i32
        %dma_start3A_250 = arith.constant 0 : i32
        %dma_start3A_251 = tpu.memref_slice %arg7[%dma_start3A_248, %dma_start3A_249, %dma_start3A_250] : memref<5x80x16xf32, #tpu.memory_space<vmem>> -> memref<1x80x16xf32, #tpu.memory_space<vmem>>
        %dma_start3A_252 = tpu.memref_squeeze %dma_start3A_251 : memref<1x80x16xf32, #tpu.memory_space<vmem>> -> memref<80x16xf32, #tpu.memory_space<vmem>>
        %dma_start3A_253 = tpu.memref_slice %arg9[%mul3A_247] : memref<10000xi32, #tpu.memory_space<vmem>> -> memref<80xi32, #tpu.memory_space<vmem>>
        %dma_start3A_254 = arith.constant 0 : i32
        %dma_start3A_255 = arith.constant 0 : i32
        %dma_start3A_256 = tpu.memref_slice %arg2[%dma_start3A_254, %dma_start3A_255] : memref<10000x16xf32, #tpu.memory_space<hbm>> -> memref<10000x16xf32, #tpu.memory_space<hbm>>
        tpu.enqueue_indirect_dma source(%dma_start3A_256 : memref<10000x16xf32, #tpu.memory_space<hbm>>) target(%dma_start3A_252 : memref<80x16xf32, #tpu.memory_space<vmem>>) offsets(%dma_start3A_253 : memref<80xi32, #tpu.memory_space<vmem>>) semaphore(%arg11 : memref<!tpu.dma_semaphore, #tpu.memory_space<semaphore_mem>>)
        %dma_start3A_257 = arith.constant 0 : i32
        %dma_start3A_258 = arith.constant 0 : i32
        %dma_start3A_259 = tpu.memref_slice %arg10[%dma_start3A_257, %dma_start3A_258] : memref<5x80xi32, #tpu.memory_space<vmem>> -> memref<1x80xi32, #tpu.memory_space<vmem>>
        %dma_start3A_260 = tpu.memref_squeeze %dma_start3A_259 : memref<1x80xi32, #tpu.memory_space<vmem>> -> memref<80xi32, #tpu.memory_space<vmem>>
        %dma_start3A_261 = arith.constant 0 : i32
        %dma_start3A_262 = tpu.memref_slice %arg4[%add3A, %add3A_179, %dma_start3A_261] : memref<32x125x80xi32, #tpu.memory_space<hbm>> -> memref<1x1x80xi32, #tpu.memory_space<hbm>>
        %dma_start3A_263 = tpu.memref_squeeze %dma_start3A_262 : memref<1x1x80xi32, #tpu.memory_space<hbm>> -> memref<80xi32, #tpu.memory_space<hbm>>
        %dma_start3A_264 = arith.constant 0 : i32
        %dma_start3A_265 = tpu.memref_slice %arg10[%dma_start3A_257, %dma_start3A_264] : memref<5x80xi32, #tpu.memory_space<vmem>> -> memref<1x80xi32, #tpu.memory_space<vmem>>
        %dma_start3A_266 = tpu.memref_squeeze %dma_start3A_265 : memref<1x80xi32, #tpu.memory_space<vmem>> -> memref<80xi32, #tpu.memory_space<vmem>>
        %dma_start3A_267 = arith.constant 0 : i32
        %dma_start3A_268 = tpu.memref_slice %arg4[%add3A, %add3A_179, %dma_start3A_267] : memref<32x125x80xi32, #tpu.memory_space<hbm>> -> memref<1x1x80xi32, #tpu.memory_space<hbm>>
        %dma_start3A_269 = tpu.memref_squeeze %dma_start3A_268 : memref<1x1x80xi32, #tpu.memory_space<hbm>> -> memref<80xi32, #tpu.memory_space<hbm>>
        tpu.enqueue_dma source(%dma_start3A_269 : memref<80xi32, #tpu.memory_space<hbm>>) target(%dma_start3A_266 : memref<80xi32, #tpu.memory_space<vmem>>) target_semaphore(%arg21 : memref<!tpu.dma_semaphore, #tpu.memory_space<semaphore_mem>>)
      } else {
      }
      %add3A_190 = arith.constant 1 : i32
      %add3A_191 = arith.addi %mul3A_143, %add3A_190 : i32
      %add3A_192 = arith.constant 5 : i32
      %add3A_193 = arith.addi %add3A_191, %add3A_192 : i32
      %lt3A_194 = arith.constant 125 : i32
      %lt3A_195 = arith.cmpi slt, %add3A_191, %lt3A_194 : i32
      %convert_element_type3A_196 = arith.extui %lt3A_195 : i1 to i32
      %cond3A_197 = arith.constant 0 : i32
      %cond3A_198 = arith.cmpi ne, %convert_element_type3A_196, %cond3A_197 : i32
      scf.if %cond3A_198 {
        %dma_wait3A = arith.constant 1 : i32
        %dma_wait3A_246 = arith.constant 1 : i32
        %dma_wait3A_247 = arith.constant 0 : i32
        %dma_wait3A_248 = arith.constant 0 : i32
        %dma_wait3A_249 = tpu.memref_slice %arg7[%dma_wait3A, %dma_wait3A_247, %dma_wait3A_248] : memref<5x80x16xf32, #tpu.memory_space<vmem>> -> memref<1x80x16xf32, #tpu.memory_space<vmem>>
        %dma_wait3A_250 = tpu.memref_squeeze %dma_wait3A_249 : memref<1x80x16xf32, #tpu.memory_space<vmem>> -> memref<80x16xf32, #tpu.memory_space<vmem>>
        %dma_wait3A_251 = arith.constant 0 : i32
        %dma_wait3A_252 = tpu.memref_slice %arg10[%dma_wait3A_246, %dma_wait3A_251] : memref<5x80xi32, #tpu.memory_space<vmem>> -> memref<1x80xi32, #tpu.memory_space<vmem>>
        %dma_wait3A_253 = tpu.memref_squeeze %dma_wait3A_252 : memref<1x80xi32, #tpu.memory_space<vmem>> -> memref<80xi32, #tpu.memory_space<vmem>>
        %dma_wait3A_254 = arith.constant 0 : i32
        %dma_wait3A_255 = arith.constant 0 : i32
        %dma_wait3A_256 = tpu.memref_slice %arg6[%dma_wait3A_254, %dma_wait3A_255] : memref<10000x16xf32, #tpu.memory_space<vmem_shared>> -> memref<10000x16xf32, #tpu.memory_space<vmem_shared>>
        tpu.wait_indirect_dma semaphore(%arg17 : memref<!tpu.dma_semaphore, #tpu.memory_space<semaphore_mem>>) src(%dma_wait3A_250 : memref<80x16xf32, #tpu.memory_space<vmem>>) dst(%dma_wait3A_256 : memref<10000x16xf32, #tpu.memory_space<vmem_shared>>)
      } else {
      }
      %lt3A_199 = arith.constant 125 : i32
      %lt3A_200 = arith.cmpi slt, %add3A_193, %lt3A_199 : i32
      %convert_element_type3A_201 = arith.extui %lt3A_200 : i1 to i32
      %cond3A_202 = arith.constant 0 : i32
      %cond3A_203 = arith.cmpi ne, %convert_element_type3A_201, %cond3A_202 : i32
      scf.if %cond3A_203 {
        %mul3A_246 = arith.constant 80 : i32
        %mul3A_247 = arith.muli %add3A_193, %mul3A_246 : i32
        %dma_start3A_248 = arith.constant 1 : i32
        %dma_start3A_249 = arith.constant 0 : i32
        %dma_start3A_250 = arith.constant 0 : i32
        %dma_start3A_251 = tpu.memref_slice %arg7[%dma_start3A_248, %dma_start3A_249, %dma_start3A_250] : memref<5x80x16xf32, #tpu.memory_space<vmem>> -> memref<1x80x16xf32, #tpu.memory_space<vmem>>
        %dma_start3A_252 = tpu.memref_squeeze %dma_start3A_251 : memref<1x80x16xf32, #tpu.memory_space<vmem>> -> memref<80x16xf32, #tpu.memory_space<vmem>>
        %dma_start3A_253 = tpu.memref_slice %arg9[%mul3A_247] : memref<10000xi32, #tpu.memory_space<vmem>> -> memref<80xi32, #tpu.memory_space<vmem>>
        %dma_start3A_254 = arith.constant 0 : i32
        %dma_start3A_255 = arith.constant 0 : i32
        %dma_start3A_256 = tpu.memref_slice %arg2[%dma_start3A_254, %dma_start3A_255] : memref<10000x16xf32, #tpu.memory_space<hbm>> -> memref<10000x16xf32, #tpu.memory_space<hbm>>
        tpu.enqueue_indirect_dma source(%dma_start3A_256 : memref<10000x16xf32, #tpu.memory_space<hbm>>) target(%dma_start3A_252 : memref<80x16xf32, #tpu.memory_space<vmem>>) offsets(%dma_start3A_253 : memref<80xi32, #tpu.memory_space<vmem>>) semaphore(%arg12 : memref<!tpu.dma_semaphore, #tpu.memory_space<semaphore_mem>>)
        %dma_start3A_257 = arith.constant 1 : i32
        %dma_start3A_258 = arith.constant 0 : i32
        %dma_start3A_259 = tpu.memref_slice %arg10[%dma_start3A_257, %dma_start3A_258] : memref<5x80xi32, #tpu.memory_space<vmem>> -> memref<1x80xi32, #tpu.memory_space<vmem>>
        %dma_start3A_260 = tpu.memref_squeeze %dma_start3A_259 : memref<1x80xi32, #tpu.memory_space<vmem>> -> memref<80xi32, #tpu.memory_space<vmem>>
        %dma_start3A_261 = arith.constant 0 : i32
        %dma_start3A_262 = tpu.memref_slice %arg4[%add3A, %add3A_193, %dma_start3A_261] : memref<32x125x80xi32, #tpu.memory_space<hbm>> -> memref<1x1x80xi32, #tpu.memory_space<hbm>>
        %dma_start3A_263 = tpu.memref_squeeze %dma_start3A_262 : memref<1x1x80xi32, #tpu.memory_space<hbm>> -> memref<80xi32, #tpu.memory_space<hbm>>
        %dma_start3A_264 = arith.constant 0 : i32
        %dma_start3A_265 = tpu.memref_slice %arg10[%dma_start3A_257, %dma_start3A_264] : memref<5x80xi32, #tpu.memory_space<vmem>> -> memref<1x80xi32, #tpu.memory_space<vmem>>
        %dma_start3A_266 = tpu.memref_squeeze %dma_start3A_265 : memref<1x80xi32, #tpu.memory_space<vmem>> -> memref<80xi32, #tpu.memory_space<vmem>>
        %dma_start3A_267 = arith.constant 0 : i32
        %dma_start3A_268 = tpu.memref_slice %arg4[%add3A, %add3A_193, %dma_start3A_267] : memref<32x125x80xi32, #tpu.memory_space<hbm>> -> memref<1x1x80xi32, #tpu.memory_space<hbm>>
        %dma_start3A_269 = tpu.memref_squeeze %dma_start3A_268 : memref<1x1x80xi32, #tpu.memory_space<hbm>> -> memref<80xi32, #tpu.memory_space<hbm>>
        tpu.enqueue_dma source(%dma_start3A_269 : memref<80xi32, #tpu.memory_space<hbm>>) target(%dma_start3A_266 : memref<80xi32, #tpu.memory_space<vmem>>) target_semaphore(%arg22 : memref<!tpu.dma_semaphore, #tpu.memory_space<semaphore_mem>>)
      } else {
      }
      %add3A_204 = arith.constant 2 : i32
      %add3A_205 = arith.addi %mul3A_143, %add3A_204 : i32
      %add3A_206 = arith.constant 5 : i32
      %add3A_207 = arith.addi %add3A_205, %add3A_206 : i32
      %lt3A_208 = arith.constant 125 : i32
      %lt3A_209 = arith.cmpi slt, %add3A_205, %lt3A_208 : i32
      %convert_element_type3A_210 = arith.extui %lt3A_209 : i1 to i32
      %cond3A_211 = arith.constant 0 : i32
      %cond3A_212 = arith.cmpi ne, %convert_element_type3A_210, %cond3A_211 : i32
      scf.if %cond3A_212 {
        %dma_wait3A = arith.constant 2 : i32
        %dma_wait3A_246 = arith.constant 2 : i32
        %dma_wait3A_247 = arith.constant 0 : i32
        %dma_wait3A_248 = arith.constant 0 : i32
        %dma_wait3A_249 = tpu.memref_slice %arg7[%dma_wait3A, %dma_wait3A_247, %dma_wait3A_248] : memref<5x80x16xf32, #tpu.memory_space<vmem>> -> memref<1x80x16xf32, #tpu.memory_space<vmem>>
        %dma_wait3A_250 = tpu.memref_squeeze %dma_wait3A_249 : memref<1x80x16xf32, #tpu.memory_space<vmem>> -> memref<80x16xf32, #tpu.memory_space<vmem>>
        %dma_wait3A_251 = arith.constant 0 : i32
        %dma_wait3A_252 = tpu.memref_slice %arg10[%dma_wait3A_246, %dma_wait3A_251] : memref<5x80xi32, #tpu.memory_space<vmem>> -> memref<1x80xi32, #tpu.memory_space<vmem>>
        %dma_wait3A_253 = tpu.memref_squeeze %dma_wait3A_252 : memref<1x80xi32, #tpu.memory_space<vmem>> -> memref<80xi32, #tpu.memory_space<vmem>>
        %dma_wait3A_254 = arith.constant 0 : i32
        %dma_wait3A_255 = arith.constant 0 : i32
        %dma_wait3A_256 = tpu.memref_slice %arg6[%dma_wait3A_254, %dma_wait3A_255] : memref<10000x16xf32, #tpu.memory_space<vmem_shared>> -> memref<10000x16xf32, #tpu.memory_space<vmem_shared>>
        tpu.wait_indirect_dma semaphore(%arg18 : memref<!tpu.dma_semaphore, #tpu.memory_space<semaphore_mem>>) src(%dma_wait3A_250 : memref<80x16xf32, #tpu.memory_space<vmem>>) dst(%dma_wait3A_256 : memref<10000x16xf32, #tpu.memory_space<vmem_shared>>)
      } else {
      }
      %lt3A_213 = arith.constant 125 : i32
      %lt3A_214 = arith.cmpi slt, %add3A_207, %lt3A_213 : i32
      %convert_element_type3A_215 = arith.extui %lt3A_214 : i1 to i32
      %cond3A_216 = arith.constant 0 : i32
      %cond3A_217 = arith.cmpi ne, %convert_element_type3A_215, %cond3A_216 : i32
      scf.if %cond3A_217 {
        %mul3A_246 = arith.constant 80 : i32
        %mul3A_247 = arith.muli %add3A_207, %mul3A_246 : i32
        %dma_start3A_248 = arith.constant 2 : i32
        %dma_start3A_249 = arith.constant 0 : i32
        %dma_start3A_250 = arith.constant 0 : i32
        %dma_start3A_251 = tpu.memref_slice %arg7[%dma_start3A_248, %dma_start3A_249, %dma_start3A_250] : memref<5x80x16xf32, #tpu.memory_space<vmem>> -> memref<1x80x16xf32, #tpu.memory_space<vmem>>
        %dma_start3A_252 = tpu.memref_squeeze %dma_start3A_251 : memref<1x80x16xf32, #tpu.memory_space<vmem>> -> memref<80x16xf32, #tpu.memory_space<vmem>>
        %dma_start3A_253 = tpu.memref_slice %arg9[%mul3A_247] : memref<10000xi32, #tpu.memory_space<vmem>> -> memref<80xi32, #tpu.memory_space<vmem>>
        %dma_start3A_254 = arith.constant 0 : i32
        %dma_start3A_255 = arith.constant 0 : i32
        %dma_start3A_256 = tpu.memref_slice %arg2[%dma_start3A_254, %dma_start3A_255] : memref<10000x16xf32, #tpu.memory_space<hbm>> -> memref<10000x16xf32, #tpu.memory_space<hbm>>
        tpu.enqueue_indirect_dma source(%dma_start3A_256 : memref<10000x16xf32, #tpu.memory_space<hbm>>) target(%dma_start3A_252 : memref<80x16xf32, #tpu.memory_space<vmem>>) offsets(%dma_start3A_253 : memref<80xi32, #tpu.memory_space<vmem>>) semaphore(%arg13 : memref<!tpu.dma_semaphore, #tpu.memory_space<semaphore_mem>>)
        %dma_start3A_257 = arith.constant 2 : i32
        %dma_start3A_258 = arith.constant 0 : i32
        %dma_start3A_259 = tpu.memref_slice %arg10[%dma_start3A_257, %dma_start3A_258] : memref<5x80xi32, #tpu.memory_space<vmem>> -> memref<1x80xi32, #tpu.memory_space<vmem>>
        %dma_start3A_260 = tpu.memref_squeeze %dma_start3A_259 : memref<1x80xi32, #tpu.memory_space<vmem>> -> memref<80xi32, #tpu.memory_space<vmem>>
        %dma_start3A_261 = arith.constant 0 : i32
        %dma_start3A_262 = tpu.memref_slice %arg4[%add3A, %add3A_207, %dma_start3A_261] : memref<32x125x80xi32, #tpu.memory_space<hbm>> -> memref<1x1x80xi32, #tpu.memory_space<hbm>>
        %dma_start3A_263 = tpu.memref_squeeze %dma_start3A_262 : memref<1x1x80xi32, #tpu.memory_space<hbm>> -> memref<80xi32, #tpu.memory_space<hbm>>
        %dma_start3A_264 = arith.constant 0 : i32
        %dma_start3A_265 = tpu.memref_slice %arg10[%dma_start3A_257, %dma_start3A_264] : memref<5x80xi32, #tpu.memory_space<vmem>> -> memref<1x80xi32, #tpu.memory_space<vmem>>
        %dma_start3A_266 = tpu.memref_squeeze %dma_start3A_265 : memref<1x80xi32, #tpu.memory_space<vmem>> -> memref<80xi32, #tpu.memory_space<vmem>>
        %dma_start3A_267 = arith.constant 0 : i32
        %dma_start3A_268 = tpu.memref_slice %arg4[%add3A, %add3A_207, %dma_start3A_267] : memref<32x125x80xi32, #tpu.memory_space<hbm>> -> memref<1x1x80xi32, #tpu.memory_space<hbm>>
        %dma_start3A_269 = tpu.memref_squeeze %dma_start3A_268 : memref<1x1x80xi32, #tpu.memory_space<hbm>> -> memref<80xi32, #tpu.memory_space<hbm>>
        tpu.enqueue_dma source(%dma_start3A_269 : memref<80xi32, #tpu.memory_space<hbm>>) target(%dma_start3A_266 : memref<80xi32, #tpu.memory_space<vmem>>) target_semaphore(%arg23 : memref<!tpu.dma_semaphore, #tpu.memory_space<semaphore_mem>>)
      } else {
      }
      %add3A_218 = arith.constant 3 : i32
      %add3A_219 = arith.addi %mul3A_143, %add3A_218 : i32
      %add3A_220 = arith.constant 5 : i32
      %add3A_221 = arith.addi %add3A_219, %add3A_220 : i32
      %lt3A_222 = arith.constant 125 : i32
      %lt3A_223 = arith.cmpi slt, %add3A_219, %lt3A_222 : i32
      %convert_element_type3A_224 = arith.extui %lt3A_223 : i1 to i32
      %cond3A_225 = arith.constant 0 : i32
      %cond3A_226 = arith.cmpi ne, %convert_element_type3A_224, %cond3A_225 : i32
      scf.if %cond3A_226 {
        %dma_wait3A = arith.constant 3 : i32
        %dma_wait3A_246 = arith.constant 3 : i32
        %dma_wait3A_247 = arith.constant 0 : i32
        %dma_wait3A_248 = arith.constant 0 : i32
        %dma_wait3A_249 = tpu.memref_slice %arg7[%dma_wait3A, %dma_wait3A_247, %dma_wait3A_248] : memref<5x80x16xf32, #tpu.memory_space<vmem>> -> memref<1x80x16xf32, #tpu.memory_space<vmem>>
        %dma_wait3A_250 = tpu.memref_squeeze %dma_wait3A_249 : memref<1x80x16xf32, #tpu.memory_space<vmem>> -> memref<80x16xf32, #tpu.memory_space<vmem>>
        %dma_wait3A_251 = arith.constant 0 : i32
        %dma_wait3A_252 = tpu.memref_slice %arg10[%dma_wait3A_246, %dma_wait3A_251] : memref<5x80xi32, #tpu.memory_space<vmem>> -> memref<1x80xi32, #tpu.memory_space<vmem>>
        %dma_wait3A_253 = tpu.memref_squeeze %dma_wait3A_252 : memref<1x80xi32, #tpu.memory_space<vmem>> -> memref<80xi32, #tpu.memory_space<vmem>>
        %dma_wait3A_254 = arith.constant 0 : i32
        %dma_wait3A_255 = arith.constant 0 : i32
        %dma_wait3A_256 = tpu.memref_slice %arg6[%dma_wait3A_254, %dma_wait3A_255] : memref<10000x16xf32, #tpu.memory_space<vmem_shared>> -> memref<10000x16xf32, #tpu.memory_space<vmem_shared>>
        tpu.wait_indirect_dma semaphore(%arg19 : memref<!tpu.dma_semaphore, #tpu.memory_space<semaphore_mem>>) src(%dma_wait3A_250 : memref<80x16xf32, #tpu.memory_space<vmem>>) dst(%dma_wait3A_256 : memref<10000x16xf32, #tpu.memory_space<vmem_shared>>)
      } else {
      }
      %lt3A_227 = arith.constant 125 : i32
      %lt3A_228 = arith.cmpi slt, %add3A_221, %lt3A_227 : i32
      %convert_element_type3A_229 = arith.extui %lt3A_228 : i1 to i32
      %cond3A_230 = arith.constant 0 : i32
      %cond3A_231 = arith.cmpi ne, %convert_element_type3A_229, %cond3A_230 : i32
      scf.if %cond3A_231 {
        %mul3A_246 = arith.constant 80 : i32
        %mul3A_247 = arith.muli %add3A_221, %mul3A_246 : i32
        %dma_start3A_248 = arith.constant 3 : i32
        %dma_start3A_249 = arith.constant 0 : i32
        %dma_start3A_250 = arith.constant 0 : i32
        %dma_start3A_251 = tpu.memref_slice %arg7[%dma_start3A_248, %dma_start3A_249, %dma_start3A_250] : memref<5x80x16xf32, #tpu.memory_space<vmem>> -> memref<1x80x16xf32, #tpu.memory_space<vmem>>
        %dma_start3A_252 = tpu.memref_squeeze %dma_start3A_251 : memref<1x80x16xf32, #tpu.memory_space<vmem>> -> memref<80x16xf32, #tpu.memory_space<vmem>>
        %dma_start3A_253 = tpu.memref_slice %arg9[%mul3A_247] : memref<10000xi32, #tpu.memory_space<vmem>> -> memref<80xi32, #tpu.memory_space<vmem>>
        %dma_start3A_254 = arith.constant 0 : i32
        %dma_start3A_255 = arith.constant 0 : i32
        %dma_start3A_256 = tpu.memref_slice %arg2[%dma_start3A_254, %dma_start3A_255] : memref<10000x16xf32, #tpu.memory_space<hbm>> -> memref<10000x16xf32, #tpu.memory_space<hbm>>
        tpu.enqueue_indirect_dma source(%dma_start3A_256 : memref<10000x16xf32, #tpu.memory_space<hbm>>) target(%dma_start3A_252 : memref<80x16xf32, #tpu.memory_space<vmem>>) offsets(%dma_start3A_253 : memref<80xi32, #tpu.memory_space<vmem>>) semaphore(%arg14 : memref<!tpu.dma_semaphore, #tpu.memory_space<semaphore_mem>>)
        %dma_start3A_257 = arith.constant 3 : i32
        %dma_start3A_258 = arith.constant 0 : i32
        %dma_start3A_259 = tpu.memref_slice %arg10[%dma_start3A_257, %dma_start3A_258] : memref<5x80xi32, #tpu.memory_space<vmem>> -> memref<1x80xi32, #tpu.memory_space<vmem>>
        %dma_start3A_260 = tpu.memref_squeeze %dma_start3A_259 : memref<1x80xi32, #tpu.memory_space<vmem>> -> memref<80xi32, #tpu.memory_space<vmem>>
        %dma_start3A_261 = arith.constant 0 : i32
        %dma_start3A_262 = tpu.memref_slice %arg4[%add3A, %add3A_221, %dma_start3A_261] : memref<32x125x80xi32, #tpu.memory_space<hbm>> -> memref<1x1x80xi32, #tpu.memory_space<hbm>>
        %dma_start3A_263 = tpu.memref_squeeze %dma_start3A_262 : memref<1x1x80xi32, #tpu.memory_space<hbm>> -> memref<80xi32, #tpu.memory_space<hbm>>
        %dma_start3A_264 = arith.constant 0 : i32
        %dma_start3A_265 = tpu.memref_slice %arg10[%dma_start3A_257, %dma_start3A_264] : memref<5x80xi32, #tpu.memory_space<vmem>> -> memref<1x80xi32, #tpu.memory_space<vmem>>
        %dma_start3A_266 = tpu.memref_squeeze %dma_start3A_265 : memref<1x80xi32, #tpu.memory_space<vmem>> -> memref<80xi32, #tpu.memory_space<vmem>>
        %dma_start3A_267 = arith.constant 0 : i32
        %dma_start3A_268 = tpu.memref_slice %arg4[%add3A, %add3A_221, %dma_start3A_267] : memref<32x125x80xi32, #tpu.memory_space<hbm>> -> memref<1x1x80xi32, #tpu.memory_space<hbm>>
        %dma_start3A_269 = tpu.memref_squeeze %dma_start3A_268 : memref<1x1x80xi32, #tpu.memory_space<hbm>> -> memref<80xi32, #tpu.memory_space<hbm>>
        tpu.enqueue_dma source(%dma_start3A_269 : memref<80xi32, #tpu.memory_space<hbm>>) target(%dma_start3A_266 : memref<80xi32, #tpu.memory_space<vmem>>) target_semaphore(%arg24 : memref<!tpu.dma_semaphore, #tpu.memory_space<semaphore_mem>>)
      } else {
      }
      %add3A_232 = arith.constant 4 : i32
      %add3A_233 = arith.addi %mul3A_143, %add3A_232 : i32
      %add3A_234 = arith.constant 5 : i32
      %add3A_235 = arith.addi %add3A_233, %add3A_234 : i32
      %lt3A_236 = arith.constant 125 : i32
      %lt3A_237 = arith.cmpi slt, %add3A_233, %lt3A_236 : i32
      %convert_element_type3A_238 = arith.extui %lt3A_237 : i1 to i32
      %cond3A_239 = arith.constant 0 : i32
      %cond3A_240 = arith.cmpi ne, %convert_element_type3A_238, %cond3A_239 : i32
      scf.if %cond3A_240 {
        %dma_wait3A = arith.constant 4 : i32
        %dma_wait3A_246 = arith.constant 4 : i32
        %dma_wait3A_247 = arith.constant 0 : i32
        %dma_wait3A_248 = arith.constant 0 : i32
        %dma_wait3A_249 = tpu.memref_slice %arg7[%dma_wait3A, %dma_wait3A_247, %dma_wait3A_248] : memref<5x80x16xf32, #tpu.memory_space<vmem>> -> memref<1x80x16xf32, #tpu.memory_space<vmem>>
        %dma_wait3A_250 = tpu.memref_squeeze %dma_wait3A_249 : memref<1x80x16xf32, #tpu.memory_space<vmem>> -> memref<80x16xf32, #tpu.memory_space<vmem>>
        %dma_wait3A_251 = arith.constant 0 : i32
        %dma_wait3A_252 = tpu.memref_slice %arg10[%dma_wait3A_246, %dma_wait3A_251] : memref<5x80xi32, #tpu.memory_space<vmem>> -> memref<1x80xi32, #tpu.memory_space<vmem>>
        %dma_wait3A_253 = tpu.memref_squeeze %dma_wait3A_252 : memref<1x80xi32, #tpu.memory_space<vmem>> -> memref<80xi32, #tpu.memory_space<vmem>>
        %dma_wait3A_254 = arith.constant 0 : i32
        %dma_wait3A_255 = arith.constant 0 : i32
        %dma_wait3A_256 = tpu.memref_slice %arg6[%dma_wait3A_254, %dma_wait3A_255] : memref<10000x16xf32, #tpu.memory_space<vmem_shared>> -> memref<10000x16xf32, #tpu.memory_space<vmem_shared>>
        tpu.wait_indirect_dma semaphore(%arg20 : memref<!tpu.dma_semaphore, #tpu.memory_space<semaphore_mem>>) src(%dma_wait3A_250 : memref<80x16xf32, #tpu.memory_space<vmem>>) dst(%dma_wait3A_256 : memref<10000x16xf32, #tpu.memory_space<vmem_shared>>)
      } else {
      }
      %lt3A_241 = arith.constant 125 : i32
      %lt3A_242 = arith.cmpi slt, %add3A_235, %lt3A_241 : i32
      %convert_element_type3A_243 = arith.extui %lt3A_242 : i1 to i32
      %cond3A_244 = arith.constant 0 : i32
      %cond3A_245 = arith.cmpi ne, %convert_element_type3A_243, %cond3A_244 : i32
      scf.if %cond3A_245 {
        %mul3A_246 = arith.constant 80 : i32
        %mul3A_247 = arith.muli %add3A_235, %mul3A_246 : i32
        %dma_start3A_248 = arith.constant 4 : i32
        %dma_start3A_249 = arith.constant 0 : i32
        %dma_start3A_250 = arith.constant 0 : i32
        %dma_start3A_251 = tpu.memref_slice %arg7[%dma_start3A_248, %dma_start3A_249, %dma_start3A_250] : memref<5x80x16xf32, #tpu.memory_space<vmem>> -> memref<1x80x16xf32, #tpu.memory_space<vmem>>
        %dma_start3A_252 = tpu.memref_squeeze %dma_start3A_251 : memref<1x80x16xf32, #tpu.memory_space<vmem>> -> memref<80x16xf32, #tpu.memory_space<vmem>>
        %dma_start3A_253 = tpu.memref_slice %arg9[%mul3A_247] : memref<10000xi32, #tpu.memory_space<vmem>> -> memref<80xi32, #tpu.memory_space<vmem>>
        %dma_start3A_254 = arith.constant 0 : i32
        %dma_start3A_255 = arith.constant 0 : i32
        %dma_start3A_256 = tpu.memref_slice %arg2[%dma_start3A_254, %dma_start3A_255] : memref<10000x16xf32, #tpu.memory_space<hbm>> -> memref<10000x16xf32, #tpu.memory_space<hbm>>
        tpu.enqueue_indirect_dma source(%dma_start3A_256 : memref<10000x16xf32, #tpu.memory_space<hbm>>) target(%dma_start3A_252 : memref<80x16xf32, #tpu.memory_space<vmem>>) offsets(%dma_start3A_253 : memref<80xi32, #tpu.memory_space<vmem>>) semaphore(%arg15 : memref<!tpu.dma_semaphore, #tpu.memory_space<semaphore_mem>>)
        %dma_start3A_257 = arith.constant 4 : i32
        %dma_start3A_258 = arith.constant 0 : i32
        %dma_start3A_259 = tpu.memref_slice %arg10[%dma_start3A_257, %dma_start3A_258] : memref<5x80xi32, #tpu.memory_space<vmem>> -> memref<1x80xi32, #tpu.memory_space<vmem>>
        %dma_start3A_260 = tpu.memref_squeeze %dma_start3A_259 : memref<1x80xi32, #tpu.memory_space<vmem>> -> memref<80xi32, #tpu.memory_space<vmem>>
        %dma_start3A_261 = arith.constant 0 : i32
        %dma_start3A_262 = tpu.memref_slice %arg4[%add3A, %add3A_235, %dma_start3A_261] : memref<32x125x80xi32, #tpu.memory_space<hbm>> -> memref<1x1x80xi32, #tpu.memory_space<hbm>>
        %dma_start3A_263 = tpu.memref_squeeze %dma_start3A_262 : memref<1x1x80xi32, #tpu.memory_space<hbm>> -> memref<80xi32, #tpu.memory_space<hbm>>
        %dma_start3A_264 = arith.constant 0 : i32
        %dma_start3A_265 = tpu.memref_slice %arg10[%dma_start3A_257, %dma_start3A_264] : memref<5x80xi32, #tpu.memory_space<vmem>> -> memref<1x80xi32, #tpu.memory_space<vmem>>
        %dma_start3A_266 = tpu.memref_squeeze %dma_start3A_265 : memref<1x80xi32, #tpu.memory_space<vmem>> -> memref<80xi32, #tpu.memory_space<vmem>>
        %dma_start3A_267 = arith.constant 0 : i32
        %dma_start3A_268 = tpu.memref_slice %arg4[%add3A, %add3A_235, %dma_start3A_267] : memref<32x125x80xi32, #tpu.memory_space<hbm>> -> memref<1x1x80xi32, #tpu.memory_space<hbm>>
        %dma_start3A_269 = tpu.memref_squeeze %dma_start3A_268 : memref<1x1x80xi32, #tpu.memory_space<hbm>> -> memref<80xi32, #tpu.memory_space<hbm>>
        tpu.enqueue_dma source(%dma_start3A_269 : memref<80xi32, #tpu.memory_space<hbm>>) target(%dma_start3A_266 : memref<80xi32, #tpu.memory_space<vmem>>) target_semaphore(%arg25 : memref<!tpu.dma_semaphore, #tpu.memory_space<semaphore_mem>>)
      } else {
      }
    }
    %scan3A_137 = arith.constant 25 : i32
    %barrier3A_138 = arith.constant 0 : index
    tpu.barrier barrier_id(%barrier3A_138)
    %mul3A_139 = arith.constant 625 : i32
    %mul3A_140 = arith.muli %arg1, %mul3A_139 : i32
    "tpu.region"() ({
      %run_scoped3A = tpu.sem_alloc : memref<!tpu.dma_semaphore, #tpu.memory_space<semaphore_mem>>
      %dma_start3A_141 = arith.constant 0 : i32
      %dma_start3A_142 = arith.constant 0 : i32
      %dma_start3A_143 = tpu.memref_slice %arg5[%arg0, %arg1, %dma_start3A_141, %dma_start3A_142] : memref<2x16x625x16xf32, #tpu.memory_space<hbm>> -> memref<1x1x625x16xf32, #tpu.memory_space<hbm>>
      %dma_start3A_144 = tpu.memref_squeeze %dma_start3A_143 : memref<1x1x625x16xf32, #tpu.memory_space<hbm>> -> memref<625x16xf32, #tpu.memory_space<hbm>>
      %dma_start3A_145 = arith.constant 0 : i32
      %dma_start3A_146 = tpu.memref_slice %arg6[%mul3A_140, %dma_start3A_145] : memref<10000x16xf32, #tpu.memory_space<vmem_shared>> -> memref<625x16xf32, #tpu.memory_space<vmem_shared>>
      tpu.enqueue_dma source(%dma_start3A_146 : memref<625x16xf32, #tpu.memory_space<vmem_shared>>) target(%dma_start3A_144 : memref<625x16xf32, #tpu.memory_space<hbm>>) target_semaphore(%run_scoped3A : memref<!tpu.dma_semaphore, #tpu.memory_space<semaphore_mem>>)
      %dma_wait3A = arith.constant 0 : i32
      %dma_wait3A_147 = arith.constant 0 : i32
      %dma_wait3A_148 = tpu.memref_slice %arg5[%arg0, %arg1, %dma_wait3A, %dma_wait3A_147] : memref<2x16x625x16xf32, #tpu.memory_space<hbm>> -> memref<1x1x625x16xf32, #tpu.memory_space<hbm>>
      %dma_wait3A_149 = tpu.memref_squeeze %dma_wait3A_148 : memref<1x1x625x16xf32, #tpu.memory_space<hbm>> -> memref<625x16xf32, #tpu.memory_space<hbm>>
      %dma_wait3A_150 = arith.constant 0 : i32
      %dma_wait3A_151 = tpu.memref_slice %arg6[%mul3A_140, %dma_wait3A_150] : memref<10000x16xf32, #tpu.memory_space<vmem_shared>> -> memref<625x16xf32, #tpu.memory_space<vmem_shared>>
      tpu.wait_dma2 semaphore(%run_scoped3A : memref<!tpu.dma_semaphore, #tpu.memory_space<semaphore_mem>>) src(%dma_wait3A_151 : memref<625x16xf32, #tpu.memory_space<vmem_shared>>) dst(%dma_wait3A_149 : memref<625x16xf32, #tpu.memory_space<hbm>>)
      tpu.yield
    }) : () -> ()
    return
  }
}

module attributes {stable_mosaic.version = 14 : i64} {
  func.func @body(%arg0: i32, %arg1: memref<1000x128xf32, #tpu.memory_space<vmem>>, %arg2: memref<128x128xf32, #tpu.memory_space<vmem>>, %arg3: memref<1000x128xf32, #tpu.memory_space<vmem>>) attributes {dimension_semantics = [#tpu.dimension_semantics<arbitrary>], iteration_bounds = array<i64: 10>, scalar_prefetch = 0 : i64, scratch_operands = 0 : i64, tpu.core_type = #tpu.core_type<tc>, window_params = [{transform_indices = @transform_0, window_bounds = array<i64: 1000, 128>}, {pipeline_mode = #tpu.pipeline_mode<synchronous>, transform_indices = @transform_1, window_bounds = array<i64: 128, 128>}, {transform_indices = @transform_2, window_bounds = array<i64: 1000, 128>}]} {
    %get3A = arith.constant 0 : index
    %get3A_0 = arith.constant 0 : index
    %get3A_1 = vector.load %arg1[%get3A, %get3A_0] : memref<1000x128xf32, #tpu.memory_space<vmem>>, vector<1000x128xf32>
    %get3A_2 = arith.constant 0 : index
    %get3A_3 = arith.constant 0 : index
    %get3A_4 = vector.load %arg2[%get3A_2, %get3A_3] : memref<128x128xf32, #tpu.memory_space<vmem>>, vector<128x128xf32>
    %dot_general3A = arith.constant dense<0.000000e+00> : vector<1000x128xf32>
    %dot_general3A_5 = tpu.matmul %get3A_1, %get3A_4, %dot_general3A {dimension_numbers = #tpu.dot_dimension_numbers<[1], [0], [0], [1], [0, 0, 1, 1], [], []>, transpose_lhs_hint = false} : vector<1000x128xf32>, vector<128x128xf32>, vector<1000x128xf32> -> vector<1000x128xf32>
    %swap3A = arith.constant 0 : index
    %swap3A_6 = arith.constant 0 : index
    %swap3A_7 = vector.load %arg3[%swap3A, %swap3A_6] : memref<1000x128xf32, #tpu.memory_space<vmem>>, vector<1000x128xf32>
    tpu.vector_store %arg3[%swap3A, %swap3A_6], %dot_general3A_5 {strides = array<i32>} : memref<1000x128xf32, #tpu.memory_space<vmem>>, vector<1000x128xf32>,
    return
  }
  func.func @transform_0(%arg0: i32) -> (i32, i32) {
    %c0_i32 = arith.constant 0 : i32
    %c0_i32_0 = arith.constant 0 : i32
    return %arg0, %c0_i32 : i32, i32
  }
  func.func @transform_1(%arg0: i32) -> (i32, i32) {
    %c0_i32 = arith.constant 0 : i32
    %c0_i32_0 = arith.constant 0 : i32
    %c0_i32_1 = arith.constant 0 : i32
    return %c0_i32, %c0_i32_0 : i32, i32
  }
  func.func @transform_2(%arg0: i32) -> (i32, i32) {
    %c0_i32 = arith.constant 0 : i32
    %c0_i32_0 = arith.constant 0 : i32
    return %arg0, %c0_i32 : i32, i32
  }
}

module attributes {stable_mosaic.version = 14 : i64} {
  func.func @body(%arg0: i32, %arg1: memref<1000x128xf32, #tpu.memory_space<vmem>>, %arg2: memref<2x2x1000x16xf32, #tpu.memory_space<vmem>>, %arg3: memref<1000x128xf32, #tpu.memory_space<vmem>>) attributes {dimension_semantics = [#tpu.dimension_semantics<arbitrary>], iteration_bounds = array<i64: 10>, scalar_prefetch = 0 : i64, scratch_operands = 0 : i64, tpu.core_type = #tpu.core_type<tc>, window_params = [{transform_indices = @transform_0, window_bounds = array<i64: 1000, 128>}, {transform_indices = @transform_1, window_bounds = array<i64: 2, 2, 1000, 16>}, {transform_indices = @transform_2, window_bounds = array<i64: 1000, 128>}]} {
    %get3A = arith.constant 0 : index
    %get3A_0 = arith.constant 0 : index
    %get3A_1 = vector.load %arg1[%get3A, %get3A_0] : memref<1000x128xf32, #tpu.memory_space<vmem>>, vector<1000x128xf32>
    %get3A_2 = arith.constant 0 : index
    %get3A_3 = arith.constant 0 : index
    %get3A_4 = arith.constant 0 : index
    %get3A_5 = arith.constant 0 : index
    %get3A_6 = vector.load %arg2[%get3A_2, %get3A_3, %get3A_4, %get3A_5] : memref<2x2x1000x16xf32, #tpu.memory_space<vmem>>, vector<1x1x1000x16xf32>
    %get3A_7 = vector.shape_cast %get3A_6 : vector<1x1x1000x16xf32> to vector<1000x16xf32>
    %slice3A = vector.extract_strided_slice %get3A_7 {offsets = [0, 0], sizes = [1000, 1], strides = [1, 1]} : vector<1000x16xf32> to vector<1000x1xf32>
    %get3A_8 = arith.constant 1 : index
    %get3A_9 = arith.constant 0 : index
    %get3A_10 = arith.constant 0 : index
    %get3A_11 = arith.constant 0 : index
    %get3A_12 = vector.load %arg2[%get3A_8, %get3A_9, %get3A_10, %get3A_11] : memref<2x2x1000x16xf32, #tpu.memory_space<vmem>>, vector<1x1x1000x16xf32>
    %get3A_13 = vector.shape_cast %get3A_12 : vector<1x1x1000x16xf32> to vector<1000x16xf32>
    %slice3A_14 = vector.extract_strided_slice %get3A_13 {offsets = [0, 0], sizes = [1000, 1], strides = [1, 1]} : vector<1000x16xf32> to vector<1000x1xf32>
    %add3A = arith.addf %slice3A, %slice3A_14 : vector<1000x1xf32>
    %max3A = arith.constant 1.000000e+00 : f32
    %max3A_15 = vector.broadcast %max3A : f32 to vector<1000x1xf32>
    %max3A_16 = arith.maximumf %add3A, %max3A_15 : vector<1000x1xf32>
    %rsqrt3A = math.rsqrt %max3A_16 : vector<1000x1xf32>
    %mul3A = vector.broadcast %rsqrt3A : vector<1000x1xf32> to vector<1000x128xf32>
    %mul3A_17 = arith.mulf %get3A_1, %mul3A : vector<1000x128xf32>
    %swap3A = arith.constant 0 : index
    %swap3A_18 = arith.constant 0 : index
    %swap3A_19 = vector.load %arg3[%swap3A, %swap3A_18] : memref<1000x128xf32, #tpu.memory_space<vmem>>, vector<1000x128xf32>
    tpu.vector_store %arg3[%swap3A, %swap3A_18], %mul3A_17 {strides = array<i32>} : memref<1000x128xf32, #tpu.memory_space<vmem>>, vector<1000x128xf32>,
    return
  }
  func.func @transform_0(%arg0: i32) -> (i32, i32) {
    %c0_i32 = arith.constant 0 : i32
    %c0_i32_0 = arith.constant 0 : i32
    return %arg0, %c0_i32 : i32, i32
  }
  func.func @transform_1(%arg0: i32) -> (i32, i32, i32, i32) {
    %c0_i32 = arith.constant 0 : i32
    %c0_i32_0 = arith.constant 0 : i32
    %c0_i32_1 = arith.constant 0 : i32
    %c0_i32_2 = arith.constant 0 : i32
    return %c0_i32, %c0_i32_0, %arg0, %c0_i32_1 : i32, i32, i32, i32
  }
  func.func @transform_2(%arg0: i32) -> (i32, i32) {
    %c0_i32 = arith.constant 0 : i32
    %c0_i32_0 = arith.constant 0 : i32
    return %arg0, %c0_i32 : i32, i32
  }
}

module attributes {stable_mosaic.version = 14 : i64} {
  func.func @body(%arg0: i32, %arg1: memref<2x1000x128xf32, #tpu.memory_space<vmem>>, %arg2: memref<2x2x1000x16xf32, #tpu.memory_space<vmem>>, %arg3: memref<1x128xf32, #tpu.memory_space<vmem>>, %arg4: memref<128x16xf32, #tpu.memory_space<vmem>>, %arg5: memref<1000x16xf32, #tpu.memory_space<vmem>>) attributes {dimension_semantics = [#tpu.dimension_semantics<arbitrary>], iteration_bounds = array<i64: 10>, scalar_prefetch = 0 : i64, scratch_operands = 0 : i64, tpu.core_type = #tpu.core_type<tc>, window_params = [{transform_indices = @transform_0, window_bounds = array<i64: 2, 1000, 128>}, {transform_indices = @transform_1, window_bounds = array<i64: 2, 2, 1000, 16>}, {pipeline_mode = #tpu.pipeline_mode<synchronous>, transform_indices = @transform_2, window_bounds = array<i64: 1, 128>}, {pipeline_mode = #tpu.pipeline_mode<synchronous>, transform_indices = @transform_3, window_bounds = array<i64: 128, 16>}, {transform_indices = @transform_4, window_bounds = array<i64: 1000, 16>}]} {
    %get3A = arith.constant 0 : index
    %get3A_0 = arith.constant 0 : index
    %get3A_1 = arith.constant 0 : index
    %get3A_2 = vector.load %arg1[%get3A, %get3A_0, %get3A_1] : memref<2x1000x128xf32, #tpu.memory_space<vmem>>, vector<1x1000x128xf32>
    %get3A_3 = vector.shape_cast %get3A_2 : vector<1x1000x128xf32> to vector<1000x128xf32>
    %get3A_4 = arith.constant 1 : index
    %get3A_5 = arith.constant 0 : index
    %get3A_6 = arith.constant 0 : index
    %get3A_7 = vector.load %arg1[%get3A_4, %get3A_5, %get3A_6] : memref<2x1000x128xf32, #tpu.memory_space<vmem>>, vector<1x1000x128xf32>
    %get3A_8 = vector.shape_cast %get3A_7 : vector<1x1000x128xf32> to vector<1000x128xf32>
    %add3A = arith.addf %get3A_3, %get3A_8 : vector<1000x128xf32>
    %get3A_9 = arith.constant 0 : index
    %get3A_10 = arith.constant 1 : index
    %get3A_11 = arith.constant 0 : index
    %get3A_12 = arith.constant 0 : index
    %get3A_13 = vector.load %arg2[%get3A_9, %get3A_10, %get3A_11, %get3A_12] : memref<2x2x1000x16xf32, #tpu.memory_space<vmem>>, vector<1x1x1000x16xf32>
    %get3A_14 = vector.shape_cast %get3A_13 : vector<1x1x1000x16xf32> to vector<1000x16xf32>
    %slice3A = vector.extract_strided_slice %get3A_14 {offsets = [0, 0], sizes = [1000, 1], strides = [1, 1]} : vector<1000x16xf32> to vector<1000x1xf32>
    %get3A_15 = arith.constant 1 : index
    %get3A_16 = arith.constant 1 : index
    %get3A_17 = arith.constant 0 : index
    %get3A_18 = arith.constant 0 : index
    %get3A_19 = vector.load %arg2[%get3A_15, %get3A_16, %get3A_17, %get3A_18] : memref<2x2x1000x16xf32, #tpu.memory_space<vmem>>, vector<1x1x1000x16xf32>
    %get3A_20 = vector.shape_cast %get3A_19 : vector<1x1x1000x16xf32> to vector<1000x16xf32>
    %slice3A_21 = vector.extract_strided_slice %get3A_20 {offsets = [0, 0], sizes = [1000, 1], strides = [1, 1]} : vector<1000x16xf32> to vector<1000x1xf32>
    %add3A_22 = arith.addf %slice3A, %slice3A_21 : vector<1000x1xf32>
    %max3A = arith.constant 1.000000e+00 : f32
    %max3A_23 = vector.broadcast %max3A : f32 to vector<1000x1xf32>
    %max3A_24 = arith.maximumf %add3A_22, %max3A_23 : vector<1000x1xf32>
    %rsqrt3A = math.rsqrt %max3A_24 : vector<1000x1xf32>
    %get3A_25 = arith.constant 0 : index
    %get3A_26 = arith.constant 0 : index
    %get3A_27 = arith.constant 0 : index
    %get3A_28 = arith.constant 0 : index
    %get3A_29 = vector.load %arg2[%get3A_25, %get3A_26, %get3A_27, %get3A_28] : memref<2x2x1000x16xf32, #tpu.memory_space<vmem>>, vector<1x1x1000x16xf32>
    %get3A_30 = vector.shape_cast %get3A_29 : vector<1x1x1000x16xf32> to vector<1000x16xf32>
    %slice3A_31 = vector.extract_strided_slice %get3A_30 {offsets = [0, 0], sizes = [1000, 1], strides = [1, 1]} : vector<1000x16xf32> to vector<1000x1xf32>
    %get3A_32 = arith.constant 1 : index
    %get3A_33 = arith.constant 0 : index
    %get3A_34 = arith.constant 0 : index
    %get3A_35 = arith.constant 0 : index
    %get3A_36 = vector.load %arg2[%get3A_32, %get3A_33, %get3A_34, %get3A_35] : memref<2x2x1000x16xf32, #tpu.memory_space<vmem>>, vector<1x1x1000x16xf32>
    %get3A_37 = vector.shape_cast %get3A_36 : vector<1x1x1000x16xf32> to vector<1000x16xf32>
    %slice3A_38 = vector.extract_strided_slice %get3A_37 {offsets = [0, 0], sizes = [1000, 1], strides = [1, 1]} : vector<1000x16xf32> to vector<1000x1xf32>
    %add3A_39 = arith.addf %slice3A_31, %slice3A_38 : vector<1000x1xf32>
    %max3A_40 = arith.constant 1.000000e+00 : f32
    %max3A_41 = vector.broadcast %max3A_40 : f32 to vector<1000x1xf32>
    %max3A_42 = arith.maximumf %add3A_39, %max3A_41 : vector<1000x1xf32>
    %rsqrt3A_43 = math.rsqrt %max3A_42 : vector<1000x1xf32>
    %mul3A = vector.broadcast %rsqrt3A : vector<1000x1xf32> to vector<1000x128xf32>
    %mul3A_44 = arith.mulf %add3A, %mul3A : vector<1000x128xf32>
    %get3A_45 = arith.constant 0 : index
    %get3A_46 = arith.constant 0 : index
    %get3A_47 = vector.load %arg3[%get3A_45, %get3A_46] : memref<1x128xf32, #tpu.memory_space<vmem>>, vector<1x128xf32>
    %add3A_48 = vector.broadcast %get3A_47 : vector<1x128xf32> to vector<1000x128xf32>
    %add3A_49 = arith.addf %mul3A_44, %add3A_48 : vector<1000x128xf32>
    %max3A_50 = arith.constant 0.000000e+00 : f32
    %max3A_51 = vector.broadcast %max3A_50 : f32 to vector<1000x128xf32>
    %max3A_52 = arith.maximumf %add3A_49, %max3A_51 : vector<1000x128xf32>
    %mul3A_53 = vector.broadcast %rsqrt3A_43 : vector<1000x1xf32> to vector<1000x128xf32>
    %mul3A_54 = arith.mulf %max3A_52, %mul3A_53 : vector<1000x128xf32>
    %get3A_55 = arith.constant 0 : index
    %get3A_56 = arith.constant 0 : index
    %get3A_57 = vector.load %arg4[%get3A_55, %get3A_56] : memref<128x16xf32, #tpu.memory_space<vmem>>, vector<128x16xf32>
    %dot_general3A = arith.constant dense<0.000000e+00> : vector<1000x16xf32>
    %dot_general3A_58 = tpu.matmul %mul3A_54, %get3A_57, %dot_general3A {dimension_numbers = #tpu.dot_dimension_numbers<[1], [0], [0], [1], [0, 0, 1, 1], [], []>, transpose_lhs_hint = false} : vector<1000x128xf32>, vector<128x16xf32>, vector<1000x16xf32> -> vector<1000x16xf32>
    %swap3A = arith.constant 0 : index
    %swap3A_59 = arith.constant 0 : index
    %swap3A_60 = vector.load %arg5[%swap3A, %swap3A_59] : memref<1000x16xf32, #tpu.memory_space<vmem>>, vector<1000x16xf32>
    tpu.vector_store %arg5[%swap3A, %swap3A_59], %dot_general3A_58 {strides = array<i32>} : memref<1000x16xf32, #tpu.memory_space<vmem>>, vector<1000x16xf32>,
    return
  }
  func.func @transform_0(%arg0: i32) -> (i32, i32, i32) {
    %c0_i32 = arith.constant 0 : i32
    %c0_i32_0 = arith.constant 0 : i32
    %c0_i32_1 = arith.constant 0 : i32
    return %c0_i32, %arg0, %c0_i32_0 : i32, i32, i32
  }
  func.func @transform_1(%arg0: i32) -> (i32, i32, i32, i32) {
    %c0_i32 = arith.constant 0 : i32
    %c0_i32_0 = arith.constant 0 : i32
    %c0_i32_1 = arith.constant 0 : i32
    %c0_i32_2 = arith.constant 0 : i32
    return %c0_i32, %c0_i32_0, %arg0, %c0_i32_1 : i32, i32, i32, i32
  }
  func.func @transform_2(%arg0: i32) -> (i32, i32) {
    %c0_i32 = arith.constant 0 : i32
    %c0_i32_0 = arith.constant 0 : i32
    %c0_i32_1 = arith.constant 0 : i32
    return %c0_i32, %c0_i32_0 : i32, i32
  }
  func.func @transform_3(%arg0: i32) -> (i32, i32) {
    %c0_i32 = arith.constant 0 : i32
    %c0_i32_0 = arith.constant 0 : i32
    %c0_i32_1 = arith.constant 0 : i32
    return %c0_i32, %c0_i32_0 : i32, i32
  }
  func.func @transform_4(%arg0: i32) -> (i32, i32) {
    %c0_i32 = arith.constant 0 : i32
    %c0_i32_0 = arith.constant 0 : i32
    return %arg0, %c0_i32 : i32, i32
  }
}

module attributes {stable_mosaic.version = 14 : i64} {
  func.func @body(%arg0: i32, %arg1: memref<2x1000x16xf32, #tpu.memory_space<vmem>>, %arg2: memref<2x2x1000x16xf32, #tpu.memory_space<vmem>>, %arg3: memref<1x16xf32, #tpu.memory_space<vmem>>, %arg4: memref<1000x16xf32, #tpu.memory_space<vmem>>) attributes {dimension_semantics = [#tpu.dimension_semantics<arbitrary>], iteration_bounds = array<i64: 10>, scalar_prefetch = 0 : i64, scratch_operands = 0 : i64, tpu.core_type = #tpu.core_type<tc>, window_params = [{transform_indices = @transform_0, window_bounds = array<i64: 2, 1000, 16>}, {transform_indices = @transform_1, window_bounds = array<i64: 2, 2, 1000, 16>}, {pipeline_mode = #tpu.pipeline_mode<synchronous>, transform_indices = @transform_2, window_bounds = array<i64: 1, 16>}, {transform_indices = @transform_3, window_bounds = array<i64: 1000, 16>}]} {
    %get3A = arith.constant 0 : index
    %get3A_0 = arith.constant 0 : index
    %get3A_1 = arith.constant 0 : index
    %get3A_2 = vector.load %arg1[%get3A, %get3A_0, %get3A_1] : memref<2x1000x16xf32, #tpu.memory_space<vmem>>, vector<1x1000x16xf32>
    %get3A_3 = vector.shape_cast %get3A_2 : vector<1x1000x16xf32> to vector<1000x16xf32>
    %get3A_4 = arith.constant 1 : index
    %get3A_5 = arith.constant 0 : index
    %get3A_6 = arith.constant 0 : index
    %get3A_7 = vector.load %arg1[%get3A_4, %get3A_5, %get3A_6] : memref<2x1000x16xf32, #tpu.memory_space<vmem>>, vector<1x1000x16xf32>
    %get3A_8 = vector.shape_cast %get3A_7 : vector<1x1000x16xf32> to vector<1000x16xf32>
    %add3A = arith.addf %get3A_3, %get3A_8 : vector<1000x16xf32>
    %get3A_9 = arith.constant 0 : index
    %get3A_10 = arith.constant 1 : index
    %get3A_11 = arith.constant 0 : index
    %get3A_12 = arith.constant 0 : index
    %get3A_13 = vector.load %arg2[%get3A_9, %get3A_10, %get3A_11, %get3A_12] : memref<2x2x1000x16xf32, #tpu.memory_space<vmem>>, vector<1x1x1000x16xf32>
    %get3A_14 = vector.shape_cast %get3A_13 : vector<1x1x1000x16xf32> to vector<1000x16xf32>
    %slice3A = vector.extract_strided_slice %get3A_14 {offsets = [0, 0], sizes = [1000, 1], strides = [1, 1]} : vector<1000x16xf32> to vector<1000x1xf32>
    %get3A_15 = arith.constant 1 : index
    %get3A_16 = arith.constant 1 : index
    %get3A_17 = arith.constant 0 : index
    %get3A_18 = arith.constant 0 : index
    %get3A_19 = vector.load %arg2[%get3A_15, %get3A_16, %get3A_17, %get3A_18] : memref<2x2x1000x16xf32, #tpu.memory_space<vmem>>, vector<1x1x1000x16xf32>
    %get3A_20 = vector.shape_cast %get3A_19 : vector<1x1x1000x16xf32> to vector<1000x16xf32>
    %slice3A_21 = vector.extract_strided_slice %get3A_20 {offsets = [0, 0], sizes = [1000, 1], strides = [1, 1]} : vector<1000x16xf32> to vector<1000x1xf32>
    %add3A_22 = arith.addf %slice3A, %slice3A_21 : vector<1000x1xf32>
    %max3A = arith.constant 1.000000e+00 : f32
    %max3A_23 = vector.broadcast %max3A : f32 to vector<1000x1xf32>
    %max3A_24 = arith.maximumf %add3A_22, %max3A_23 : vector<1000x1xf32>
    %rsqrt3A = math.rsqrt %max3A_24 : vector<1000x1xf32>
    %mul3A = vector.broadcast %rsqrt3A : vector<1000x1xf32> to vector<1000x16xf32>
    %mul3A_25 = arith.mulf %add3A, %mul3A : vector<1000x16xf32>
    %get3A_26 = arith.constant 0 : index
    %get3A_27 = arith.constant 0 : index
    %get3A_28 = vector.load %arg3[%get3A_26, %get3A_27] : memref<1x16xf32, #tpu.memory_space<vmem>>, vector<1x16xf32>
    %add3A_29 = vector.broadcast %get3A_28 : vector<1x16xf32> to vector<1000x16xf32>
    %add3A_30 = arith.addf %mul3A_25, %add3A_29 : vector<1000x16xf32>
    %swap3A = arith.constant 0 : index
    %swap3A_31 = arith.constant 0 : index
    %swap3A_32 = vector.load %arg4[%swap3A, %swap3A_31] : memref<1000x16xf32, #tpu.memory_space<vmem>>, vector<1000x16xf32>
    tpu.vector_store %arg4[%swap3A, %swap3A_31], %add3A_30 {strides = array<i32>} : memref<1000x16xf32, #tpu.memory_space<vmem>>, vector<1000x16xf32>,
    return
  }
  func.func @transform_0(%arg0: i32) -> (i32, i32, i32) {
    %c0_i32 = arith.constant 0 : i32
    %c0_i32_0 = arith.constant 0 : i32
    %c0_i32_1 = arith.constant 0 : i32
    return %c0_i32, %arg0, %c0_i32_0 : i32, i32, i32
  }
  func.func @transform_1(%arg0: i32) -> (i32, i32, i32, i32) {
    %c0_i32 = arith.constant 0 : i32
    %c0_i32_0 = arith.constant 0 : i32
    %c0_i32_1 = arith.constant 0 : i32
    %c0_i32_2 = arith.constant 0 : i32
    return %c0_i32, %c0_i32_0, %arg0, %c0_i32_1 : i32, i32, i32, i32
  }
  func.func @transform_2(%arg0: i32) -> (i32, i32) {
    %c0_i32 = arith.constant 0 : i32
    %c0_i32_0 = arith.constant 0 : i32
    %c0_i32_1 = arith.constant 0 : i32
    return %c0_i32, %c0_i32_0 : i32, i32
  }
  func.func @transform_3(%arg0: i32) -> (i32, i32) {
    %c0_i32 = arith.constant 0 : i32
    %c0_i32_0 = arith.constant 0 : i32
    return %arg0, %c0_i32 : i32, i32
  }
}

</mosaic_0001>

<sc_bundles>
// kernel: kernel.12.cloned.1.call-start
scs
__scs_entry_jumppad:
0x0: {  	(pc) =	sbr.rel $0x88, $3  }
0x1: {  	(tag) =	ssettag $0x0;
	lr =	simm.s32 $0x1  }
0x2: {  	[smem:$0x3F9B] =	sst lr;
	_ =	strace $0xD0000000  }
0x3: {  	_ = 	snop  }
0x4: {  	_ = 	snop  }
0x5: {  	_ = 	snop  }
0x6: {  	_ = 	snop  }
0x7: {  	_ = 	snop  }
__scs_overlays_trampoline_lowered:
0x8: {  	[smem:$0x3FAA] =	sst s0  }
0x9: {  	[smem:$0x3FAB] =	sst s1  }
0xa: {  	[smem:$0x3FAC] =	sst s2  }
0xb: {  	[smem:$0x3FAD] =	sst s3  }
0xc: {  	[smem:$0x3FAE] =	sst s4  }
0xd: {  	[smem:$0x3FAF] =	sst s5  }
0xe: {  	[smem:$0x3FB0] =	sst s6  }
0xf: {  	[smem:$0x3FB1] =	sst s7  }
0x10: {  	[smem:$0x3FB2] =	sst s8  }
0x11: {  	[smem:$0x3FB3] =	sst s9;
	s0 =	simm.s32 @!p0 $0x0  }
0x12: {  	s1 =	sld [smem:$0x3F99];
	s0 =	simm.s32 @p0 $0x1  }
0x13: {  	[smem:$0x3FB4] =	sst s0;
	s0 =	simm.s32 @!p1 $0x0  }
0x14: {  	s2 =	sld [smem:$0x3F98];
	s0 =	simm.s32 @p1 $0x1  }
0x15: {  	[smem:$0x3FB5] =	sst s0;
	s0 =	simm.s32 @!p2 $0x0  }
0x16: {  	s3 =	sld [smem:$0x3FDB];
	s0 =	simm.s32 @p2 $0x1  }
0x17: {  	s4 =	simm.s32 $0x1BF5;
	[smem:$0x3FB7] =	sst s0  }
0x18: {  	s0 =	sld [smem:$0x3F9A];
	_ =	swait.ge [sflag:s4], $0x0  }
0x19: {  	s7 =	sld [smem:$0x3F9B]  }
0x1a: {  	s8 =	sadd.s32 $0xFFFFE003, lr  }
0x1b: {  	s9 =	sadd.s32 $0xFFFFFEF7, lr;
	s5 =	simm.s32 $0xFFFFFFFF;
	p2 =	slt.u32 s8, $0xFFFFF086  }
0x1c: {  	p1 =	slt.u32 s9, $0xF7A;
	s5 =	simm.s32 @!p2 $0x0  }
0x1d: {  	s5 =	simm.s32 @p1 $0x1;
	p0 =	seq.s32 s7, s2  }
0x1e: {  	s7 =	smul.u32 @!p0 $0xF7A, s2;
	p2 =	seq.s32 @!p0 s5, $0x0  }
0x1f: {  	s9 =	smul.u32 $0xF7A, s1;
	s8 =	simm.s32 @!p0 $0x1BF5;
	p2 =	por !p2, p0  }
0x20: {  	[sflag:s8] =	ssyncset.s32 @!p0 $0xFFFFF086;
	s6 =	sadd.s32 @!p0 s3, s7;
	s7 =	simm.s32 @!p0 $0x108  }
0x21: {  	s3 =	sadd.s32 s3, s9;
	s6 =	sadd.s32 @!p0 $0x88, s6;
	s7 =	simm.s32 @p2 $0x1082  }
0x22: {  	[simem:s7], [sflag:s8] =	dma.local @!p0 [hbm:s6], $0xF7A  }
0x23: {  	s9 =	sor.u32 $0xD0000000, s2;
	s6 =	simm.s32 $0x108;
	_ =	swait.ge @!p0 [sflag:s8], $0x0  }
0x24: {  	s3 =	sadd.s32 $0x88, s3;
	s6 =	simm.s32 @!p1 $0x1082;
	[sflag:s4] =	ssyncset.s32 $0xFFFFF086  }
0x25: {  	[simem:s6], [sflag:s4] =	dma.local [hbm:s3], $0xF7A  }
0x26: {  	[smem:$0x3F9B] =	sst s1;
	(tag) =	ssettag s2;
	_ =	strace s9  }
0x27: {  	s1 =	sld [smem:$0x3FAB]  }
0x28: {  	s2 =	sld [smem:$0x3FAC]  }
0x29: {  	s4 =	sld [smem:$0x3FAE]  }
0x2a: {  	p0 =	seq.s32 s5, $0x0;
	s5 =	sld [smem:$0x3FAF]  }
0x2b: {  	s6 =	sld [smem:$0x3FB0]  }
0x2c: {  	s7 =	sld [smem:$0x3FB1]  }
0x2d: {  	s3 =	simm.s32 $0x108;
	s8 =	sld [smem:$0x3FB2]  }
0x2e: {  	s3 =	simm.s32 @!p0 $0x1082;
	s9 =	sld [smem:$0x3FB3]  }
0x2f: {  	lr =	sadd.s32 s0, s3;
	s0 =	sld [smem:$0x3FAA]  }
0x30: {  	s3 =	sld [smem:$0x3FAD]  }
0x31: {  	[smem:$0x3FB6] =	sst s10  }
0x32: {  	s10 =	sld [smem:$0x3FB4];
	_ =	sdelay $0x3  }
0x33: {  	p0 =	seq.s32 s10, $0x1;
	s10 =	sld [smem:$0x3FB6];
	_ =	sdelay $0x3  }
0x34: {  	[smem:$0x3FB6] =	sst s10  }
0x35: {  	s10 =	sld [smem:$0x3FB5];
	_ =	sdelay $0x3  }
0x36: {  	p1 =	seq.s32 s10, $0x1;
	s10 =	sld [smem:$0x3FB6];
	_ =	sdelay $0x3  }
0x37: {  	[smem:$0x3FB6] =	sst s10  }
0x38: {  	s10 =	sld [smem:$0x3FB7]  }
0x39: {  	_ = 	snop;
	(pc) =	sbr.ind lr, $3  }
0x3a: {  	_ = 	snop  }
0x3b: {  	_ = 	snop  }
0x3c: {  	p2 =	seq.s32 s10, $0x1;
	s10 =	sld [smem:$0x3FB6]  }
0x3d: {  	_ =	shalt  }
0x3e: {  	_ =	shalt  }
0x3f: {  	_ =	shalt  }
0x40: {  	_ =	shalt  }
0x41: {  	_ =	shalt  }
0x42: {  	_ =	shalt  }
0x43: {  	_ =	shalt  }
0x44: {  	_ =	shalt  }
0x45: {  	_ =	shalt  }
0x46: {  	_ =	shalt  }
0x47: {  	_ =	shalt  }
0x48: {  	_ =	shalt  }
0x49: {  	_ =	shalt  }
0x4a: {  	_ =	shalt  }
0x4b: {  	_ =	shalt  }
0x4c: {  	_ =	shalt  }
0x4d: {  	_ =	shalt  }
0x4e: {  	_ =	shalt  }
0x4f: {  	_ =	shalt  }
0x50: {  	_ =	shalt  }
0x51: {  	_ =	shalt  }
0x52: {  	_ =	shalt  }
0x53: {  	_ =	shalt  }
0x54: {  	_ =	shalt  }
0x55: {  	_ =	shalt  }
0x56: {  	_ =	shalt  }
0x57: {  	_ =	shalt  }
0x58: {  	_ =	shalt  }
0x59: {  	_ =	shalt  }
0x5a: {  	_ =	shalt  }
0x5b: {  	_ =	shalt  }
0x5c: {  	_ =	shalt  }
0x5d: {  	_ =	shalt  }
0x5e: {  	_ =	shalt  }
0x5f: {  	_ =	shalt  }
0x60: {  	_ =	shalt  }
0x61: {  	_ =	shalt  }
0x62: {  	_ =	shalt  }
0x63: {  	_ =	shalt  }
0x64: {  	_ =	shalt  }
0x65: {  	_ =	shalt  }
0x66: {  	_ =	shalt  }
0x67: {  	_ =	shalt  }
0x68: {  	_ =	shalt  }
0x69: {  	_ =	shalt  }
0x6a: {  	_ =	shalt  }
0x6b: {  	_ =	shalt  }
0x6c: {  	_ =	shalt  }
0x6d: {  	_ =	shalt  }
0x6e: {  	_ =	shalt  }
0x6f: {  	_ =	shalt  }
0x70: {  	_ =	shalt  }
0x71: {  	_ =	shalt  }
0x72: {  	_ =	shalt  }
0x73: {  	_ =	shalt  }
0x74: {  	_ =	shalt  }
0x75: {  	_ =	shalt  }
0x76: {  	_ =	shalt  }
0x77: {  	_ =	shalt  }
0x78: {  	_ =	shalt  }
0x79: {  	_ =	shalt  }
0x7a: {  	_ =	shalt  }
0x7b: {  	_ =	shalt  }
0x7c: {  	_ =	shalt  }
0x7d: {  	_ =	shalt  }
0x7e: {  	_ =	shalt  }
0x7f: {  	_ =	shalt  }
0x80: {  	_ =	shalt  }
0x81: {  	_ =	shalt  }
0x82: {  	_ =	shalt  }
0x83: {  	_ =	shalt  }
0x84: {  	_ =	shalt  }
0x85: {  	_ =	shalt  }
0x86: {  	_ =	shalt  }
0x87: {  	_ =	shalt  }
.Lfunc_end0:
.L_simem_size_0:
called_computation.1_lowered:
.L_overlay_start_0:
0x88: {  	s2 =	sld [smem:$0x3FD9]  }
0x89: {  	s3 =	sld [smem:$0x3FFE];
	_ =	sdelay $0x1  }
0x8a: {  	s1 =	srdreg.scid  }
0x8b: {  	s0 =	sand.u32 $0x1, s1  }
0x8c: {  	s16 =	sshll.u32 s0, $0xA;
	s2 =	sadd.s32 s3, s2  }
0x8d: {  	s2 =	sadd.s32 s2, s16  }
0x8e: {  	[smem:$0x3FC2] =	sst s2  }
0x8f: {  	_ = 	snop  }
0x90: {  	(tm) =	ssettm $0x1  }
0x91: {  	s17 =	sld [smem:$0x3FFB];
	_ =	sdelay $0x3  }
0x92: {  	_ =	strace s17  }
0x93: {  	s2 =	sld [smem:$0x3FFC];
	_ =	sdelay $0x3  }
0x94: {  	_ =	strace s2  }
0x95: {  	s2 =	sld [smem:$0x3FFD];
	_ =	sdelay $0x3  }
0x96: {  	_ =	strace s2  }
0x97: {  	_ =	strace $0x8FFFFFFF  }
0x98: {  	s18 =	sld [smem:$0x3FDB];
	_ =	sdelay $0x1  }
0x99: {  	s19 =	simm.s32 $_scs_section_size  }
0x9a: {  	s4 =	simm.s32 $_size__tile_overlayer_lowered;
	s5 =	simm.s32 $_tile_overlayer_lowered  }
0x9b: {  	s22 =	simm.s32 $0x1BFF;
	s21 =	sshll.u32 s5, $0x1;
	s2 =	sadd.s32 s19, s18  }
0x9c: {  	s6 =	simm.s32 $0x0;
	s20 =	sshll.u32 s4, $0x1;
	s4 =	sadd.s32 s21, s2  }
0x9d: {  	[timem:s6], [sflag:s22] =	dma.local [hbm:s4], s20  }
0x9e: {  	_ =	swait.ge [sflag:s22], s20  }
0x9f: {  	s3 =	ssub.s32 $0x0, s20;
	[sflag:s22] =	ssyncset.done $0x0  }
0xa0: {  	[sflag:s22] =	ssyncadd.s32 s3;
	_ =	sdelay $0x1  }
0xa1: {  	s23 =	simm.s32 $0x1B8B  }
0xa2: {  	_ =	swait.ge [sflag:s23], $0x1  }
0xa3: {  	[sflag:s23] =	ssyncset.done $0x0  }
0xa4: {  	s25 =	simm.s32 $0x1B8E;
	s24 =	sld [smem:$0x3FFE];
	[sflag:s23] =	ssyncadd.s32 $0xFFFFFFFF  }
0xa5: {  	s26 =	simm.s32 $execute0_lowered;
	[smem:$0x3FD2] =	sst s25  }
0xa6: {  	s4 =	sshll.u32 s26, $0x1;
	_ =	strace $0x80000049;
	[dreg:$0x1] =	wrdreg $0xFFFFFFFF  }
0xa7: {  	s28 =	simm.s32 $_size_execute0_lowered;
	s2 =	sadd.s32 s2, s4;
	[dreg:$0x0] =	wrdreg $0x0  }
0xa8: {  	s4 =	sshll.u32 s28, $0x1;
	[dreg:$0x2] =	wrdreg s2  }
0xa9: {  	[dreg:$0x3] =	wrdreg s4  }
0xaa: {  	[dreg:$0x4] =	wrdreg $0xC0  }
0xab: {  	_ =	task [dreg:s6], $0x5FFFF  }
0xac: {  	[dreg:$0x1] =	wrdreg $0xFFFFFFFF  }
0xad: {  	[dreg:$0x0] =	wrdreg $0x60  }
0xae: {  	[dreg:$0x2] =	wrdreg s24  }
0xaf: {  	[dreg:$0x3] =	wrdreg $0x0  }
0xb0: {  	[dreg:$0x4] =	wrdreg $0x9  }
0xb1: {  	_ =	task.clear_ibuf [dreg:s6], $0x5FFFF;
	_ =	strace $0x90000049  }
0xb2: {  	s29 =	simm.s32 $0x9;
	_ =	strace $0x8000004B  }
0xb3: {  	_ =	swait.ge [sflag:s29], $0x1  }
0xb4: {  	[sflag:s29] =	ssyncadd.s32 $0xFFFFFFFF  }
0xb5: {  	_ =	strace $0x9000004B  }
0xb6: {  	_ =	sfence  }
0xb7: {  	s30 =	sld [smem:$0x0];
	_ =	sdelay $0x2  }
0xb8: {  	s31 =	sshll.u32 s1, $0xD;
	s1 =	sshrl.u32 s1, $0x2  }
0xb9: {  	s3 =	sand.u32 $0x4000, s31;
	s1 =	sadd.s32 s1, s30  }
0xba: {  	s0 =	sor.u32 s3, s0;
	s1 =	sshll.u32 s1, $0x11  }
0xbb: {  	s0 =	sor.u32 s1, s0  }
0xbc: {  	s0 =	sadd.s32 $0x8F2B, s0  }
0xbd: {  	[sflag:s0] =	ssyncadd.remote.s32 $0x1  }
0xbe: {  	_ =	sfence.sel $0xFFFF  }
0xbf: {  	[dreg:$0x0] =	wrdreg $0xFFFFFFFF;
	(pc) =	sbr.abs _section_cstart, $3  }
0xc0: {  	[dreg:$0x1] =	wrdreg $0xFFFFFFFF  }
0xc1: {  	_ =	task.clear_ibuf [dreg:s6], $0x2FFFF;
	_ =	strace $0x9FFFFFFF  }
0xc2: {  	(tm) =	ssettm $0x7FFFFFFF  }
0xc3: {  	_ =	shalt  }
tec
execute0_lowered:
.L_overlay_start_1:
0x0: {  	(tag) =	ssettag $0x1  }
0x1: {  	s0 =	srdreg.scid;
	s5 =	rddreg [dreg:$0x0]  }
0x2: {  	s12 =	stileid.u32;
	s2 =	rddreg [dreg:$0x1];
	s3 =	simm.s32 $0x0  }
0x3: {  	s28 =	simm.s32 $0x28;
	s30 =	simm.s32 $0x1F888;
	s29 =	simm.s32 $0xC  }
0x4: {  	s31 =	simm.s32 $0x15;
	s0 =	sand.u32 $0x1, s0;
	s1 =	sshll.u32 s12, $0x1  }
0x5: {  	[smem:$0x7FF] =	sst s3;
	s8 =	smul.u32 $0x13880, s12;
	s4 =	sadd.s32 $0xC5200, s5  }
0x6: {  	s13 =	sadd.s32 $0x1800, s5;
	s1 =	sor.u32 s0, s1;
	s6 =	smul.u32 $0x138800, s0  }
0x7: {  	_ =	strace $0x8000004A;
	s22 =	ssub.s32 $0x2, s0;
	s0 =	smul.u32 $0x2710, s0  }
0x8: {  	[dreg:$0x3] =	wrdreg s13;
	s1 =	smul.u32 $0x2710, s1;
	s10 =	sshrl.u32 s22, $0x1  }
0x9: {  	s6 =	sadd.s32 s8, s6;
	s23 =	ssub.s32 s22, s10;
	s10 =	simm.s32 $0x1D100  }
0xa: {  	s7 =	sshrl.u32 s1, $0x3;
	s6 =	sshrl.u32 s6, $0x3;
	s11 =	sadd.s32 $0x28, s1  }
0xb: {  	s18 =	smax.u32 s23, $0x1;
	s9 =	sadd.s32 s7, s5;
	s5 =	sadd.s32 s6, s5  }
0xc: {  	s24 =	sshrl.u32 s11, $0x3;
	s25 =	sadd.s32 s13, s7;
	[dreg:$0xd] =	wrdreg s18  }
0xd: {  	s11 =	smul.u32 $0x4E200, s12;
	s9 =	sadd.s32 $0xB600, s9;
	[dreg:$0x5] =	wrdreg s25  }
0xe: {  	s12 =	smul.u32 $0x4E20, s12;
	s26 =	sadd.s32 s13, s24;
	[dreg:$0x4] =	wrdreg s9  }
0xf: {  	s18 =	simm.s32 $0x13;
	s8 =	sadd.s32 $0xA, s25;
	[dreg:$0x6] =	wrdreg s26  }
0x10: {  	s6 =	simm.s32 $0xD;
	s14 =	sadd.s32 $0x14, s25;
	[dreg:$0x7] =	wrdreg s8  }
0x11: {  	s15 =	sadd.s32 $0x1E, s25;
	s16 =	sadd.s32 $0xEC400, s5;
	[dreg:$0x9] =	wrdreg s14  }
0x12: {  	s5 =	simm.s32 $0x0;
	s9 =	sadd.s32 $0x78, s1;
	[dreg:$0xb] =	wrdreg s15  }
0x13: {  	s1 =	sadd.s32 $0xC8, s1;
	[dreg:$0xc] =	wrdreg s16;
	s17 =	sshrl.u32 s11, $0x2  }
0x14: {  	s0 =	sadd.s32 s0, s12;
	s12 =	simm.s32 $0x13880;
	s14 =	simm.s32 $0x16080  }
0x15: {  	s11 =	simm.s32 $0x1F860;
	s16 =	simm.s32 $0x17480;
	s7 =	sshrl.u32 s9, $0x3  }
0x16: {  	s1 =	sshrl.u32 s1, $0x3;
	s15 =	sadd.s32 s17, s2;
	s19 =	sadd.s32 $0x208, s0  }
0x17: {  	s20 =	sadd.s32 $0x1E0, s0;
	s21 =	sadd.s32 $0x1B8, s0;
	s23 =	sadd.s32 $0x190, s0  }
0x18: {  	s24 =	sadd.s32 $0x168, s0;
	s25 =	sadd.s32 $0x140, s0;
	s0 =	sadd.s32 $0x118, s0  }
0x19: {  	s17 =	simm.s32 $0x5;
	s7 =	sadd.s32 s13, s7;
	[dreg:$0x14] =	wrdreg s0  }
0x1a: {  	s1 =	sadd.s32 s13, s1;
	s22 =	sshrl.u32 s21, $0x3;
	[dreg:$0x8] =	wrdreg s7  }
0x1b: {  	s26 =	sshrl.u32 s25, $0x3;
	s25 =	simm.s32 $0x16;
	[dreg:$0xa] =	wrdreg s1  }
0x1c: {  	s13 =	simm.s32 $0x1F810;
	s21 =	simm.s32 $0xA;
	[dreg:$0x10] =	wrdreg s22  }
0x1d: {  	s0 =	simm.s32 $0x7;
	s1 =	sshrl.u32 s19, $0x3;
	[dreg:$0x13] =	wrdreg s26  }
.Ltmp0:
0x1e: {  	s26 =	simm.s32 $0x1C480;
	s19 =	simm.s32 $0x8;
	(pc) =	sbr.rel .LBB2_1-.Ltmp0, $4  }
0x1f: {  	s22 =	simm.s32 $0xB;
	[dreg:$0xe] =	wrdreg s1;
	s1 =	sshrl.u32 s20, $0x3  }
0x20: {  	s20 =	simm.s32 $0x9;
	[dreg:$0xf] =	wrdreg s1;
	s1 =	sshrl.u32 s23, $0x3  }
0x21: {  	s23 =	simm.s32 $0x14C80;
	[dreg:$0x11] =	wrdreg s1;
	s1 =	sshrl.u32 s24, $0x3  }
0x22: {  	v0 =	vimm.f32 $0.0e+00;
	s24 =	simm.s32 $0x1F838;
	[dreg:$0x12] =	wrdreg s1;
	s1 =	simm.s32 $0x1F8B0  }
.LBB2_10:
0x23: {  	_ =	swait.ge [sflag:s19], $0x1400  }
0x24: {  	[sflag:s19] =	ssyncset.done $0x0  }
0x25: {  	[sflag:s19] =	ssyncadd.s32 $0xFFFFEC00  }
0x26: {  	_ =	swait.ge [sflag:s20], $0x1400  }
0x27: {  	[sflag:s20] =	ssyncset.done $0x0  }
0x28: {  	[sflag:s20] =	ssyncadd.s32 $0xFFFFEC00  }
0x29: {  	_ =	swait.ge [sflag:s21], $0x1400  }
0x2a: {  	[sflag:s21] =	ssyncset.done $0x0  }
0x2b: {  	[sflag:s21] =	ssyncadd.s32 $0xFFFFEC00  }
0x2c: {  	_ =	swait.ge [sflag:s22], $0x1400  }
0x2d: {  	[sflag:s22] =	ssyncset.done $0x0  }
0x2e: {  	[sflag:s22] =	ssyncadd.s32 $0xFFFFEC00  }
0x2f: {  	_ =	swait.ge [sflag:s29], $0x1400  }
0x30: {  	[sflag:s29] =	ssyncset.done $0x0  }
0x31: {  	[sflag:s29] =	ssyncadd.s32 $0xFFFFEC00  }
.LBB2_8:
0x32: {  	s7 =	stileid.u32  }
0x33: {  	[bflag:$0x0] =	sbarrier.arrive $0xFFFF;
	s7 =	sshll.u32 s7, $0x6  }
0x34: {  	s8 =	sshrl.u32 s15, $0x3;
	s9 =	rddreg [dreg:$0xc];
	s7 =	sor.u32 $0x1C16, s7  }
0x35: {  	[hbm:s9], [sflag:s7] =	dma.local [spmem:s8], $0x2710  }
0x36: {  	_ =	swait.ge [sflag:s25], $0x2710  }
0x37: {  	s5 =	rddreg [dreg:$0x15]  }
0x38: {  	s16 =	rddreg [dreg:$0xd];
	s5 =	sadd.s32 $0x1, s5  }
0x39: {  	p0 =	sne.s32 s5, s16  }
.Ltmp1:
0x3a: {  	_ = 	snop;
	(pc) =	sbr.rel @!p0 .LBB2_9-.Ltmp1, $3  }
0x3b: {  	_ =	sdelay $0x1  }
0x3c: {  	s10 =	simm.s32 $0x1D100;
	s11 =	simm.s32 $0x1F860;
	[sflag:s25] =	ssyncset.done $0x0  }
0x3d: {  	s30 =	simm.s32 $0x1F888;
	[sflag:s25] =	ssyncadd.s32 $0xFFFFD8F0;
	s16 =	simm.s32 $0x17480  }
.LBB2_1:
0x3e: {  	s7 =	rddreg [dreg:$0x4]  }
0x3f: {  	[tilespmem:s10], [sflag:$0x16] =	stream.linear.gather [hbm4b:s7+s3], $0x2710, $0x38;
	[tilespmem:$0x1F928] =	vst v63  }
0x40: {  	_ =	swait.ge [sflag:s25], $0x2710  }
0x41: {  	[sflag:s25] =	ssyncset.done $0x0  }
0x42: {  	s8 =	simm.s32 $0x0;
	s9 =	simm.s32 $0x200;
	[sflag:s25] =	ssyncadd.s32 $0xFFFFD8F0  }
.LBB2_2:
0x43: {  	p0 =	sne.s32 s9, $0x3000;
	[tilespmem:s8+$0x1C4F0] =	vst v0  }
0x44: {  	[tilespmem:s8+$0x1C480] =	vst v0  }
0x45: {  	[tilespmem:s8+$0x1C490] =	vst v0  }
.Ltmp2:
0x46: {  	[tilespmem:s8+$0x1C4A0] =	vst v0;
	(pc) =	sbr.rel @p0 .LBB2_2-.Ltmp2, $4  }
0x47: {  	[tilespmem:s8+$0x1C4B0] =	vst v0  }
0x48: {  	[tilespmem:s8+$0x1C4C0] =	vst v0  }
0x49: {  	[tilespmem:s8+$0x1C4D0] =	vst v0  }
0x4a: {  	[tilespmem:s8+$0x1C4E0] =	vst v0;
	s8 =	sshra.s32 s9, $0x2;
	s9 =	sadd.s32 $0x200, s9  }
0x4b: {  	[tilespmem:s8+$0x1C4F0] =	vst v0  }
0x4c: {  	[tilespmem:s8+$0x1C480] =	vst v0  }
0x4d: {  	[tilespmem:s8+$0x1C490] =	vst v0  }
0x4e: {  	[tilespmem:s8+$0x1C4A0] =	vst v0  }
0x4f: {  	[tilespmem:s8+$0x1C4B0] =	vst v0  }
0x50: {  	[tilespmem:s8+$0x1C4C0] =	vst v0  }
0x51: {  	[tilespmem:s8+$0x1C4D0] =	vst v0  }
0x52: {  	[dreg:$0x15] =	wrdreg s5;
	[tilespmem:s8+$0x1C4E0] =	vst v0;
	s9 =	sadd.s32 $0x0, s15  }
0x53: {  	[spmem:s9] =	stream.linear.scatter [tilespmem:s26], [sflag:$0x16], $0xC80, $0x38;
	[tilespmem:$0x1F928] =	vst v63  }
0x54: {  	s8 =	simm.s32 $0x3200;
	_ =	swait.ge [sflag:s25], $0xC80  }
.LBB2_4:
0x55: {  	s9 =	sshra.s32 s8, $0x2;
	[sflag:s25] =	ssyncset.done $0x0;
	p0 =	sne.s32 s8, $0x4B000  }
.Ltmp3:
0x56: {  	s9 =	sadd.s32 s9, s15;
	[sflag:s25] =	ssyncadd.s32 $0xFFFFF380;
	(pc) =	sbr.rel @p0 .LBB2_4-.Ltmp3, $3  }
0x57: {  	[spmem:s9] =	stream.linear.scatter [tilespmem:s26], [sflag:$0x16], $0xC80, $0x38;
	[tilespmem:$0x1F928] =	vst v63  }
0x58: {  	s8 =	sadd.s32 $0x3200, s8;
	_ =	sdelay $0x1  }
0x59: {  	_ =	swait.ge [sflag:s25], $0xC80  }
0x5a: {  	[sflag:s25] =	ssyncset.done $0x0  }
0x5b: {  	[sflag:s25] =	ssyncadd.s32 $0xFFFFF380  }
0x5c: {  	[bflag:$0x0] =	sbarrier.arrive $0xFFFF  }
0x5d: {  	[tilespmem:s12], [sflag:$0x1] =	stream.indirect.gather [hbm4b:s4+s28], $0x80, s10, s28, $0xb8;
	[tilespmem:$0x1F928] =	vst v63  }
0x5e: {  	s8 =	simm.s32 $0x0;
	s7 =	rddreg [dreg:$0x5]  }
0x5f: {  	[tilespmem:s13], [sflag:$0xF] =	stream.linear.gather [hbm4b:s7+s8], $0x28, $0x38;
	[tilespmem:$0x1F928] =	vst v63  }
0x60: {  	s10 =	simm.s32 $0x1D128  }
0x61: {  	[tilespmem:s23], [sflag:$0x2] =	stream.indirect.gather [hbm4b:s4+s28], $0x80, s10, s28, $0xb8;
	[tilespmem:$0x1F928] =	vst v63  }
0x62: {  	s5 =	rddreg [dreg:$0x6]  }
0x63: {  	[tilespmem:s24], [sflag:$0x10] =	stream.linear.gather [hbm4b:s5+s8], $0x28, $0x38;
	[tilespmem:$0x1F928] =	vst v63  }
0x64: {  	s9 =	simm.s32 $0x1D150  }
0x65: {  	[tilespmem:s14], [sflag:$0x3] =	stream.indirect.gather [hbm4b:s4+s28], $0x80, s9, s28, $0xb8;
	[tilespmem:$0x1F928] =	vst v63  }
0x66: {  	s10 =	rddreg [dreg:$0x7]  }
0x67: {  	[tilespmem:s11], [sflag:$0x11] =	stream.linear.gather [hbm4b:s10+s8], $0x28, $0x38;
	[tilespmem:$0x1F928] =	vst v63  }
0x68: {  	s5 =	simm.s32 $0x1D178  }
0x69: {  	[tilespmem:s16], [sflag:$0x4] =	stream.indirect.gather [hbm4b:s4+s28], $0x80, s5, s28, $0xb8;
	[tilespmem:$0x1F928] =	vst v63  }
0x6a: {  	s9 =	rddreg [dreg:$0x8]  }
0x6b: {  	[tilespmem:s30], [sflag:$0x12] =	stream.linear.gather [hbm4b:s9+s8], $0x28, $0x38;
	[tilespmem:$0x1F928] =	vst v63  }
0x6c: {  	s10 =	simm.s32 $0x18880;
	s5 =	simm.s32 $0x1D1A0  }
0x6d: {  	[tilespmem:s10], [sflag:$0x5] =	stream.indirect.gather [hbm4b:s4+s28], $0x80, s5, s28, $0xb8;
	[tilespmem:$0x1F928] =	vst v63  }
0x6e: {  	s11 =	rddreg [dreg:$0x9]  }
0x6f: {  	[tilespmem:s1], [sflag:$0x13] =	stream.linear.gather [hbm4b:s11+s8], $0x28, $0x38;
	[tilespmem:$0x1F928] =	vst v63  }
0x70: {  	s16 =	simm.s32 $0x1D1C8;
	s30 =	simm.s32 $0x19C80;
	s5 =	rddreg [dreg:$0xa]  }
0x71: {  	[tilespmem:s30], [sflag:$0x6] =	stream.indirect.gather [hbm4b:s4+s28], $0x80, s16, s28, $0xb8;
	[tilespmem:$0x1F928] =	vst v63  }
0x72: {  	s7 =	simm.s32 $0x18880;
	s9 =	simm.s32 $0x1F8D8;
	s16 =	rddreg [dreg:$0xb]  }
0x73: {  	[tilespmem:s9], [sflag:$0x14] =	stream.linear.gather [hbm4b:s5+s8], $0x28, $0x38;
	[tilespmem:$0x1F928] =	vst v63  }
0x74: {  	s10 =	simm.s32 $0x1D1F0;
	s11 =	simm.s32 $0x1B080;
	s9 =	rddreg [dreg:$0x14]  }
0x75: {  	[tilespmem:s11], [sflag:$0x7] =	stream.indirect.gather [hbm4b:s4+s28], $0x80, s10, s28, $0xb8;
	[tilespmem:$0x1F928] =	vst v63  }
0x76: {  	s30 =	simm.s32 $0x1F900;
	s10 =	rddreg [dreg:$0x3];
	s11 =	simm.s32 $0x0  }
0x77: {  	[tilespmem:s30], [sflag:$0x15] =	stream.linear.gather [hbm4b:s16+s8], $0x28, $0x38;
	[tilespmem:$0x1F928] =	vst v63  }
.LBB2_6:
0x78: {  	s5 =	simm.s32 $0x1  }
0x79: {  	_ =	swait.ge [sflag:s5], $0x1400  }
0x7a: {  	[sflag:s5] =	ssyncset.done $0x0  }
0x7b: {  	s16 =	simm.s32 $0xF;
	[sflag:s5] =	ssyncadd.s32 $0xFFFFEC00  }
0x7c: {  	_ =	swait.ge [sflag:s16], $0x28  }
0x7d: {  	[sflag:s16] =	ssyncset.done $0x0  }
0x7e: {  	[sflag:s16] =	ssyncadd.s32 $0xFFFFFFD8;
	s16 =	simm.s32 $0x2  }
0x7f: {  	[spmem:s2] =	stream.indirect.scatter.add.f32 [tilespmem:s12], [sflag:$0x8], $0x80, s13, s28, $0xb8;
	[tilespmem:$0x1F928] =	vst v63  }
0x80: {  	_ =	swait.ge [sflag:s16], $0x1400  }
0x81: {  	[sflag:s16] =	ssyncset.done $0x0  }
0x82: {  	[sflag:s16] =	ssyncadd.s32 $0xFFFFEC00;
	s16 =	simm.s32 $0x10  }
0x83: {  	_ =	swait.ge [sflag:s16], $0x28  }
0x84: {  	[sflag:s16] =	ssyncset.done $0x0  }
0x85: {  	[sflag:s16] =	ssyncadd.s32 $0xFFFFFFD8;
	s16 =	simm.s32 $0x3  }
0x86: {  	[spmem:s2] =	stream.indirect.scatter.add.f32 [tilespmem:s23], [sflag:$0x9], $0x80, s24, s28, $0xb8;
	[tilespmem:$0x1F928] =	vst v63  }
0x87: {  	_ =	swait.ge [sflag:s16], $0x1400  }
0x88: {  	[sflag:s16] =	ssyncset.done $0x0  }
0x89: {  	[sflag:s16] =	ssyncadd.s32 $0xFFFFEC00;
	s16 =	simm.s32 $0x11  }
0x8a: {  	_ =	swait.ge [sflag:s16], $0x28  }
0x8b: {  	[sflag:s16] =	ssyncset.done $0x0  }
0x8c: {  	s5 =	simm.s32 $0x4;
	[sflag:s16] =	ssyncadd.s32 $0xFFFFFFD8;
	s16 =	simm.s32 $0x1F860  }
0x8d: {  	[spmem:s2] =	stream.indirect.scatter.add.f32 [tilespmem:s14], [sflag:$0xA], $0x80, s16, s28, $0xb8;
	[tilespmem:$0x1F928] =	vst v63  }
0x8e: {  	_ =	swait.ge [sflag:s5], $0x1400  }
0x8f: {  	[sflag:s5] =	ssyncset.done $0x0  }
0x90: {  	[sflag:s5] =	ssyncadd.s32 $0xFFFFEC00;
	s5 =	simm.s32 $0x12  }
0x91: {  	_ =	swait.ge [sflag:s5], $0x28  }
0x92: {  	[sflag:s5] =	ssyncset.done $0x0  }
0x93: {  	s30 =	simm.s32 $0x17480;
	[sflag:s5] =	ssyncadd.s32 $0xFFFFFFD8;
	s5 =	simm.s32 $0x1F888  }
0x94: {  	[spmem:s2] =	stream.indirect.scatter.add.f32 [tilespmem:s30], [sflag:$0xB], $0x80, s5, s28, $0xb8;
	[tilespmem:$0x1F928] =	vst v63  }
0x95: {  	_ =	swait.ge [sflag:s17], $0x1400  }
0x96: {  	p0 =	seq.s32 s8, $0x9920;
	[sflag:s17] =	ssyncset.done $0x0  }
.Ltmp4:
0x97: {  	[sflag:s17] =	ssyncadd.s32 $0xFFFFEC00;
	(pc) =	sbr.rel @p0 .LBB2_10-.Ltmp4, $4  }
0x98: {  	_ =	swait.ge [sflag:s18], $0x28  }
0x99: {  	[sflag:s18] =	ssyncset.done $0x0  }
0x9a: {  	[sflag:s18] =	ssyncadd.s32 $0xFFFFFFD8  }
0x9b: {  	[spmem:s2] =	stream.indirect.scatter.add.f32 [tilespmem:s7], [sflag:$0xC], $0x80, s1, s28, $0xb8;
	[tilespmem:$0x1F928] =	vst v63  }
0x9c: {  	s1 =	simm.s32 $0x6  }
0x9d: {  	_ =	swait.ge [sflag:s1], $0x1400  }
0x9e: {  	[sflag:s1] =	ssyncset.done $0x0  }
0x9f: {  	s14 =	simm.s32 $0x14;
	[sflag:s1] =	ssyncadd.s32 $0xFFFFEC00  }
0xa0: {  	_ =	swait.ge [sflag:s14], $0x28  }
0xa1: {  	[sflag:s14] =	ssyncset.done $0x0  }
0xa2: {  	s24 =	simm.s32 $0x19C80;
	s7 =	simm.s32 $0x1F8D8;
	[sflag:s14] =	ssyncadd.s32 $0xFFFFFFD8  }
0xa3: {  	[spmem:s2] =	stream.indirect.scatter.add.f32 [tilespmem:s24], [sflag:$0xD], $0x80, s7, s28, $0xb8;
	[tilespmem:$0x1F928] =	vst v63  }
0xa4: {  	_ =	swait.ge [sflag:s0], $0x1400  }
0xa5: {  	[sflag:s0] =	ssyncset.done $0x0  }
0xa6: {  	[sflag:s0] =	ssyncadd.s32 $0xFFFFEC00  }
0xa7: {  	_ =	swait.ge [sflag:s31], $0x28  }
0xa8: {  	[sflag:s31] =	ssyncset.done $0x0  }
0xa9: {  	s14 =	simm.s32 $0x1B080;
	s24 =	simm.s32 $0x1F900;
	[sflag:s31] =	ssyncadd.s32 $0xFFFFFFD8  }
0xaa: {  	[spmem:s2] =	stream.indirect.scatter.add.f32 [tilespmem:s14], [sflag:$0xE], $0x80, s24, s28, $0xb8;
	[tilespmem:$0x1F928] =	vst v63  }
0xab: {  	_ =	swait.ge [sflag:s19], $0x1400  }
0xac: {  	s24 =	sshra.s32 s8, $0x2;
	[sflag:s19] =	ssyncset.done $0x0  }
0xad: {  	s7 =	sadd.s32 $0x1D218, s24;
	[sflag:s19] =	ssyncadd.s32 $0xFFFFEC00  }
0xae: {  	[tilespmem:s12], [sflag:$0x1] =	stream.indirect.gather [hbm4b:s4+s28], $0x80, s7, s28, $0xb8;
	[tilespmem:$0x1F928] =	vst v63  }
0xaf: {  	s7 =	sshrl.u32 s9, $0x3;
	s12 =	rddreg [dreg:$0x3]  }
0xb0: {  	s7 =	sadd.s32 s12, s7  }
0xb1: {  	[tilespmem:s13], [sflag:$0xF] =	stream.linear.gather [hbm4b:s7+s3], $0x28, $0x38;
	[tilespmem:$0x1F928] =	vst v63  }
0xb2: {  	_ =	swait.ge [sflag:s20], $0x1400  }
0xb3: {  	[sflag:s20] =	ssyncset.done $0x0  }
0xb4: {  	s13 =	sadd.s32 $0x1D240, s24;
	[sflag:s20] =	ssyncadd.s32 $0xFFFFEC00  }
0xb5: {  	[tilespmem:s23], [sflag:$0x2] =	stream.indirect.gather [hbm4b:s4+s28], $0x80, s13, s28, $0xb8;
	[tilespmem:$0x1F928] =	vst v63  }
0xb6: {  	s23 =	rddreg [dreg:$0x13]  }
0xb7: {  	s14 =	simm.s32 $0x1F838;
	s7 =	sadd.s32 s10, s23  }
0xb8: {  	[tilespmem:s14], [sflag:$0x10] =	stream.linear.gather [hbm4b:s7+s3], $0x28, $0x38;
	[tilespmem:$0x1F928] =	vst v63  }
0xb9: {  	_ =	swait.ge [sflag:s21], $0x1400  }
0xba: {  	s12 =	sadd.s32 $0x1D268, s24;
	[sflag:s21] =	ssyncset.done $0x0  }
0xbb: {  	s14 =	simm.s32 $0x16080;
	s13 =	rddreg [dreg:$0x12];
	[sflag:s21] =	ssyncadd.s32 $0xFFFFEC00  }
0xbc: {  	[tilespmem:s14], [sflag:$0x3] =	stream.indirect.gather [hbm4b:s4+s28], $0x80, s12, s28, $0xb8;
	[tilespmem:$0x1F928] =	vst v63  }
0xbd: {  	s7 =	sadd.s32 s10, s13  }
0xbe: {  	[tilespmem:s16], [sflag:$0x11] =	stream.linear.gather [hbm4b:s7+s3], $0x28, $0x38;
	[tilespmem:$0x1F928] =	vst v63  }
0xbf: {  	_ =	swait.ge [sflag:s22], $0x1400  }
0xc0: {  	[sflag:s22] =	ssyncset.done $0x0  }
0xc1: {  	s16 =	sadd.s32 $0x1D290, s24;
	s23 =	rddreg [dreg:$0x11];
	[sflag:s22] =	ssyncadd.s32 $0xFFFFEC00  }
0xc2: {  	[tilespmem:s30], [sflag:$0x4] =	stream.indirect.gather [hbm4b:s4+s28], $0x80, s16, s28, $0xb8;
	[tilespmem:$0x1F928] =	vst v63  }
0xc3: {  	s7 =	sadd.s32 s10, s23  }
0xc4: {  	[tilespmem:s5], [sflag:$0x12] =	stream.linear.gather [hbm4b:s7+s3], $0x28, $0x38;
	[tilespmem:$0x1F928] =	vst v63  }
0xc5: {  	_ =	swait.ge [sflag:s29], $0x1400  }
0xc6: {  	s1 =	simm.s32 $0x18880;
	[sflag:s29] =	ssyncset.done $0x0  }
0xc7: {  	s24 =	sadd.s32 $0x1D2B8, s24;
	s30 =	rddreg [dreg:$0x10];
	[sflag:s29] =	ssyncadd.s32 $0xFFFFEC00  }
0xc8: {  	[tilespmem:s1], [sflag:$0x5] =	stream.indirect.gather [hbm4b:s4+s28], $0x80, s24, s28, $0xb8;
	[tilespmem:$0x1F928] =	vst v63  }
0xc9: {  	s7 =	sadd.s32 s10, s30;
	s1 =	simm.s32 $0x1F8B0  }
0xca: {  	[tilespmem:s1], [sflag:$0x13] =	stream.linear.gather [hbm4b:s7+s3], $0x28, $0x38;
	[tilespmem:$0x1F928] =	vst v63  }
0xcb: {  	p0 =	slt.u32 s11, $0x22;
	_ =	swait.ge [sflag:s6], $0x1400  }
0xcc: {  	s12 =	simm.s32 @p0 $0x19C80;
	s7 =	sshra.s32 @p0 s8, $0x2;
	[sflag:s6] =	ssyncset.done $0x0  }
0xcd: {  	s23 =	simm.s32 @p0 $0x28;
	s24 =	sadd.s32 @p0 $0x1D2E0, s7;
	[sflag:s6] =	ssyncadd.s32 $0xFFFFEC00  }
0xce: {  	[tilespmem:s12], [sflag:$0x6] =	stream.indirect.gather @p0 [hbm4b:s4+s23], $0x80, s24, s23, $0xb8;
	[tilespmem:$0x1F928] =	vst v63  }
0xcf: {  	s12 =	rddreg [dreg:$0xf]  }
0xd0: {  	s13 =	simm.s32 @p0 $0x1F8D8;
	s24 =	simm.s32 @p0 $0x0;
	s12 =	sadd.s32 @p0 s10, s12  }
0xd1: {  	[tilespmem:s13], [sflag:$0x14] =	stream.linear.gather @p0 [hbm4b:s12+s24], $0x28, $0x38;
	[tilespmem:$0x1F928] =	vst v63  }
0xd2: {  	s12 =	simm.s32 @p0 $0xE  }
0xd3: {  	_ =	swait.ge @p0 [sflag:s12], $0x1400  }
0xd4: {  	[sflag:s12] =	ssyncset.done @p0 $0x0  }
0xd5: {  	s7 =	sadd.s32 @p0 $0x1D308, s7;
	[sflag:s12] =	ssyncadd.s32 @p0 $0xFFFFEC00;
	s12 =	simm.s32 @p0 $0x1B080  }
0xd6: {  	[tilespmem:s12], [sflag:$0x7] =	stream.indirect.gather @p0 [hbm4b:s4+s23], $0x80, s7, s23, $0xb8;
	[tilespmem:$0x1F928] =	vst v63  }
0xd7: {  	s7 =	rddreg [dreg:$0xe]  }
0xd8: {  	s12 =	simm.s32 @p0 $0x1F900;
	s7 =	sadd.s32 @p0 s10, s7  }
0xd9: {  	[tilespmem:s12], [sflag:$0x15] =	stream.linear.gather @p0 [hbm4b:s7+s24], $0x28, $0x38;
	[tilespmem:$0x1F928] =	vst v63  }
0xda: {  	s7 =	simm.s32 @!p0 $0xE  }
0xdb: {  	_ =	swait.ge @!p0 [sflag:s7], $0x1400  }
0xdc: {  	s8 =	sadd.s32 $0x460, s8;
	[sflag:s7] =	ssyncset.done @!p0 $0x0  }
0xdd: {  	[sflag:s7] =	ssyncadd.s32 @!p0 $0xFFFFEC00;
	p0 =	sne.s32 s8, $0x9D80  }
.Ltmp5:
0xde: {  	_ = 	snop;
	(pc) =	sbr.rel @p0 .LBB2_6-.Ltmp5, $4  }
.Ltmp6:
0xdf: {  	_ = 	snop;
	(pc) =	sbr.rel @!p0 .LBB2_8-.Ltmp6, $4  }
0xe0: {  	s11 =	sadd.s32 $0x1, s11;
	s9 =	sadd.s32 $0x118, s9  }
0xe1: {  	s13 =	simm.s32 $0x1F810;
	s23 =	simm.s32 $0x14C80;
	s10 =	sadd.s32 $0x23, s10  }
0xe2: {  	s12 =	simm.s32 $0x13880;
	s24 =	simm.s32 $0x1F838;
	s7 =	simm.s32 $0x18880  }
0xe3: {  	_ = 	snop  }
.LBB2_9:
0xe4: {  	_ =	sfence.sel $0x180000  }
0xe5: {  	[bflag:$0x0] =	sbarrier.arrive $0xFFFF  }
0xe6: {  	_ =	strace $0x9000004A  }
0xe7: {  	s0 =	stileid.u32;
	[bflag:$0x2] =	sbarrier.arrive $0xFFFF  }
0xe8: {  	p0 =	sne.s32 s0, $0x0;
	s0 =	rddreg [dreg:$0x2]  }
0xe9: {  	s0 =	sadd.s32 @!p0 $0x100000, s0  }
0xea: {  	[sflag:s0] =	ssyncadd.tile.s32 @!p0 $0x1;
	_ =	shalt  }
.Lfunc_end2:
_tile_overlayer_lowered:
.L_overlay_start_2:
0xeb: {  	(tag) =	ssettag $0x2  }
0xec: {  	s0 =	rddreg [dreg:$0x0];
	s2 =	stileid.u32  }
0xed: {  	s1 =	rddreg [dreg:$0x1];
	p0 =	sne.s32 s2, $0x0  }
0xee: {  	s3 =	rddreg [dreg:$0x2];
	[bflag:$0x3] =	sbarrier.arrive $0xFFFF;
	s2 =	simm.s32 @!p0 $0x1C16  }
0xef: {  	[timem:s3], [sflag:s2] =	dma.local @!p0 [hbm:s0], s1  }
0xf0: {  	s0 =	simm.s32 @!p0 $0x16  }
0xf1: {  	_ =	swait.ge @!p0 [sflag:s0], s1  }
0xf2: {  	s1 =	ssub.s32 @!p0 $0x0, s1;
	[sflag:s0] =	ssyncset.done @!p0 $0x0  }
0xf3: {  	[sflag:s0] =	ssyncadd.s32 @!p0 s1  }
0xf4: {  	[bflag:$0x3] =	sbarrier.arrive $0xFFFF  }
0xf5: {  	_ =	shalt  }

// kernel: kernel.15.cloned.1.call-start
scs
__scs_entry_jumppad:
0x0: {  	(pc) =	sbr.rel $0x88, $3  }
0x1: {  	(tag) =	ssettag $0x0;
	lr =	simm.s32 $0x1  }
0x2: {  	[smem:$0x3F9B] =	sst lr;
	_ =	strace $0xD0000000  }
0x3: {  	_ = 	snop  }
0x4: {  	_ = 	snop  }
0x5: {  	_ = 	snop  }
0x6: {  	_ = 	snop  }
0x7: {  	_ = 	snop  }
__scs_overlays_trampoline_lowered:
0x8: {  	[smem:$0x3FAA] =	sst s0  }
0x9: {  	[smem:$0x3FAB] =	sst s1  }
0xa: {  	[smem:$0x3FAC] =	sst s2  }
0xb: {  	[smem:$0x3FAD] =	sst s3  }
0xc: {  	[smem:$0x3FAE] =	sst s4  }
0xd: {  	[smem:$0x3FAF] =	sst s5  }
0xe: {  	[smem:$0x3FB0] =	sst s6  }
0xf: {  	[smem:$0x3FB1] =	sst s7  }
0x10: {  	[smem:$0x3FB2] =	sst s8  }
0x11: {  	[smem:$0x3FB3] =	sst s9;
	s0 =	simm.s32 @!p0 $0x0  }
0x12: {  	s1 =	sld [smem:$0x3F99];
	s0 =	simm.s32 @p0 $0x1  }
0x13: {  	[smem:$0x3FB4] =	sst s0;
	s0 =	simm.s32 @!p1 $0x0  }
0x14: {  	s2 =	sld [smem:$0x3F98];
	s0 =	simm.s32 @p1 $0x1  }
0x15: {  	[smem:$0x3FB5] =	sst s0;
	s0 =	simm.s32 @!p2 $0x0  }
0x16: {  	s3 =	sld [smem:$0x3FDB];
	s0 =	simm.s32 @p2 $0x1  }
0x17: {  	s4 =	simm.s32 $0x1BF5;
	[smem:$0x3FB7] =	sst s0  }
0x18: {  	s0 =	sld [smem:$0x3F9A];
	_ =	swait.ge [sflag:s4], $0x0  }
0x19: {  	s7 =	sld [smem:$0x3F9B]  }
0x1a: {  	s8 =	sadd.s32 $0xFFFFE003, lr  }
0x1b: {  	s9 =	sadd.s32 $0xFFFFFEF7, lr;
	s5 =	simm.s32 $0xFFFFFFFF;
	p2 =	slt.u32 s8, $0xFFFFF086  }
0x1c: {  	p1 =	slt.u32 s9, $0xF7A;
	s5 =	simm.s32 @!p2 $0x0  }
0x1d: {  	s5 =	simm.s32 @p1 $0x1;
	p0 =	seq.s32 s7, s2  }
0x1e: {  	s7 =	smul.u32 @!p0 $0xF7A, s2;
	p2 =	seq.s32 @!p0 s5, $0x0  }
0x1f: {  	s9 =	smul.u32 $0xF7A, s1;
	s8 =	simm.s32 @!p0 $0x1BF5;
	p2 =	por !p2, p0  }
0x20: {  	[sflag:s8] =	ssyncset.s32 @!p0 $0xFFFFF086;
	s6 =	sadd.s32 @!p0 s3, s7;
	s7 =	simm.s32 @!p0 $0x108  }
0x21: {  	s3 =	sadd.s32 s3, s9;
	s6 =	sadd.s32 @!p0 $0x88, s6;
	s7 =	simm.s32 @p2 $0x1082  }
0x22: {  	[simem:s7], [sflag:s8] =	dma.local @!p0 [hbm:s6], $0xF7A  }
0x23: {  	s9 =	sor.u32 $0xD0000000, s2;
	s6 =	simm.s32 $0x108;
	_ =	swait.ge @!p0 [sflag:s8], $0x0  }
0x24: {  	s3 =	sadd.s32 $0x88, s3;
	s6 =	simm.s32 @!p1 $0x1082;
	[sflag:s4] =	ssyncset.s32 $0xFFFFF086  }
0x25: {  	[simem:s6], [sflag:s4] =	dma.local [hbm:s3], $0xF7A  }
0x26: {  	[smem:$0x3F9B] =	sst s1;
	(tag) =	ssettag s2;
	_ =	strace s9  }
0x27: {  	s1 =	sld [smem:$0x3FAB]  }
0x28: {  	s2 =	sld [smem:$0x3FAC]  }
0x29: {  	s4 =	sld [smem:$0x3FAE]  }
0x2a: {  	p0 =	seq.s32 s5, $0x0;
	s5 =	sld [smem:$0x3FAF]  }
0x2b: {  	s6 =	sld [smem:$0x3FB0]  }
0x2c: {  	s7 =	sld [smem:$0x3FB1]  }
0x2d: {  	s3 =	simm.s32 $0x108;
	s8 =	sld [smem:$0x3FB2]  }
0x2e: {  	s3 =	simm.s32 @!p0 $0x1082;
	s9 =	sld [smem:$0x3FB3]  }
0x2f: {  	lr =	sadd.s32 s0, s3;
	s0 =	sld [smem:$0x3FAA]  }
0x30: {  	s3 =	sld [smem:$0x3FAD]  }
0x31: {  	[smem:$0x3FB6] =	sst s10  }
0x32: {  	s10 =	sld [smem:$0x3FB4];
	_ =	sdelay $0x3  }
0x33: {  	p0 =	seq.s32 s10, $0x1;
	s10 =	sld [smem:$0x3FB6];
	_ =	sdelay $0x3  }
0x34: {  	[smem:$0x3FB6] =	sst s10  }
0x35: {  	s10 =	sld [smem:$0x3FB5];
	_ =	sdelay $0x3  }
0x36: {  	p1 =	seq.s32 s10, $0x1;
	s10 =	sld [smem:$0x3FB6];
	_ =	sdelay $0x3  }
0x37: {  	[smem:$0x3FB6] =	sst s10  }
0x38: {  	s10 =	sld [smem:$0x3FB7]  }
0x39: {  	_ = 	snop;
	(pc) =	sbr.ind lr, $3  }
0x3a: {  	_ = 	snop  }
0x3b: {  	_ = 	snop  }
0x3c: {  	p2 =	seq.s32 s10, $0x1;
	s10 =	sld [smem:$0x3FB6]  }
0x3d: {  	_ =	shalt  }
0x3e: {  	_ =	shalt  }
0x3f: {  	_ =	shalt  }
0x40: {  	_ =	shalt  }
0x41: {  	_ =	shalt  }
0x42: {  	_ =	shalt  }
0x43: {  	_ =	shalt  }
0x44: {  	_ =	shalt  }
0x45: {  	_ =	shalt  }
0x46: {  	_ =	shalt  }
0x47: {  	_ =	shalt  }
0x48: {  	_ =	shalt  }
0x49: {  	_ =	shalt  }
0x4a: {  	_ =	shalt  }
0x4b: {  	_ =	shalt  }
0x4c: {  	_ =	shalt  }
0x4d: {  	_ =	shalt  }
0x4e: {  	_ =	shalt  }
0x4f: {  	_ =	shalt  }
0x50: {  	_ =	shalt  }
0x51: {  	_ =	shalt  }
0x52: {  	_ =	shalt  }
0x53: {  	_ =	shalt  }
0x54: {  	_ =	shalt  }
0x55: {  	_ =	shalt  }
0x56: {  	_ =	shalt  }
0x57: {  	_ =	shalt  }
0x58: {  	_ =	shalt  }
0x59: {  	_ =	shalt  }
0x5a: {  	_ =	shalt  }
0x5b: {  	_ =	shalt  }
0x5c: {  	_ =	shalt  }
0x5d: {  	_ =	shalt  }
0x5e: {  	_ =	shalt  }
0x5f: {  	_ =	shalt  }
0x60: {  	_ =	shalt  }
0x61: {  	_ =	shalt  }
0x62: {  	_ =	shalt  }
0x63: {  	_ =	shalt  }
0x64: {  	_ =	shalt  }
0x65: {  	_ =	shalt  }
0x66: {  	_ =	shalt  }
0x67: {  	_ =	shalt  }
0x68: {  	_ =	shalt  }
0x69: {  	_ =	shalt  }
0x6a: {  	_ =	shalt  }
0x6b: {  	_ =	shalt  }
0x6c: {  	_ =	shalt  }
0x6d: {  	_ =	shalt  }
0x6e: {  	_ =	shalt  }
0x6f: {  	_ =	shalt  }
0x70: {  	_ =	shalt  }
0x71: {  	_ =	shalt  }
0x72: {  	_ =	shalt  }
0x73: {  	_ =	shalt  }
0x74: {  	_ =	shalt  }
0x75: {  	_ =	shalt  }
0x76: {  	_ =	shalt  }
0x77: {  	_ =	shalt  }
0x78: {  	_ =	shalt  }
0x79: {  	_ =	shalt  }
0x7a: {  	_ =	shalt  }
0x7b: {  	_ =	shalt  }
0x7c: {  	_ =	shalt  }
0x7d: {  	_ =	shalt  }
0x7e: {  	_ =	shalt  }
0x7f: {  	_ =	shalt  }
0x80: {  	_ =	shalt  }
0x81: {  	_ =	shalt  }
0x82: {  	_ =	shalt  }
0x83: {  	_ =	shalt  }
0x84: {  	_ =	shalt  }
0x85: {  	_ =	shalt  }
0x86: {  	_ =	shalt  }
0x87: {  	_ =	shalt  }
.Lfunc_end0:
.L_simem_size_0:
called_computation.2_lowered:
.L_overlay_start_0:
0x88: {  	s2 =	sld [smem:$0x3FD9]  }
0x89: {  	s3 =	sld [smem:$0x3FFE];
	_ =	sdelay $0x1  }
0x8a: {  	s1 =	srdreg.scid  }
0x8b: {  	s0 =	sand.u32 $0x1, s1  }
0x8c: {  	s17 =	sshll.u32 s0, $0xA;
	s2 =	sadd.s32 s3, s2  }
0x8d: {  	s2 =	sadd.s32 s2, s17  }
0x8e: {  	[smem:$0x3FC2] =	sst s2  }
0x8f: {  	_ = 	snop  }
0x90: {  	s2 =	sld [smem:$0x3FD0];
	(tm) =	ssettm $0x1  }
0x91: {  	s18 =	sld [smem:$0x3FFB];
	_ =	sdelay $0x3  }
0x92: {  	_ =	strace s18  }
0x93: {  	s3 =	sld [smem:$0x3FFC];
	_ =	sdelay $0x3  }
0x94: {  	_ =	strace s3  }
0x95: {  	s3 =	sld [smem:$0x3FFD];
	_ =	sdelay $0x3  }
0x96: {  	_ =	strace s3  }
0x97: {  	_ =	strace $0x8FFFFFFF  }
0x98: {  	s19 =	sld [smem:$0x3FDB];
	_ =	sdelay $0x1  }
0x99: {  	s4 =	simm.s32 $_scs_section_size  }
0x9a: {  	s5 =	simm.s32 $_size__tile_overlayer_lowered;
	s6 =	simm.s32 $_tile_overlayer_lowered  }
0x9b: {  	s22 =	simm.s32 $0x1BFF;
	s21 =	sshll.u32 s6, $0x1;
	s3 =	sadd.s32 s4, s19  }
0x9c: {  	s7 =	simm.s32 $0x0;
	s20 =	sshll.u32 s5, $0x1;
	s5 =	sadd.s32 s21, s3  }
0x9d: {  	[timem:s7], [sflag:s22] =	dma.local [hbm:s5], s20  }
0x9e: {  	_ =	swait.ge [sflag:s22], s20  }
0x9f: {  	s4 =	ssub.s32 $0x0, s20;
	[sflag:s22] =	ssyncset.done $0x0  }
0xa0: {  	[sflag:s22] =	ssyncadd.s32 s4;
	_ =	sdelay $0x1  }
0xa1: {  	s23 =	simm.s32 $0x1B8B  }
0xa2: {  	_ =	swait.ge [sflag:s23], $0x1  }
0xa3: {  	[sflag:s23] =	ssyncset.done $0x0  }
0xa4: {  	s25 =	simm.s32 $0x1B8E;
	s24 =	sld [smem:$0x3FFE];
	[sflag:s23] =	ssyncadd.s32 $0xFFFFFFFF  }
0xa5: {  	s26 =	simm.s32 $execute0_lowered;
	[smem:$0x3FD2] =	sst s25  }
0xa6: {  	s5 =	sshll.u32 s26, $0x1;
	_ =	strace $0x8000004C;
	[dreg:$0x1] =	wrdreg $0xFFFFFFFF  }
0xa7: {  	s28 =	simm.s32 $_size_execute0_lowered;
	s3 =	sadd.s32 s3, s5;
	[dreg:$0x0] =	wrdreg $0x0  }
0xa8: {  	s5 =	sshll.u32 s28, $0x1;
	[dreg:$0x2] =	wrdreg s3  }
0xa9: {  	[dreg:$0x3] =	wrdreg s5  }
0xaa: {  	[dreg:$0x4] =	wrdreg $0xC0  }
0xab: {  	_ =	task [dreg:s7], $0x5FFFF  }
0xac: {  	[dreg:$0x1] =	wrdreg $0xFFFFFFFF  }
0xad: {  	[dreg:$0x0] =	wrdreg $0x60  }
0xae: {  	[dreg:$0x2] =	wrdreg s2  }
0xaf: {  	[dreg:$0x3] =	wrdreg s24  }
0xb0: {  	[dreg:$0x4] =	wrdreg $0x0  }
0xb1: {  	[dreg:$0x5] =	wrdreg $0x9  }
0xb2: {  	_ =	task.clear_ibuf [dreg:s7], $0x6FFFF;
	_ =	strace $0x9000004C  }
0xb3: {  	s29 =	simm.s32 $0x9;
	_ =	strace $0x8000004E  }
0xb4: {  	_ =	swait.ge [sflag:s29], $0x1  }
0xb5: {  	[sflag:s29] =	ssyncadd.s32 $0xFFFFFFFF  }
0xb6: {  	_ =	strace $0x9000004E  }
0xb7: {  	_ =	sfence  }
0xb8: {  	s30 =	sld [smem:$0x0];
	_ =	sdelay $0x2  }
0xb9: {  	s31 =	sshll.u32 s1, $0xD;
	s1 =	sshrl.u32 s1, $0x2  }
0xba: {  	s3 =	sand.u32 $0x4000, s31;
	s1 =	sadd.s32 s1, s30  }
0xbb: {  	s0 =	sor.u32 s3, s0;
	s1 =	sshll.u32 s1, $0x11  }
0xbc: {  	s0 =	sor.u32 s1, s0  }
0xbd: {  	s0 =	sadd.s32 $0x8F2B, s0  }
0xbe: {  	[sflag:s0] =	ssyncadd.remote.s32 $0x1  }
0xbf: {  	_ =	sfence.sel $0xFFFF  }
0xc0: {  	[dreg:$0x0] =	wrdreg $0xFFFFFFFF;
	(pc) =	sbr.abs _section_cstart, $3  }
0xc1: {  	[dreg:$0x1] =	wrdreg $0xFFFFFFFF  }
0xc2: {  	_ =	task.clear_ibuf [dreg:s7], $0x2FFFF;
	_ =	strace $0x9FFFFFFF  }
0xc3: {  	(tm) =	ssettm $0x7FFFFFFF  }
tec
execute0_lowered:
.L_overlay_start_1:
0x0: {  	(tag) =	ssettag $0x1  }
0x1: {  	s1 =	rddreg [dreg:$0x0]  }
0x2: {  	s0 =	srdreg.scid;
	s5 =	rddreg [dreg:$0x1]  }
0x3: {  	s10 =	stileid.u32;
	s3 =	rddreg [dreg:$0x2]  }
0x4: {  	s4 =	simm.s32 $0x0;
	s30 =	simm.s32 $0x68B0;
	s12 =	simm.s32 $0x69A0  }
0x5: {  	s14 =	simm.s32 $0x69A0;
	s0 =	sand.u32 $0x1, s0;
	s7 =	smul.u32 $0x2710, s10  }
0x6: {  	s2 =	sshll.u32 s10, $0x1;
	[smem:$0x7FF] =	sst s4;
	s17 =	smul.u32 $0x4E20, s10  }
0x7: {  	s11 =	sadd.s32 $0x1800, s5;
	s20 =	smul.u32 $0x9C40, s10;
	s10 =	simm.s32 $0x6950  }
0x8: {  	s2 =	sor.u32 s0, s2;
	s6 =	smul.u32 $0x27100, s0;
	_ =	strace $0x8000004D  }
0x9: {  	s15 =	ssub.s32 $0x2, s0;
	s0 =	smul.u32 $0x2710, s0;
	[dreg:$0x4] =	wrdreg s11  }
0xa: {  	s2 =	smul.u32 $0x2710, s2;
	s9 =	sshrl.u32 s15, $0x1;
	s6 =	sadd.s32 s7, s6  }
0xb: {  	s16 =	ssub.s32 s15, s9;
	s0 =	sadd.s32 s0, s17;
	s9 =	simm.s32 $0x3110  }
0xc: {  	s15 =	simm.s32 $0x69F0;
	s17 =	simm.s32 $0xF;
	s7 =	simm.s32 $0x8  }
0xd: {  	s2 =	sshrl.u32 s2, $0x3;
	s6 =	sshrl.u32 s6, $0x3;
	s22 =	sadd.s32 $0x2D0, s0  }
0xe: {  	s23 =	smax.u32 s16, $0x1;
	s25 =	sadd.s32 $0x280, s0;
	s26 =	sadd.s32 $0x230, s0  }
0xf: {  	s28 =	sadd.s32 $0x1E0, s0;
	s0 =	sadd.s32 $0x190, s0;
	s16 =	simm.s32 $0x5  }
0x10: {  	s8 =	sadd.s32 s2, s5;
	s5 =	sadd.s32 s6, s5;
	[dreg:$0xc] =	wrdreg s23  }
0x11: {  	s18 =	sadd.s32 s11, s2;
	s24 =	sshrl.u32 s22, $0x3;
	[dreg:$0x11] =	wrdreg s0  }
0x12: {  	s31 =	sshrl.u32 s28, $0x3;
	s8 =	sadd.s32 $0xB600, s8;
	[dreg:$0x6] =	wrdreg s18  }
0x13: {  	s6 =	simm.s32 $0x41A0;
	s2 =	sadd.s32 $0xA, s18;
	[dreg:$0x5] =	wrdreg s8  }
0x14: {  	s22 =	simm.s32 $0x4010;
	s19 =	sadd.s32 $0x14, s18;
	[dreg:$0x7] =	wrdreg s2  }
0x15: {  	s23 =	simm.s32 $0x50;
	s21 =	sadd.s32 $0x1E, s18;
	[dreg:$0x8] =	wrdreg s19  }
0x16: {  	s5 =	sadd.s32 $0x15400, s5;
	[dreg:$0x9] =	wrdreg s21;
	s8 =	sadd.s32 $0x28, s18  }
0x17: {  	[dreg:$0xb] =	wrdreg s5;
	s2 =	sshrl.u32 s20, $0x2;
	s5 =	sshrl.u32 s26, $0x3  }
0x18: {  	s21 =	simm.s32 $0x10;
	s26 =	simm.s32 $0x6900;
	s18 =	simm.s32 $0x6  }
0x19: {  	s19 =	simm.s32 $0x7;
	[dreg:$0xa] =	wrdreg s8;
	s13 =	sadd.s32 s2, s3  }
.Ltmp0:
0x1a: {  	s2 =	sadd.s32 s24, s11;
	s29 =	sadd.s32 s5, s11;
	(pc) =	sbr.rel .LBB2_1-.Ltmp0, $4  }
0x1b: {  	s8 =	simm.s32 $0x2C10;
	[dreg:$0xd] =	wrdreg s2;
	s2 =	sshrl.u32 s25, $0x3  }
0x1c: {  	s5 =	simm.s32 $0x9;
	[dreg:$0xf] =	wrdreg s29;
	s2 =	sadd.s32 s2, s11  }
0x1d: {  	s24 =	simm.s32 $0xA;
	[dreg:$0xe] =	wrdreg s2;
	s2 =	sadd.s32 s31, s11  }
0x1e: {  	v0 =	vimm.f32 $0.0e+00;
	s11 =	simm.s32 $0x3610;
	[dreg:$0x10] =	wrdreg s2;
	s2 =	simm.s32 $0x0  }
.LBB2_6:
0x1f: {  	_ =	swait.ge [sflag:s19], $0x500  }
0x20: {  	[sflag:s19] =	ssyncset.done $0x0  }
0x21: {  	[sflag:s19] =	ssyncadd.s32 $0xFFFFFB00  }
0x22: {  	_ =	swait.ge [sflag:s7], $0x500  }
0x23: {  	[sflag:s7] =	ssyncset.done $0x0  }
0x24: {  	[sflag:s7] =	ssyncadd.s32 $0xFFFFFB00  }
0x25: {  	_ =	swait.ge [sflag:s5], $0x500  }
0x26: {  	[sflag:s5] =	ssyncset.done $0x0  }
0x27: {  	[sflag:s5] =	ssyncadd.s32 $0xFFFFFB00  }
0x28: {  	_ =	swait.ge [sflag:s24], $0x500  }
0x29: {  	[sflag:s24] =	ssyncset.done $0x0  }
0x2a: {  	s0 =	stileid.u32;
	[sflag:s24] =	ssyncadd.s32 $0xFFFFFB00  }
0x2b: {  	s0 =	sshll.u32 s0, $0x6;
	[bflag:$0x0] =	sbarrier.arrive $0xFFFF  }
0x2c: {  	s2 =	sshrl.u32 s13, $0x3;
	s0 =	sor.u32 $0x1C10, s0;
	s6 =	rddreg [dreg:$0xb]  }
0x2d: {  	[hbm:s6], [sflag:s0] =	dma.local [spmem:s2], $0x4E2  }
0x2e: {  	_ =	swait.ge [sflag:s21], $0x4E2  }
0x2f: {  	s29 =	rddreg [dreg:$0x12]  }
0x30: {  	s31 =	rddreg [dreg:$0xc];
	s2 =	sadd.s32 $0x1, s29  }
0x31: {  	p0 =	sne.s32 s2, s31  }
.Ltmp1:
0x32: {  	_ = 	snop;
	(pc) =	sbr.rel @!p0 .LBB2_7-.Ltmp1, $4  }
0x33: {  	_ = 	snop  }
0x34: {  	s26 =	simm.s32 $0x6900;
	s9 =	simm.s32 $0x3110;
	s10 =	simm.s32 $0x6950  }
0x35: {  	s11 =	simm.s32 $0x3610;
	s12 =	simm.s32 $0x69A0;
	[sflag:s21] =	ssyncset.done $0x0  }
0x36: {  	s15 =	simm.s32 $0x69F0;
	s6 =	simm.s32 $0x41A0;
	[sflag:s21] =	ssyncadd.s32 $0xFFFFFB1E  }
.LBB2_1:
0x37: {  	[dreg:$0x12] =	wrdreg s2  }
0x38: {  	s0 =	rddreg [dreg:$0x5]  }
0x39: {  	[tilespmem:s6], [sflag:$0x10] =	stream.linear.gather [hbm4b:s0+s4], $0x2710, $0x38;
	[tilespmem:$0x6A40] =	vst v63  }
0x3a: {  	_ =	swait.ge [sflag:s21], $0x2710  }
0x3b: {  	[sflag:s21] =	ssyncset.done $0x0  }
0x3c: {  	[sflag:s21] =	ssyncadd.s32 $0xFFFFD8F0  }
0x3d: {  	[tilespmem:$0x4010] =	vst v0  }
0x3e: {  	[tilespmem:$0x4020] =	vst v0  }
0x3f: {  	[tilespmem:$0x4030] =	vst v0  }
0x40: {  	[tilespmem:$0x4040] =	vst v0  }
0x41: {  	[tilespmem:$0x4050] =	vst v0  }
0x42: {  	[tilespmem:$0x4060] =	vst v0  }
0x43: {  	[tilespmem:$0x4070] =	vst v0  }
0x44: {  	[tilespmem:$0x4080] =	vst v0  }
0x45: {  	[tilespmem:$0x4090] =	vst v0  }
0x46: {  	[tilespmem:$0x40A0] =	vst v0  }
0x47: {  	[tilespmem:$0x40B0] =	vst v0  }
0x48: {  	[tilespmem:$0x40C0] =	vst v0  }
0x49: {  	[tilespmem:$0x40D0] =	vst v0  }
0x4a: {  	[tilespmem:$0x40E0] =	vst v0  }
0x4b: {  	[tilespmem:$0x40F0] =	vst v0  }
0x4c: {  	[tilespmem:$0x4100] =	vst v0  }
0x4d: {  	[tilespmem:$0x4110] =	vst v0  }
0x4e: {  	[tilespmem:$0x4120] =	vst v0  }
0x4f: {  	[tilespmem:$0x4130] =	vst v0  }
0x50: {  	[tilespmem:$0x4140] =	vst v0  }
0x51: {  	[tilespmem:$0x4150] =	vst v0  }
0x52: {  	[tilespmem:$0x4160] =	vst v0  }
0x53: {  	[tilespmem:$0x4170] =	vst v0  }
0x54: {  	[tilespmem:$0x4180] =	vst v0  }
0x55: {  	s31 =	sadd.s32 $0x0, s13;
	[tilespmem:$0x4190] =	vst v0  }
0x56: {  	[spmem:s31] =	stream.linear.scatter [tilespmem:s22], [sflag:$0x10], $0x190, $0x38;
	[tilespmem:$0x6A40] =	vst v63  }
0x57: {  	s2 =	simm.s32 $0x640;
	_ =	swait.ge [sflag:s21], $0x190  }
.LBB2_2:
0x58: {  	s25 =	sshra.s32 s2, $0x2;
	[sflag:s21] =	ssyncset.done $0x0;
	p0 =	sne.s32 s2, $0x9600  }
.Ltmp2:
0x59: {  	s25 =	sadd.s32 s25, s13;
	[sflag:s21] =	ssyncadd.s32 $0xFFFFFE70;
	(pc) =	sbr.rel @p0 .LBB2_2-.Ltmp2, $3  }
0x5a: {  	[spmem:s25] =	stream.linear.scatter [tilespmem:s22], [sflag:$0x10], $0x190, $0x38;
	[tilespmem:$0x6A40] =	vst v63  }
0x5b: {  	s2 =	sadd.s32 $0x640, s2;
	_ =	sdelay $0x1  }
0x5c: {  	_ =	swait.ge [sflag:s21], $0x190  }
0x5d: {  	[sflag:s21] =	ssyncset.done $0x0  }
0x5e: {  	[sflag:s21] =	ssyncadd.s32 $0xFFFFFE70  }
0x5f: {  	s0 =	simm.s32 $0x2710;
	[bflag:$0x0] =	sbarrier.arrive $0xFFFF  }
0x60: {  	[tilespmem:s0], [sflag:$0x1] =	stream.indirect.gather [hbm4b:s1+s23], $0x10, s6, s23, $0xb8;
	[tilespmem:$0x6A40] =	vst v63  }
0x61: {  	s25 =	simm.s32 $0x0;
	s20 =	rddreg [dreg:$0x6]  }
0x62: {  	[tilespmem:s30], [sflag:$0xB] =	stream.linear.gather [hbm4b:s20+s25], $0x50, $0x38;
	[tilespmem:$0x6A40] =	vst v63  }
0x63: {  	s2 =	simm.s32 $0x41F0;
	s28 =	rddreg [dreg:$0x11]  }
0x64: {  	[tilespmem:s8], [sflag:$0x2] =	stream.indirect.gather [hbm4b:s1+s23], $0x10, s2, s23, $0xb8;
	[tilespmem:$0x6A40] =	vst v63  }
0x65: {  	s20 =	rddreg [dreg:$0x7]  }
0x66: {  	[tilespmem:s26], [sflag:$0xC] =	stream.linear.gather [hbm4b:s20+s25], $0x50, $0x38;
	[tilespmem:$0x6A40] =	vst v63  }
0x67: {  	s29 =	rddreg [dreg:$0x10];
	s2 =	simm.s32 $0x4240  }
0x68: {  	[tilespmem:s9], [sflag:$0x3] =	stream.indirect.gather [hbm4b:s1+s23], $0x10, s2, s23, $0xb8;
	[tilespmem:$0x6A40] =	vst v63  }
0x69: {  	s9 =	rddreg [dreg:$0x8]  }
0x6a: {  	[tilespmem:s10], [sflag:$0xD] =	stream.linear.gather [hbm4b:s9+s25], $0x50, $0x38;
	[tilespmem:$0x6A40] =	vst v63  }
0x6b: {  	s31 =	rddreg [dreg:$0xf];
	s10 =	simm.s32 $0x4290  }
0x6c: {  	[tilespmem:s11], [sflag:$0x4] =	stream.indirect.gather [hbm4b:s1+s23], $0x10, s10, s23, $0xb8;
	[tilespmem:$0x6A40] =	vst v63  }
0x6d: {  	s6 =	simm.s32 $0x2710;
	s0 =	simm.s32 $0x3B10;
	s11 =	rddreg [dreg:$0x9]  }
0x6e: {  	[tilespmem:s12], [sflag:$0xE] =	stream.linear.gather [hbm4b:s11+s25], $0x50, $0x38;
	[tilespmem:$0x6A40] =	vst v63  }
0x6f: {  	s20 =	simm.s32 $0x42E0;
	s26 =	rddreg [dreg:$0xa];
	s2 =	simm.s32 $0x3B10  }
0x70: {  	[tilespmem:s2], [sflag:$0x5] =	stream.indirect.gather [hbm4b:s1+s23], $0x10, s20, s23, $0xb8;
	[tilespmem:$0x6A40] =	vst v63  }
0x71: {  	s9 =	simm.s32 $0x6900;
	s10 =	simm.s32 $0x3110;
	s2 =	rddreg [dreg:$0xe]  }
0x72: {  	[tilespmem:s15], [sflag:$0xF] =	stream.linear.gather [hbm4b:s26+s25], $0x50, $0x38;
	[tilespmem:$0x6A40] =	vst v63  }
0x73: {  	s12 =	simm.s32 $0x3610;
	s11 =	simm.s32 $0x6950;
	s26 =	rddreg [dreg:$0xd]  }
.LBB2_4:
0x74: {  	s20 =	simm.s32 $0x1  }
0x75: {  	_ =	swait.ge [sflag:s20], $0x500  }
0x76: {  	[sflag:s20] =	ssyncset.done $0x0  }
0x77: {  	[sflag:s20] =	ssyncadd.s32 $0xFFFFFB00;
	s20 =	simm.s32 $0xB  }
0x78: {  	_ =	swait.ge [sflag:s20], $0x50  }
0x79: {  	[sflag:s20] =	ssyncset.done $0x0  }
0x7a: {  	[sflag:s20] =	ssyncadd.s32 $0xFFFFFFB0;
	s20 =	simm.s32 $0x2  }
0x7b: {  	[spmem:s3] =	stream.indirect.scatter.add.f32 [tilespmem:s6], [sflag:$0x6], $0x10, s30, s23, $0xb8;
	[tilespmem:$0x6A40] =	vst v63  }
0x7c: {  	_ =	swait.ge [sflag:s20], $0x500  }
0x7d: {  	[sflag:s20] =	ssyncset.done $0x0  }
0x7e: {  	[sflag:s20] =	ssyncadd.s32 $0xFFFFFB00;
	s20 =	simm.s32 $0xC  }
0x7f: {  	_ =	swait.ge [sflag:s20], $0x50  }
0x80: {  	[sflag:s20] =	ssyncset.done $0x0  }
0x81: {  	[sflag:s20] =	ssyncadd.s32 $0xFFFFFFB0;
	s20 =	simm.s32 $0x3  }
0x82: {  	[spmem:s3] =	stream.indirect.scatter.add.f32 [tilespmem:s8], [sflag:$0x7], $0x10, s9, s23, $0xb8;
	[tilespmem:$0x6A40] =	vst v63  }
0x83: {  	_ =	swait.ge [sflag:s20], $0x500  }
0x84: {  	[sflag:s20] =	ssyncset.done $0x0  }
0x85: {  	[sflag:s20] =	ssyncadd.s32 $0xFFFFFB00;
	s20 =	simm.s32 $0xD  }
0x86: {  	_ =	swait.ge [sflag:s20], $0x50  }
0x87: {  	[sflag:s20] =	ssyncset.done $0x0  }
0x88: {  	[sflag:s20] =	ssyncadd.s32 $0xFFFFFFB0;
	s20 =	simm.s32 $0x4  }
0x89: {  	[spmem:s3] =	stream.indirect.scatter.add.f32 [tilespmem:s10], [sflag:$0x8], $0x10, s11, s23, $0xb8;
	[tilespmem:$0x6A40] =	vst v63  }
0x8a: {  	_ =	swait.ge [sflag:s20], $0x500  }
0x8b: {  	[sflag:s20] =	ssyncset.done $0x0  }
0x8c: {  	[sflag:s20] =	ssyncadd.s32 $0xFFFFFB00;
	s20 =	simm.s32 $0xE  }
0x8d: {  	_ =	swait.ge [sflag:s20], $0x50  }
0x8e: {  	[sflag:s20] =	ssyncset.done $0x0  }
0x8f: {  	[sflag:s20] =	ssyncadd.s32 $0xFFFFFFB0  }
0x90: {  	[spmem:s3] =	stream.indirect.scatter.add.f32 [tilespmem:s12], [sflag:$0x9], $0x10, s14, s23, $0xb8;
	[tilespmem:$0x6A40] =	vst v63  }
0x91: {  	_ =	swait.ge [sflag:s16], $0x500  }
0x92: {  	[sflag:s16] =	ssyncset.done $0x0  }
0x93: {  	[sflag:s16] =	ssyncadd.s32 $0xFFFFFB00  }
0x94: {  	_ =	swait.ge [sflag:s17], $0x50  }
0x95: {  	p0 =	seq.s32 s25, $0x9600;
	[sflag:s17] =	ssyncset.done $0x0  }
.Ltmp3:
0x96: {  	[sflag:s17] =	ssyncadd.s32 $0xFFFFFFB0;
	(pc) =	sbr.rel @p0 .LBB2_6-.Ltmp3, $4  }
0x97: {  	[spmem:s3] =	stream.indirect.scatter.add.f32 [tilespmem:s0], [sflag:$0xA], $0x10, s15, s23, $0xb8;
	[tilespmem:$0x6A40] =	vst v63  }
0x98: {  	_ =	swait.ge [sflag:s18], $0x500  }
0x99: {  	[sflag:s18] =	ssyncset.done $0x0  }
0x9a: {  	s20 =	simm.s32 $0x69F0;
	s15 =	simm.s32 $0x3B10;
	[sflag:s18] =	ssyncadd.s32 $0xFFFFFB00  }
0x9b: {  	s30 =	sshra.s32 s25, $0x2  }
0x9c: {  	s0 =	sadd.s32 $0x4330, s30  }
0x9d: {  	[tilespmem:s6], [sflag:$0x1] =	stream.indirect.gather [hbm4b:s1+s23], $0x10, s0, s23, $0xb8;
	[tilespmem:$0x6A40] =	vst v63  }
0x9e: {  	s0 =	sshrl.u32 s28, $0x3;
	s6 =	rddreg [dreg:$0x4]  }
0x9f: {  	s8 =	simm.s32 $0x68B0;
	s0 =	sadd.s32 s6, s0  }
0xa0: {  	[tilespmem:s8], [sflag:$0xB] =	stream.linear.gather [hbm4b:s0+s4], $0x50, $0x38;
	[tilespmem:$0x6A40] =	vst v63  }
0xa1: {  	_ =	swait.ge [sflag:s19], $0x500  }
0xa2: {  	[sflag:s19] =	ssyncset.done $0x0  }
0xa3: {  	s8 =	simm.s32 $0x2C10;
	s0 =	sadd.s32 $0x4380, s30;
	[sflag:s19] =	ssyncadd.s32 $0xFFFFFB00  }
0xa4: {  	[tilespmem:s8], [sflag:$0x2] =	stream.indirect.gather [hbm4b:s1+s23], $0x10, s0, s23, $0xb8;
	[tilespmem:$0x6A40] =	vst v63  }
0xa5: {  	_ = 	snop  }
0xa6: {  	[tilespmem:s9], [sflag:$0xC] =	stream.linear.gather [hbm4b:s29+s4], $0x50, $0x38;
	[tilespmem:$0x6A40] =	vst v63  }
0xa7: {  	_ =	swait.ge [sflag:s7], $0x500  }
0xa8: {  	[sflag:s7] =	ssyncset.done $0x0  }
0xa9: {  	s0 =	sadd.s32 $0x43D0, s30;
	[sflag:s7] =	ssyncadd.s32 $0xFFFFFB00  }
0xaa: {  	[tilespmem:s10], [sflag:$0x3] =	stream.indirect.gather [hbm4b:s1+s23], $0x10, s0, s23, $0xb8;
	[tilespmem:$0x6A40] =	vst v63  }
0xab: {  	_ = 	snop  }
0xac: {  	[tilespmem:s11], [sflag:$0xD] =	stream.linear.gather [hbm4b:s31+s4], $0x50, $0x38;
	[tilespmem:$0x6A40] =	vst v63  }
0xad: {  	_ =	swait.ge [sflag:s5], $0x500  }
0xae: {  	[sflag:s5] =	ssyncset.done $0x0  }
0xaf: {  	s0 =	sadd.s32 $0x4420, s30;
	[sflag:s5] =	ssyncadd.s32 $0xFFFFFB00  }
0xb0: {  	[tilespmem:s12], [sflag:$0x4] =	stream.indirect.gather [hbm4b:s1+s23], $0x10, s0, s23, $0xb8;
	[tilespmem:$0x6A40] =	vst v63  }
0xb1: {  	_ = 	snop  }
0xb2: {  	[tilespmem:s14], [sflag:$0xE] =	stream.linear.gather [hbm4b:s2+s4], $0x50, $0x38;
	[tilespmem:$0x6A40] =	vst v63  }
0xb3: {  	s25 =	sadd.s32 $0x640, s25;
	s28 =	sadd.s32 $0x190, s28;
	_ =	swait.ge [sflag:s24], $0x500  }
0xb4: {  	s6 =	simm.s32 $0x2710;
	s29 =	sadd.s32 $0x32, s29;
	[sflag:s24] =	ssyncset.done $0x0  }
.Ltmp4:
0xb5: {  	s0 =	sadd.s32 $0x4470, s30;
	[sflag:s24] =	ssyncadd.s32 $0xFFFFFB00;
	(pc) =	sbr.rel .LBB2_4-.Ltmp4, $4  }
0xb6: {  	[tilespmem:s15], [sflag:$0x5] =	stream.indirect.gather [hbm4b:s1+s23], $0x10, s0, s23, $0xb8;
	[tilespmem:$0x6A40] =	vst v63  }
0xb7: {  	s31 =	sadd.s32 $0x32, s31;
	s30 =	simm.s32 $0x68B0;
	s2 =	sadd.s32 $0x32, s2  }
0xb8: {  	[tilespmem:s20], [sflag:$0xF] =	stream.linear.gather [hbm4b:s26+s4], $0x50, $0x38;
	[tilespmem:$0x6A40] =	vst v63  }
0xb9: {  	s0 =	simm.s32 $0x3B10;
	s15 =	simm.s32 $0x69F0;
	s26 =	sadd.s32 $0x32, s26  }
.LBB2_7:
0xba: {  	_ =	sfence.sel $0x180000  }
0xbb: {  	[bflag:$0x0] =	sbarrier.arrive $0xFFFF  }
0xbc: {  	_ =	strace $0x9000004D  }
0xbd: {  	s0 =	stileid.u32;
	[bflag:$0x2] =	sbarrier.arrive $0xFFFF  }
0xbe: {  	p0 =	sne.s32 s0, $0x0;
	s0 =	rddreg [dreg:$0x3]  }
0xbf: {  	s0 =	sadd.s32 @!p0 $0x100000, s0  }
0xc0: {  	[sflag:s0] =	ssyncadd.tile.s32 @!p0 $0x1;
	_ =	shalt  }
.Lfunc_end2:
_tile_overlayer_lowered:
.L_overlay_start_2:
0xc1: {  	(tag) =	ssettag $0x2  }
0xc2: {  	s0 =	rddreg [dreg:$0x0];
	s2 =	stileid.u32  }
0xc3: {  	s1 =	rddreg [dreg:$0x1];
	p0 =	sne.s32 s2, $0x0  }
0xc4: {  	s3 =	rddreg [dreg:$0x2];
	[bflag:$0x3] =	sbarrier.arrive $0xFFFF;
	s2 =	simm.s32 @!p0 $0x1C10  }
0xc5: {  	[timem:s3], [sflag:s2] =	dma.local @!p0 [hbm:s0], s1  }
0xc6: {  	s0 =	simm.s32 @!p0 $0x10  }
0xc7: {  	_ =	swait.ge @!p0 [sflag:s0], s1  }
0xc8: {  	s1 =	ssub.s32 @!p0 $0x0, s1;
	[sflag:s0] =	ssyncset.done @!p0 $0x0  }
0xc9: {  	[sflag:s0] =	ssyncadd.s32 @!p0 s1  }
0xca: {  	[bflag:$0x3] =	sbarrier.arrive $0xFFFF  }
0xcb: {  	_ =	shalt  }

// kernel: kernel.9.cloned.1.call-start
scs
__scs_entry_jumppad:
0x0: {  	(pc) =	sbr.rel $0x88, $3  }
0x1: {  	(tag) =	ssettag $0x0;
	lr =	simm.s32 $0x1  }
0x2: {  	[smem:$0x3F9B] =	sst lr;
	_ =	strace $0xD0000000  }
0x3: {  	_ = 	snop  }
0x4: {  	_ = 	snop  }
0x5: {  	_ = 	snop  }
0x6: {  	_ = 	snop  }
0x7: {  	_ = 	snop  }
__scs_overlays_trampoline_lowered:
0x8: {  	[smem:$0x3FAA] =	sst s0  }
0x9: {  	[smem:$0x3FAB] =	sst s1  }
0xa: {  	[smem:$0x3FAC] =	sst s2  }
0xb: {  	[smem:$0x3FAD] =	sst s3  }
0xc: {  	[smem:$0x3FAE] =	sst s4  }
0xd: {  	[smem:$0x3FAF] =	sst s5  }
0xe: {  	[smem:$0x3FB0] =	sst s6  }
0xf: {  	[smem:$0x3FB1] =	sst s7  }
0x10: {  	[smem:$0x3FB2] =	sst s8  }
0x11: {  	[smem:$0x3FB3] =	sst s9;
	s0 =	simm.s32 @!p0 $0x0  }
0x12: {  	s1 =	sld [smem:$0x3F99];
	s0 =	simm.s32 @p0 $0x1  }
0x13: {  	[smem:$0x3FB4] =	sst s0;
	s0 =	simm.s32 @!p1 $0x0  }
0x14: {  	s2 =	sld [smem:$0x3F98];
	s0 =	simm.s32 @p1 $0x1  }
0x15: {  	[smem:$0x3FB5] =	sst s0;
	s0 =	simm.s32 @!p2 $0x0  }
0x16: {  	s3 =	sld [smem:$0x3FDB];
	s0 =	simm.s32 @p2 $0x1  }
0x17: {  	s4 =	simm.s32 $0x1BF5;
	[smem:$0x3FB7] =	sst s0  }
0x18: {  	s0 =	sld [smem:$0x3F9A];
	_ =	swait.ge [sflag:s4], $0x0  }
0x19: {  	s7 =	sld [smem:$0x3F9B]  }
0x1a: {  	s8 =	sadd.s32 $0xFFFFE003, lr  }
0x1b: {  	s9 =	sadd.s32 $0xFFFFFEF7, lr;
	s5 =	simm.s32 $0xFFFFFFFF;
	p2 =	slt.u32 s8, $0xFFFFF086  }
0x1c: {  	p1 =	slt.u32 s9, $0xF7A;
	s5 =	simm.s32 @!p2 $0x0  }
0x1d: {  	s5 =	simm.s32 @p1 $0x1;
	p0 =	seq.s32 s7, s2  }
0x1e: {  	s7 =	smul.u32 @!p0 $0xF7A, s2;
	p2 =	seq.s32 @!p0 s5, $0x0  }
0x1f: {  	s9 =	smul.u32 $0xF7A, s1;
	s8 =	simm.s32 @!p0 $0x1BF5;
	p2 =	por !p2, p0  }
0x20: {  	[sflag:s8] =	ssyncset.s32 @!p0 $0xFFFFF086;
	s6 =	sadd.s32 @!p0 s3, s7;
	s7 =	simm.s32 @!p0 $0x108  }
0x21: {  	s3 =	sadd.s32 s3, s9;
	s6 =	sadd.s32 @!p0 $0x88, s6;
	s7 =	simm.s32 @p2 $0x1082  }
0x22: {  	[simem:s7], [sflag:s8] =	dma.local @!p0 [hbm:s6], $0xF7A  }
0x23: {  	s9 =	sor.u32 $0xD0000000, s2;
	s6 =	simm.s32 $0x108;
	_ =	swait.ge @!p0 [sflag:s8], $0x0  }
0x24: {  	s3 =	sadd.s32 $0x88, s3;
	s6 =	simm.s32 @!p1 $0x1082;
	[sflag:s4] =	ssyncset.s32 $0xFFFFF086  }
0x25: {  	[simem:s6], [sflag:s4] =	dma.local [hbm:s3], $0xF7A  }
0x26: {  	[smem:$0x3F9B] =	sst s1;
	(tag) =	ssettag s2;
	_ =	strace s9  }
0x27: {  	s1 =	sld [smem:$0x3FAB]  }
0x28: {  	s2 =	sld [smem:$0x3FAC]  }
0x29: {  	s4 =	sld [smem:$0x3FAE]  }
0x2a: {  	p0 =	seq.s32 s5, $0x0;
	s5 =	sld [smem:$0x3FAF]  }
0x2b: {  	s6 =	sld [smem:$0x3FB0]  }
0x2c: {  	s7 =	sld [smem:$0x3FB1]  }
0x2d: {  	s3 =	simm.s32 $0x108;
	s8 =	sld [smem:$0x3FB2]  }
0x2e: {  	s3 =	simm.s32 @!p0 $0x1082;
	s9 =	sld [smem:$0x3FB3]  }
0x2f: {  	lr =	sadd.s32 s0, s3;
	s0 =	sld [smem:$0x3FAA]  }
0x30: {  	s3 =	sld [smem:$0x3FAD]  }
0x31: {  	[smem:$0x3FB6] =	sst s10  }
0x32: {  	s10 =	sld [smem:$0x3FB4];
	_ =	sdelay $0x3  }
0x33: {  	p0 =	seq.s32 s10, $0x1;
	s10 =	sld [smem:$0x3FB6];
	_ =	sdelay $0x3  }
0x34: {  	[smem:$0x3FB6] =	sst s10  }
0x35: {  	s10 =	sld [smem:$0x3FB5];
	_ =	sdelay $0x3  }
0x36: {  	p1 =	seq.s32 s10, $0x1;
	s10 =	sld [smem:$0x3FB6];
	_ =	sdelay $0x3  }
0x37: {  	[smem:$0x3FB6] =	sst s10  }
0x38: {  	s10 =	sld [smem:$0x3FB7]  }
0x39: {  	_ = 	snop;
	(pc) =	sbr.ind lr, $3  }
0x3a: {  	_ = 	snop  }
0x3b: {  	_ = 	snop  }
0x3c: {  	p2 =	seq.s32 s10, $0x1;
	s10 =	sld [smem:$0x3FB6]  }
0x3d: {  	_ =	shalt  }
0x3e: {  	_ =	shalt  }
0x3f: {  	_ =	shalt  }
0x40: {  	_ =	shalt  }
0x41: {  	_ =	shalt  }
0x42: {  	_ =	shalt  }
0x43: {  	_ =	shalt  }
0x44: {  	_ =	shalt  }
0x45: {  	_ =	shalt  }
0x46: {  	_ =	shalt  }
0x47: {  	_ =	shalt  }
0x48: {  	_ =	shalt  }
0x49: {  	_ =	shalt  }
0x4a: {  	_ =	shalt  }
0x4b: {  	_ =	shalt  }
0x4c: {  	_ =	shalt  }
0x4d: {  	_ =	shalt  }
0x4e: {  	_ =	shalt  }
0x4f: {  	_ =	shalt  }
0x50: {  	_ =	shalt  }
0x51: {  	_ =	shalt  }
0x52: {  	_ =	shalt  }
0x53: {  	_ =	shalt  }
0x54: {  	_ =	shalt  }
0x55: {  	_ =	shalt  }
0x56: {  	_ =	shalt  }
0x57: {  	_ =	shalt  }
0x58: {  	_ =	shalt  }
0x59: {  	_ =	shalt  }
0x5a: {  	_ =	shalt  }
0x5b: {  	_ =	shalt  }
0x5c: {  	_ =	shalt  }
0x5d: {  	_ =	shalt  }
0x5e: {  	_ =	shalt  }
0x5f: {  	_ =	shalt  }
0x60: {  	_ =	shalt  }
0x61: {  	_ =	shalt  }
0x62: {  	_ =	shalt  }
0x63: {  	_ =	shalt  }
0x64: {  	_ =	shalt  }
0x65: {  	_ =	shalt  }
0x66: {  	_ =	shalt  }
0x67: {  	_ =	shalt  }
0x68: {  	_ =	shalt  }
0x69: {  	_ =	shalt  }
0x6a: {  	_ =	shalt  }
0x6b: {  	_ =	shalt  }
0x6c: {  	_ =	shalt  }
0x6d: {  	_ =	shalt  }
0x6e: {  	_ =	shalt  }
0x6f: {  	_ =	shalt  }
0x70: {  	_ =	shalt  }
0x71: {  	_ =	shalt  }
0x72: {  	_ =	shalt  }
0x73: {  	_ =	shalt  }
0x74: {  	_ =	shalt  }
0x75: {  	_ =	shalt  }
0x76: {  	_ =	shalt  }
0x77: {  	_ =	shalt  }
0x78: {  	_ =	shalt  }
0x79: {  	_ =	shalt  }
0x7a: {  	_ =	shalt  }
0x7b: {  	_ =	shalt  }
0x7c: {  	_ =	shalt  }
0x7d: {  	_ =	shalt  }
0x7e: {  	_ =	shalt  }
0x7f: {  	_ =	shalt  }
0x80: {  	_ =	shalt  }
0x81: {  	_ =	shalt  }
0x82: {  	_ =	shalt  }
0x83: {  	_ =	shalt  }
0x84: {  	_ =	shalt  }
0x85: {  	_ =	shalt  }
0x86: {  	_ =	shalt  }
0x87: {  	_ =	shalt  }
.Lfunc_end0:
.L_simem_size_0:
called_computation_lowered:
.L_overlay_start_0:
0x88: {  	s2 =	sld [smem:$0x3FD9]  }
0x89: {  	s3 =	sld [smem:$0x3FFE];
	_ =	sdelay $0x1  }
0x8a: {  	s1 =	srdreg.scid  }
0x8b: {  	s0 =	sand.u32 $0x1, s1  }
0x8c: {  	s16 =	sshll.u32 s0, $0xA;
	s2 =	sadd.s32 s3, s2  }
0x8d: {  	s2 =	sadd.s32 s2, s16  }
0x8e: {  	[smem:$0x3FC2] =	sst s2  }
0x8f: {  	_ = 	snop  }
0x90: {  	(tm) =	ssettm $0x1  }
0x91: {  	s17 =	sld [smem:$0x3FFB];
	_ =	sdelay $0x3  }
0x92: {  	_ =	strace s17  }
0x93: {  	s2 =	sld [smem:$0x3FFC];
	_ =	sdelay $0x3  }
0x94: {  	_ =	strace s2  }
0x95: {  	s2 =	sld [smem:$0x3FFD];
	_ =	sdelay $0x3  }
0x96: {  	_ =	strace s2  }
0x97: {  	_ =	strace $0x8FFFFFFF  }
0x98: {  	s18 =	sld [smem:$0x3FDB];
	_ =	sdelay $0x1  }
0x99: {  	s19 =	simm.s32 $_scs_section_size  }
0x9a: {  	s4 =	simm.s32 $_size__tile_overlayer_lowered;
	s5 =	simm.s32 $_tile_overlayer_lowered  }
0x9b: {  	s22 =	simm.s32 $0x1BFF;
	s21 =	sshll.u32 s5, $0x1;
	s2 =	sadd.s32 s19, s18  }
0x9c: {  	s6 =	simm.s32 $0x0;
	s20 =	sshll.u32 s4, $0x1;
	s4 =	sadd.s32 s21, s2  }
0x9d: {  	[timem:s6], [sflag:s22] =	dma.local [hbm:s4], s20  }
0x9e: {  	_ =	swait.ge [sflag:s22], s20  }
0x9f: {  	s3 =	ssub.s32 $0x0, s20;
	[sflag:s22] =	ssyncset.done $0x0  }
0xa0: {  	[sflag:s22] =	ssyncadd.s32 s3;
	_ =	sdelay $0x1  }
0xa1: {  	s23 =	simm.s32 $0x1B8B  }
0xa2: {  	_ =	swait.ge [sflag:s23], $0x1  }
0xa3: {  	[sflag:s23] =	ssyncset.done $0x0  }
0xa4: {  	s25 =	simm.s32 $0x1B8E;
	s24 =	sld [smem:$0x3FFE];
	[sflag:s23] =	ssyncadd.s32 $0xFFFFFFFF  }
0xa5: {  	s26 =	simm.s32 $execute0_lowered;
	[smem:$0x3FD2] =	sst s25  }
0xa6: {  	s4 =	sshll.u32 s26, $0x1;
	_ =	strace $0x80000046;
	[dreg:$0x1] =	wrdreg $0xFFFFFFFF  }
0xa7: {  	s28 =	simm.s32 $_size_execute0_lowered;
	s2 =	sadd.s32 s2, s4;
	[dreg:$0x0] =	wrdreg $0x0  }
0xa8: {  	s4 =	sshll.u32 s28, $0x1;
	[dreg:$0x2] =	wrdreg s2  }
0xa9: {  	[dreg:$0x3] =	wrdreg s4  }
0xaa: {  	[dreg:$0x4] =	wrdreg $0xC0  }
0xab: {  	_ =	task [dreg:s6], $0x5FFFF  }
0xac: {  	[dreg:$0x1] =	wrdreg $0xFFFFFFFF  }
0xad: {  	[dreg:$0x0] =	wrdreg $0x60  }
0xae: {  	[dreg:$0x2] =	wrdreg s24  }
0xaf: {  	[dreg:$0x3] =	wrdreg $0x0  }
0xb0: {  	[dreg:$0x4] =	wrdreg $0x27100  }
0xb1: {  	[dreg:$0x5] =	wrdreg $0x9  }
0xb2: {  	_ =	task.clear_ibuf [dreg:s6], $0x6FFFF;
	_ =	strace $0x90000046  }
0xb3: {  	s29 =	simm.s32 $0x9;
	_ =	strace $0x80000048  }
0xb4: {  	_ =	swait.ge [sflag:s29], $0x1  }
0xb5: {  	[sflag:s29] =	ssyncadd.s32 $0xFFFFFFFF  }
0xb6: {  	_ =	strace $0x90000048  }
0xb7: {  	_ =	sfence  }
0xb8: {  	s30 =	sld [smem:$0x0];
	_ =	sdelay $0x2  }
0xb9: {  	s31 =	sshll.u32 s1, $0xD;
	s1 =	sshrl.u32 s1, $0x2  }
0xba: {  	s3 =	sand.u32 $0x4000, s31;
	s1 =	sadd.s32 s1, s30  }
0xbb: {  	s0 =	sor.u32 s3, s0;
	s1 =	sshll.u32 s1, $0x11  }
0xbc: {  	s0 =	sor.u32 s1, s0  }
0xbd: {  	s0 =	sadd.s32 $0x8F2B, s0  }
0xbe: {  	[sflag:s0] =	ssyncadd.remote.s32 $0x1  }
0xbf: {  	_ =	sfence.sel $0xFFFF  }
0xc0: {  	[dreg:$0x0] =	wrdreg $0xFFFFFFFF;
	(pc) =	sbr.abs _section_cstart, $3  }
0xc1: {  	[dreg:$0x1] =	wrdreg $0xFFFFFFFF  }
0xc2: {  	_ =	task.clear_ibuf [dreg:s6], $0x2FFFF;
	_ =	strace $0x9FFFFFFF  }
0xc3: {  	(tm) =	ssettm $0x7FFFFFFF  }
tec
execute0_lowered:
.L_overlay_start_1:
0x0: {  	(tag) =	ssettag $0x1  }
0x1: {  	s5 =	rddreg [dreg:$0x0]  }
0x2: {  	s1 =	rddreg [dreg:$0x1]  }
0x3: {  	s3 =	rddreg [dreg:$0x2]  }
0x4: {  	s0 =	srdreg.scid;
	s2 =	rddreg [dreg:$0x3];
	s4 =	simm.s32 $0x0  }
0x5: {  	s13 =	simm.s32 $0x2;
	s14 =	simm.s32 $0x7BC0;
	s15 =	simm.s32 $0x5320  }
0x6: {  	s16 =	simm.s32 $0x50;
	s17 =	simm.s32 $0x4E20;
	s6 =	sand.u32 $0x1, s0  }
0x7: {  	s18 =	simm.s32 $0x1;
	s0 =	stileid.u32;
	s7 =	smul.u32 $0x4E200, s6  }
0x8: {  	[smem:$0x7FF] =	sst s4;
	s8 =	sshll.u32 s0, $0x1;
	s9 =	smul.u32 $0x2710, s0  }
0x9: {  	_ =	strace $0x80000047;
	s12 =	smul.u32 $0x9C40, s0;
	s8 =	sor.u32 s6, s8  }
0xa: {  	s6 =	ssub.s32 $0x2, s6;
	s8 =	smul.u32 $0x4E2, s8;
	s7 =	sadd.s32 s9, s7  }
0xb: {  	s31 =	sshrl.u32 s6, $0x1;
	s19 =	sadd.s32 s9, s1;
	s20 =	sadd.s32 s9, s3  }
0xc: {  	s12 =	sshrl.u32 s12, $0x2;
	s7 =	sshrl.u32 s7, $0x3;
	s11 =	ssub.s32 s6, s31  }
0xd: {  	s19 =	sshrl.u32 s19, $0x3;
	s20 =	sshrl.u32 s20, $0x3;
	s8 =	sadd.s32 s8, s5  }
0xe: {  	s10 =	sadd.s32 s7, s5;
	s9 =	smax.u32 s11, $0x1;
	s11 =	sadd.s32 s12, s3  }
0xf: {  	s5 =	sadd.s32 $0xB600, s8;
	s6 =	sadd.s32 $0x1800, s8;
	s7 =	sadd.s32 $0x15400, s10  }
0x10: {  	v0 =	vimm.f32 $1.000000000e+00;
	v1 =	vimm.f32 $0.0e+00;
	s8 =	sadd.s32 $0x1A220, s10;
	s10 =	sadd.s32 s12, s1;
	s12 =	simm.s32 $0x54B0  }
.LBB2_1:
0x11: {  	s21 =	simm.s32 $0x40;
	s22 =	simm.s32 $0x0  }
.LBB2_2:
0x12: {  	p0 =	sne.s32 s21, $0x13C0;
	[tilespmem:s22+$0x4E20] =	vst v0;
	s22 =	smov.u32 s21;
	s21 =	sadd.s32 $0x40, s21  }
.Ltmp0:
0x13: {  	(pc) =	sbr.rel @p0 .LBB2_2-.Ltmp0, $2  }
0x14: {  	_ =	sdelay $0x2  }
0x15: {  	s22 =	sshra.s32 s22, $0x2  }
0x16: {  	[tilespmem:s22+$0x4E20] =	vst v0  }
0x17: {  	[tilespmem:$0x5320] =	vst v1  }
0x18: {  	[tilespmem:$0x5330] =	vst v1  }
0x19: {  	[tilespmem:$0x5340] =	vst v1  }
0x1a: {  	[tilespmem:$0x5350] =	vst v1  }
0x1b: {  	[tilespmem:$0x5360] =	vst v1  }
0x1c: {  	[tilespmem:$0x5370] =	vst v1  }
0x1d: {  	[tilespmem:$0x5380] =	vst v1  }
0x1e: {  	[tilespmem:$0x5390] =	vst v1  }
0x1f: {  	[tilespmem:$0x53A0] =	vst v1  }
0x20: {  	[tilespmem:$0x53B0] =	vst v1  }
0x21: {  	[tilespmem:$0x53C0] =	vst v1  }
0x22: {  	[tilespmem:$0x53D0] =	vst v1  }
0x23: {  	[tilespmem:$0x53E0] =	vst v1  }
0x24: {  	[tilespmem:$0x53F0] =	vst v1  }
0x25: {  	[tilespmem:$0x5400] =	vst v1  }
0x26: {  	[tilespmem:$0x5410] =	vst v1  }
0x27: {  	[tilespmem:$0x5420] =	vst v1  }
0x28: {  	[tilespmem:$0x5430] =	vst v1  }
0x29: {  	[tilespmem:$0x5440] =	vst v1  }
0x2a: {  	[tilespmem:$0x5450] =	vst v1  }
0x2b: {  	[tilespmem:$0x5460] =	vst v1  }
0x2c: {  	[tilespmem:$0x5470] =	vst v1  }
0x2d: {  	[tilespmem:$0x5480] =	vst v1  }
0x2e: {  	[tilespmem:$0x5490] =	vst v1  }
0x2f: {  	s21 =	simm.s32 $0x0;
	[tilespmem:$0x54A0] =	vst v1  }
0x30: {  	[tilespmem:s12], [sflag:$0x2] =	stream.linear.gather [hbm4b:s5+s21], $0x2710, $0x38;
	[tilespmem:$0xA2D0] =	vst v63  }
0x31: {  	_ =	swait.ge [sflag:s13], $0x2710  }
0x32: {  	[sflag:s13] =	ssyncset.done $0x0  }
0x33: {  	[sflag:s13] =	ssyncadd.s32 $0xFFFFD8F0  }
0x34: {  	[tilespmem:s14], [sflag:$0x2] =	stream.linear.gather [hbm4b:s6+s21], $0x2710, $0x38;
	[tilespmem:$0xA2D0] =	vst v63  }
0x35: {  	_ =	swait.ge [sflag:s13], $0x2710  }
0x36: {  	[sflag:s13] =	ssyncset.done $0x0  }
0x37: {  	s30 =	sadd.s32 $0x0, s10;
	[sflag:s13] =	ssyncadd.s32 $0xFFFFD8F0  }
0x38: {  	[spmem:s30] =	stream.linear.scatter [tilespmem:s15], [sflag:$0x2], $0x190, $0x38;
	[tilespmem:$0xA2D0] =	vst v63  }
0x39: {  	_ =	swait.ge [sflag:s13], $0x190  }
0x3a: {  	[sflag:s13] =	ssyncset.done $0x0  }
0x3b: {  	s31 =	sadd.s32 $0x0, s11;
	[sflag:s13] =	ssyncadd.s32 $0xFFFFFE70  }
0x3c: {  	[spmem:s31] =	stream.linear.scatter [tilespmem:s15], [sflag:$0x2], $0x190, $0x38;
	[tilespmem:$0xA2D0] =	vst v63  }
0x3d: {  	_ =	swait.ge [sflag:s13], $0x190  }
0x3e: {  	s22 =	simm.s32 $0xC80;
	s21 =	simm.s32 $0x190;
	[sflag:s13] =	ssyncset.done $0x0  }
.LBB2_4:
0x3f: {  	s23 =	sadd.s32 s21, s10  }
0x40: {  	[sflag:s13] =	ssyncadd.s32 $0xFFFFFE70;
	s24 =	smov.u32 s22;
	s25 =	sadd.s32 $0x640, s22  }
0x41: {  	[spmem:s23] =	stream.linear.scatter [tilespmem:s15], [sflag:$0x2], $0x190, $0x38;
	[tilespmem:$0xA2D0] =	vst v63  }
0x42: {  	p0 =	sne.s32 s22, $0x9600;
	_ =	swait.ge [sflag:s13], $0x190  }
.Ltmp1:
0x43: {  	[sflag:s13] =	ssyncset.done $0x0;
	(pc) =	sbr.rel @p0 .LBB2_4-.Ltmp1, $4  }
0x44: {  	s21 =	sadd.s32 s21, s11;
	[sflag:s13] =	ssyncadd.s32 $0xFFFFFE70  }
0x45: {  	[spmem:s21] =	stream.linear.scatter [tilespmem:s15], [sflag:$0x2], $0x190, $0x38;
	[tilespmem:$0xA2D0] =	vst v63  }
0x46: {  	_ =	swait.ge [sflag:s13], $0x190  }
0x47: {  	s22 =	smov.u32 s25;
	s21 =	sshra.s32 s24, $0x2;
	[sflag:s13] =	ssyncset.done $0x0  }
0x48: {  	s22 =	sadd.s32 s21, s10;
	[sflag:s13] =	ssyncadd.s32 $0xFFFFFE70  }
0x49: {  	[spmem:s22] =	stream.linear.scatter [tilespmem:s15], [sflag:$0x2], $0x190, $0x38;
	[tilespmem:$0xA2D0] =	vst v63  }
0x4a: {  	_ =	swait.ge [sflag:s13], $0x190  }
0x4b: {  	[sflag:s13] =	ssyncset.done $0x0  }
0x4c: {  	s30 =	sadd.s32 s21, s11;
	[sflag:s13] =	ssyncadd.s32 $0xFFFFFE70  }
0x4d: {  	[spmem:s30] =	stream.linear.scatter [tilespmem:s15], [sflag:$0x2], $0x190, $0x38;
	[tilespmem:$0xA2D0] =	vst v63  }
0x4e: {  	_ =	swait.ge [sflag:s13], $0x190  }
0x4f: {  	[sflag:s13] =	ssyncset.done $0x0  }
0x50: {  	s31 =	simm.s32 $0x54B0;
	[sflag:s13] =	ssyncadd.s32 $0xFFFFFE70  }
0x51: {  	s21 =	simm.s32 $0x140;
	s22 =	simm.s32 $0x7BC0;
	[bflag:$0x0] =	sbarrier.arrive $0xFFFF  }
0x52: {  	[spmem:s1] =	stream.indirect.scatter.add.f32 [tilespmem:s17], [sflag:$0x1], $0x10, s31, s16, $0xb8;
	[tilespmem:$0xA2D0] =	vst v63  }
.LBB2_6:
0x53: {  	[spmem:s3] =	stream.indirect.scatter.add.f32 [tilespmem:s17], [sflag:$0x1], $0x10, s22, s16, $0xb8;
	[tilespmem:$0xA2D0] =	vst v63  }
0x54: {  	s22 =	smov.u32 s21;
	p0 =	sne.s32 s21, $0x9B00  }
.Ltmp2:
0x55: {  	s21 =	sadd.s32 $0x140, s21;
	(pc) =	sbr.rel @p0 .LBB2_6-.Ltmp2, $4  }
0x56: {  	s22 =	sshra.s32 s22, $0x2  }
0x57: {  	s23 =	sadd.s32 $0x54B0, s22  }
0x58: {  	[spmem:s1] =	stream.indirect.scatter.add.f32 [tilespmem:s17], [sflag:$0x1], $0x10, s23, s16, $0xb8;
	[tilespmem:$0xA2D0] =	vst v63  }
0x59: {  	s22 =	sadd.s32 $0x7BC0, s22  }
0x5a: {  	[spmem:s3] =	stream.indirect.scatter.add.f32 [tilespmem:s17], [sflag:$0x1], $0x10, s22, s16, $0xb8;
	[tilespmem:$0xA2D0] =	vst v63  }
0x5b: {  	_ =	swait.ge [sflag:s18], $0x500  }
0x5c: {  	s21 =	simm.s32 $0xF9;
	[sflag:s18] =	ssyncset.done $0x0  }
.LBB2_8:
0x5d: {  	p0 =	sne.s32 s21, $0x1;
	s21 =	sadd.s32 $0xFFFFFFFF, s21;
	[sflag:s18] =	ssyncadd.s32 $0xFFFFFB00  }
.Ltmp3:
0x5e: {  	(pc) =	sbr.rel @p0 .LBB2_8-.Ltmp3, $3  }
0x5f: {  	_ =	sdelay $0x1  }
0x60: {  	_ =	swait.ge [sflag:s18], $0x500  }
0x61: {  	[sflag:s18] =	ssyncset.done $0x0  }
0x62: {  	[sflag:s18] =	ssyncadd.s32 $0xFFFFFB00;
	s21 =	sshll.u32 s0, $0x6  }
0x63: {  	[bflag:$0x0] =	sbarrier.arrive $0xFFFF;
	s21 =	sor.u32 $0x1C02, s21  }
0x64: {  	[hbm:s7], [sflag:s21] =	dma.local [spmem:s19], $0x4E2  }
0x65: {  	s4 =	sadd.s32 $0x1, s4;
	_ =	swait.ge [sflag:s13], $0x4E2  }
0x66: {  	p0 =	sne.s32 s4, s9;
	[sflag:s13] =	ssyncset.done $0x0  }
.Ltmp4:
0x67: {  	[sflag:s13] =	ssyncadd.s32 $0xFFFFFB1E;
	(pc) =	sbr.rel @p0 .LBB2_1-.Ltmp4, $4  }
0x68: {  	[hbm:s8], [sflag:s21] =	dma.local [spmem:s20], $0x4E2  }
0x69: {  	_ =	swait.ge [sflag:s13], $0x4E2  }
0x6a: {  	[sflag:s13] =	ssyncset.done $0x0  }
0x6b: {  	[sflag:s13] =	ssyncadd.s32 $0xFFFFFB1E  }
0x6c: {  	_ =	sfence.sel $0x180000  }
0x6d: {  	[bflag:$0x0] =	sbarrier.arrive $0xFFFF  }
0x6e: {  	p0 =	sne.s32 s0, $0x0;
	_ =	strace $0x90000047  }
0x6f: {  	s0 =	sadd.s32 @!p0 $0x100000, s2;
	[bflag:$0x2] =	sbarrier.arrive $0xFFFF  }
0x70: {  	[sflag:s0] =	ssyncadd.tile.s32 @!p0 $0x1;
	_ =	shalt  }
.Lfunc_end2:
_tile_overlayer_lowered:
.L_overlay_start_2:
0x71: {  	(tag) =	ssettag $0x2  }
0x72: {  	s0 =	rddreg [dreg:$0x0];
	s2 =	stileid.u32  }
0x73: {  	s1 =	rddreg [dreg:$0x1];
	p0 =	sne.s32 s2, $0x0  }
0x74: {  	s3 =	rddreg [dreg:$0x2];
	[bflag:$0x3] =	sbarrier.arrive $0xFFFF;
	s2 =	simm.s32 @!p0 $0x1C02  }
0x75: {  	[timem:s3], [sflag:s2] =	dma.local @!p0 [hbm:s0], s1  }
0x76: {  	s0 =	simm.s32 @!p0 $0x2  }
0x77: {  	_ =	swait.ge @!p0 [sflag:s0], s1  }
0x78: {  	s1 =	ssub.s32 @!p0 $0x0, s1;
	[sflag:s0] =	ssyncset.done @!p0 $0x0  }
0x79: {  	[sflag:s0] =	ssyncadd.s32 @!p0 s1  }
0x7a: {  	[bflag:$0x3] =	sbarrier.arrive $0xFFFF  }
0x7b: {  	_ =	shalt  }

</sc_bundles>
